<compile_context>
chip_gen: v7x
topology: tpu7x:2x2x1
jax: 0.10.2.dev20260603
libtpu: 0.0.44.dev20260713+nightly
codegen_flags: <defaults>
</compile_context>

<pallas_src>
import jax
import jax.numpy as jnp
from jax import lax
from jax.experimental import pallas as pl
from jax.experimental.pallas import tpu as pltpu
from jax.experimental.pallas import tpu_sc as plsc

N = 10000
D = 128
E = 320000

NC = 2
NS = 16
NW = NC * NS
CH = 128
TCH = 2504
EP = TCH * CH
B0 = 40
CPT = 2 * B0
LAST = TCH - (NW - 1) * CPT
NPA = 10240
RPT = NPA // NS

_MESH = dict(core_axis_name="c", subcore_axis_name="s",
             num_cores=NC, num_subcores=NS)


def _wid_base(c, s):
    wid = c * NS + s
    return wid, wid * CPT


def _deg_body(er, out, colv, degv):
    c = lax.axis_index("c")
    s = lax.axis_index("s")
    wid, base = _wid_base(c, s)

    def z(i, _):
        degv[pl.ds(i * 16, 16)] = jnp.zeros((16,), jnp.float32)
        return 0
    lax.fori_loop(0, NPA // 16, z, 0)

    ones16 = jnp.full((16,), 1.0, jnp.float32)

    def count_block(b0, nchunks):
        pltpu.sync_copy(er.at[1, pl.ds(b0, nchunks)], colv.at[pl.ds(0, nchunks)])

        def body(j, _):
            for k in range(CH // 16):
                idx = colv[j, pl.ds(k * 16, 16)]
                plsc.addupdate_scatter(degv, [idx], ones16)
            return 0
        lax.fori_loop(0, nchunks, body, 0)

    @pl.when(wid < NW - 1)
    def _():
        count_block(base, B0)
        count_block(base + B0, B0)

    @pl.when(wid == NW - 1)
    def _():
        count_block(base, LAST)

    pltpu.sync_copy(degv, out.at[wid])


def _sc_degree(er):
    return pl.kernel(
        _deg_body,
        out_type=jax.ShapeDtypeStruct((NW, NPA), jnp.float32),
        mesh=plsc.VectorSubcoreMesh(**_MESH),
        scratch_types=[
            pltpu.VMEM((B0, CH), jnp.int32),
            pltpu.VMEM((NPA,), jnp.float32),
        ],
        compiler_params=pltpu.CompilerParams(needs_layout_passes=False),
    )(er)


def _agg_body(g, er, out, rowb, colb, buf0, buf1, accsp, sem0, sem1):
    c = lax.axis_index("c")
    s = lax.axis_index("s")
    wid, base = _wid_base(c, s)

    def fill(i, _):
        for k in range(8):
            buf0[i, pl.ds(k * 16, 16)] = jnp.zeros((16,), jnp.float32)
        return 0
    lax.fori_loop(0, CH, fill, 0)
    for r in range(RPT // CH):
        pltpu.sync_copy(buf0, accsp.at[pl.ds(s * RPT + r * CH, CH)])
    plsc.subcore_barrier()

    def run_block(b0, nchunks):
        ia = pltpu.async_copy(er.at[0, pl.ds(b0, nchunks)],
                              rowb.at[pl.ds(0, nchunks)], sem0)
        ib = pltpu.async_copy(er.at[1, pl.ds(b0, nchunks)],
                              colb.at[pl.ds(0, nchunks)], sem1)
        ia.wait()
        ib.wait()

        pltpu.async_copy(g.at[rowb.at[0]], buf0, sem0)
        pltpu.async_copy(g.at[rowb.at[1]], buf1, sem1)

        def body(i, _):
            j0 = 2 * i
            pltpu.make_async_copy(g.at[rowb.at[j0]], buf0, sem0).wait()
            pltpu.sync_copy(buf0, accsp.at[colb.at[j0]], add=True)
            pltpu.async_copy(g.at[rowb.at[j0 + 2]], buf0, sem0)
            pltpu.make_async_copy(g.at[rowb.at[j0 + 1]], buf1, sem1).wait()
            pltpu.sync_copy(buf1, accsp.at[colb.at[j0 + 1]], add=True)
            pltpu.async_copy(g.at[rowb.at[j0 + 3]], buf1, sem1)
            return 0
        lax.fori_loop(0, nchunks // 2 - 1, body, 0)

        pltpu.make_async_copy(g.at[rowb.at[nchunks - 2]], buf0, sem0).wait()
        pltpu.sync_copy(buf0, accsp.at[colb.at[nchunks - 2]], add=True)
        pltpu.make_async_copy(g.at[rowb.at[nchunks - 1]], buf1, sem1).wait()
        pltpu.sync_copy(buf1, accsp.at[colb.at[nchunks - 1]], add=True)

    @pl.when(wid < NW - 1)
    def _():
        run_block(base, B0)
        run_block(base + B0, B0)

    @pl.when(wid == NW - 1)
    def _():
        run_block(base, LAST)

    plsc.subcore_barrier()
    pltpu.sync_copy(accsp.at[pl.ds(s * RPT, RPT)], out.at[c, pl.ds(s * RPT, RPT)])


def _sc_aggregate(g, er):
    return pl.kernel(
        _agg_body,
        out_type=jax.ShapeDtypeStruct((NC, NPA, D), jnp.float32),
        mesh=plsc.VectorSubcoreMesh(**_MESH),
        scratch_types=[
            pltpu.VMEM((B0, CH), jnp.int32),
            pltpu.VMEM((B0, CH), jnp.int32),
            pltpu.VMEM((CH, D), jnp.float32),
            pltpu.VMEM((CH, D), jnp.float32),
            pltpu.VMEM_SHARED((NPA, D), jnp.float32),
            pltpu.SemaphoreType.DMA,
            pltpu.SemaphoreType.DMA,
        ],
    )(g, er)


_R = 1000


def _dis_of(deg_ref):
    deg = 1.0 + jnp.sum(deg_ref[...], axis=1, keepdims=True)
    return lax.rsqrt(deg)


def _tc1_body(x_ref, w_ref, deg_ref, h_ref, g_ref):
    dis = _dis_of(deg_ref)
    h = jnp.dot(x_ref[...], w_ref[...], preferred_element_type=jnp.float32)
    h_ref[...] = h
    g_ref[...] = dis * h


def _tc_prep(x, W1, degp):
    return pl.pallas_call(
        _tc1_body,
        grid=(N // _R,),
        in_specs=[
            pl.BlockSpec((_R, D), lambda i: (i, 0)),
            pl.BlockSpec((D, D), lambda i: (0, 0)),
            pl.BlockSpec((_R, NW), lambda i: (i, 0)),
        ],
        out_specs=[
            pl.BlockSpec((_R, D), lambda i: (i, 0)),
            pl.BlockSpec((_R, D), lambda i: (i, 0)),
        ],
        out_shape=[
            jax.ShapeDtypeStruct((N, D), jnp.float32),
            jax.ShapeDtypeStruct((N, D), jnp.float32),
        ],
    )(x, W1, degp)


def _tc2_body(acc_ref, h_ref, deg_ref, b_ref, w_ref, h2_ref, g2_ref):
    a = acc_ref[0] + acc_ref[1]
    dis = _dis_of(deg_ref)
    pre = dis * a + dis * dis * h_ref[...] + b_ref[...]
    r = jnp.maximum(pre, 0.0)
    h2 = jnp.dot(r, w_ref[...], preferred_element_type=jnp.float32)
    h2_ref[...] = h2
    g2_ref[...] = dis * h2


def _tc_mid(acc1, h1, degp, b1, W2):
    return pl.pallas_call(
        _tc2_body,
        grid=(N // _R,),
        in_specs=[
            pl.BlockSpec((NC, _R, D), lambda i: (0, i, 0)),
            pl.BlockSpec((_R, D), lambda i: (i, 0)),
            pl.BlockSpec((_R, NW), lambda i: (i, 0)),
            pl.BlockSpec((1, D), lambda i: (0, 0)),
            pl.BlockSpec((D, D), lambda i: (0, 0)),
        ],
        out_specs=[
            pl.BlockSpec((_R, D), lambda i: (i, 0)),
            pl.BlockSpec((_R, D), lambda i: (i, 0)),
        ],
        out_shape=[
            jax.ShapeDtypeStruct((N, D), jnp.float32),
            jax.ShapeDtypeStruct((N, D), jnp.float32),
        ],
    )(acc1, h1, degp, b1, W2)


def _tc3_body(acc_ref, h_ref, deg_ref, b_ref, out_ref):
    a = acc_ref[0] + acc_ref[1]
    dis = _dis_of(deg_ref)
    out_ref[...] = dis * a + dis * dis * h_ref[...] + b_ref[...]


def _tc_final(acc2, h2, degp, b2):
    return pl.pallas_call(
        _tc3_body,
        grid=(N // _R,),
        in_specs=[
            pl.BlockSpec((NC, _R, D), lambda i: (0, i, 0)),
            pl.BlockSpec((_R, D), lambda i: (i, 0)),
            pl.BlockSpec((_R, NW), lambda i: (i, 0)),
            pl.BlockSpec((1, D), lambda i: (0, 0)),
        ],
        out_specs=pl.BlockSpec((_R, D), lambda i: (i, 0)),
        out_shape=jax.ShapeDtypeStruct((N, D), jnp.float32),
    )(acc2, h2, degp, b2)


def kernel(x, edge_index, W1, b1, W2, b2):
    k = jnp.arange(EP - E, dtype=jnp.int32)
    pad = jnp.stack([k % N, N + k % (NPA - N)])
    er = jnp.concatenate([edge_index, pad], axis=1).reshape(2, TCH, CH)
    b1r = b1.reshape(1, D)
    b2r = b2.reshape(1, D)

    degp = jnp.transpose(_sc_degree(er))
    h1, g1 = _tc_prep(x, W1, degp)
    acc1 = _sc_aggregate(g1, er)
    h2, g2 = _tc_mid(acc1, h1, degp, b1r, W2)
    acc2 = _sc_aggregate(g2, er)
    return _tc_final(acc2, h2, degp, b2r)

# --- scband reference (transcript-rebuilt; emitter-appended) ---
"""Pipeline reference for scband-gcn-20675972563377 (READ-ONLY COPY).

The authoritative reference and input builder live on the scoring server;
editing this copy changes nothing except your own understanding.
"""

import jax, jax.numpy as jnp
import numpy as np

N = 10000
E = 320000
D = 128


def setup_inputs(seed: int = 0) -> dict:
    key = jax.random.key(seed)
    k1, k2, k3, k4, k5, k6 = jax.random.split(key, 6)
    x = jax.random.normal(k1, (N, D), dtype=jnp.float32)
    edge_index = jax.random.randint(k2, (2, E), 0, N, dtype=jnp.int32)
    scale = 1.0 / np.sqrt(D)
    W1 = jax.random.normal(k3, (D, D), dtype=jnp.float32) * scale
    b1 = jnp.zeros((D,), dtype=jnp.float32)
    W2 = jax.random.normal(k4, (D, D), dtype=jnp.float32) * scale
    b2 = jnp.zeros((D,), dtype=jnp.float32)
    return {"x": x, "edge_index": edge_index, "W1": W1, "b1": b1, "W2": W2, "b2": b2}


def gcn_conv(x, edge_index, W, b):
    # PyG GCNConv: add self-loops, symmetric normalization, then aggregate at dst.
    n = x.shape[0]
    loops = jnp.arange(n, dtype=edge_index.dtype)
    row = jnp.concatenate([edge_index[0], loops])  # source
    col = jnp.concatenate([edge_index[1], loops])  # target (aggregation index)
    deg = jnp.zeros((n,), dtype=x.dtype).at[col].add(1.0)
    deg_inv_sqrt = jnp.where(deg > 0, 1.0 / jnp.sqrt(deg), 0.0)
    norm = deg_inv_sqrt[row] * deg_inv_sqrt[col]
    h = x @ W
    msg = h[row] * norm[:, None]
    out = jnp.zeros((n, W.shape[1]), dtype=x.dtype).at[col].add(msg)
    return out + b


def reference(x, edge_index, W1, b1, W2, b2):
    h = gcn_conv(x, edge_index, W1, b1)
    h = jax.nn.relu(h)
    # dropout p=0.0 -> identity
    out = gcn_conv(h, edge_index, W2, b2)
    return out

if __name__ == "__main__":
    import jax
    _d = setup_inputs()
    print(jax.jit(kernel)(*tuple(_d.values())))

</pallas_src>

<mosaic_0001>
#map = affine_map<(d0, d1) -> (0, 0, 0)>
#map1 = affine_map<(d0, d1) -> (0, 0)>
module attributes {stable_mosaic.version = 14 : i64} {
  func.func @_deg_body(%arg0: i32, %arg1: i32, %arg2: memref<2x2504x128xi32, #tpu.memory_space<hbm>>, %arg3: memref<32x10240xf32, #tpu.memory_space<hbm>>, %arg4: memref<40x128xi32, #tpu.memory_space<vmem>>, %arg5: memref<10240xf32, #tpu.memory_space<vmem>>) attributes {dimension_semantics = [#tpu.dimension_semantics<core_parallel>, #tpu.dimension_semantics<subcore_parallel>], iteration_bounds = array<i64: 2, 16>, scalar_prefetch = 0 : i64, scratch_operands = 2 : i64, tpu.core_type = #tpu.core_type<sc_vector_subcore>, window_params = [{transform_indices = #map}, {transform_indices = #map1}]} {
    %mul3A = arith.constant 16 : i32
    %mul3A_0 = arith.muli %arg0, %mul3A : i32
    %add3A = arith.addi %mul3A_0, %arg1 : i32
    %mul3A_1 = arith.constant 80 : i32
    %mul3A_2 = arith.muli %add3A, %mul3A_1 : i32
    %scan3A = arith.constant 0 : i32
    %scan3A_3 = arith.constant 0 : i32
    %scan3A_4 = arith.constant 640 : i32
    %scan3A_5 = arith.addi %scan3A_3, %scan3A_4 : i32
    %scan3A_6 = arith.constant 1 : i32
    %scan3A_7 = scf.for %scan3A_16 = %scan3A_3 to %scan3A_5 step %scan3A_6 iter_args(%scan3A_17 = %scan3A) -> (i32)  : i32 {
      %broadcast_in_dim3A_18 = arith.constant 0.000000e+00 : f32
      %broadcast_in_dim3A_19 = vector.broadcast %broadcast_in_dim3A_18 : f32 to vector<16xf32>
      %mul3A_20 = arith.constant 16 : i32
      %mul3A_21 = arith.muli %scan3A_16, %mul3A_20 : i32
      %swap3A = arith.index_cast %mul3A_21 : i32 to index
      %swap3A_22 = tpu.vector_load %arg5[%swap3A] {strides = array<i32>} : memref<10240xf32, #tpu.memory_space<vmem>>, vector<16xf32>,
      tpu.vector_store %arg5[%swap3A], %broadcast_in_dim3A_19 {strides = array<i32>} : memref<10240xf32, #tpu.memory_space<vmem>>, vector<16xf32>,
      %scan3A_23 = arith.constant 0 : i32
      scf.yield %scan3A_23 : i32
    }
    %scan3A_8 = arith.constant 640 : i32
    %broadcast_in_dim3A = arith.constant 1.000000e+00 : f32
    %broadcast_in_dim3A_9 = vector.broadcast %broadcast_in_dim3A : f32 to vector<16xf32>
    %lt3A = arith.constant 31 : i32
    %lt3A_10 = arith.cmpi slt, %add3A, %lt3A : i32
    %convert_element_type3A = arith.extui %lt3A_10 : i1 to i32
    %cond3A = arith.constant 0 : i32
    %cond3A_11 = arith.cmpi ne, %convert_element_type3A, %cond3A : i32
    scf.if %cond3A_11 {
      %run_scoped3A = arith.constant 1 : i32
      "tpu.region"() ({
        %run_scoped3A_33 = tpu.sem_alloc : memref<!tpu.dma_semaphore, #tpu.memory_space<semaphore_mem>>
        %dma_start3A = arith.constant 0 : i32
        %dma_start3A_34 = arith.constant 0 : i32
        %dma_start3A_35 = tpu.memref_slice %arg4[%dma_start3A, %dma_start3A_34] : memref<40x128xi32, #tpu.memory_space<vmem>> -> memref<40x128xi32, #tpu.memory_space<vmem>>
        %dma_start3A_36 = arith.constant 0 : i32
        %dma_start3A_37 = tpu.memref_slice %arg2[%run_scoped3A, %mul3A_2, %dma_start3A_36] : memref<2x2504x128xi32, #tpu.memory_space<hbm>> -> memref<1x40x128xi32, #tpu.memory_space<hbm>>
        %dma_start3A_38 = tpu.memref_squeeze %dma_start3A_37 : memref<1x40x128xi32, #tpu.memory_space<hbm>> -> memref<40x128xi32, #tpu.memory_space<hbm>>
        %dma_start3A_39 = arith.constant 0 : i32
        %dma_start3A_40 = arith.constant 0 : i32
        %dma_start3A_41 = tpu.memref_slice %arg4[%dma_start3A_39, %dma_start3A_40] : memref<40x128xi32, #tpu.memory_space<vmem>> -> memref<40x128xi32, #tpu.memory_space<vmem>>
        %dma_start3A_42 = arith.constant 0 : i32
        %dma_start3A_43 = tpu.memref_slice %arg2[%run_scoped3A, %mul3A_2, %dma_start3A_42] : memref<2x2504x128xi32, #tpu.memory_space<hbm>> -> memref<1x40x128xi32, #tpu.memory_space<hbm>>
        %dma_start3A_44 = tpu.memref_squeeze %dma_start3A_43 : memref<1x40x128xi32, #tpu.memory_space<hbm>> -> memref<40x128xi32, #tpu.memory_space<hbm>>
        tpu.enqueue_dma source(%dma_start3A_44 : memref<40x128xi32, #tpu.memory_space<hbm>>) target(%dma_start3A_41 : memref<40x128xi32, #tpu.memory_space<vmem>>) target_semaphore(%run_scoped3A_33 : memref<!tpu.dma_semaphore, #tpu.memory_space<semaphore_mem>>)
        %dma_wait3A = arith.constant 0 : i32
        %dma_wait3A_45 = arith.constant 0 : i32
        %dma_wait3A_46 = tpu.memref_slice %arg4[%dma_wait3A, %dma_wait3A_45] : memref<40x128xi32, #tpu.memory_space<vmem>> -> memref<40x128xi32, #tpu.memory_space<vmem>>
        %dma_wait3A_47 = arith.constant 0 : i32
        %dma_wait3A_48 = tpu.memref_slice %arg2[%run_scoped3A, %mul3A_2, %dma_wait3A_47] : memref<2x2504x128xi32, #tpu.memory_space<hbm>> -> memref<1x40x128xi32, #tpu.memory_space<hbm>>
        %dma_wait3A_49 = tpu.memref_squeeze %dma_wait3A_48 : memref<1x40x128xi32, #tpu.memory_space<hbm>> -> memref<40x128xi32, #tpu.memory_space<hbm>>
        %dma_wait3A_50 = arith.constant 0 : i32
        %dma_wait3A_51 = arith.constant 0 : i32
        %dma_wait3A_52 = tpu.memref_slice %arg4[%dma_wait3A_50, %dma_wait3A_51] : memref<40x128xi32, #tpu.memory_space<vmem>> -> memref<40x128xi32, #tpu.memory_space<vmem>>
        %dma_wait3A_53 = arith.constant 0 : i32
        %dma_wait3A_54 = tpu.memref_slice %arg2[%run_scoped3A, %mul3A_2, %dma_wait3A_53] : memref<2x2504x128xi32, #tpu.memory_space<hbm>> -> memref<1x40x128xi32, #tpu.memory_space<hbm>>
        %dma_wait3A_55 = tpu.memref_squeeze %dma_wait3A_54 : memref<1x40x128xi32, #tpu.memory_space<hbm>> -> memref<40x128xi32, #tpu.memory_space<hbm>>
        tpu.wait_dma2 semaphore(%run_scoped3A_33 : memref<!tpu.dma_semaphore, #tpu.memory_space<semaphore_mem>>) src(%dma_wait3A_55 : memref<40x128xi32, #tpu.memory_space<hbm>>) dst(%dma_wait3A_52 : memref<40x128xi32, #tpu.memory_space<vmem>>)
        tpu.yield
      }) : () -> ()
      %scan3A_16 = arith.constant 0 : i32
      %scan3A_17 = arith.constant 0 : i32
      %scan3A_18 = arith.constant 40 : i32
      %scan3A_19 = arith.addi %scan3A_17, %scan3A_18 : i32
      %scan3A_20 = arith.constant 1 : i32
      %scan3A_21 = scf.for %scan3A_33 = %scan3A_17 to %scan3A_19 step %scan3A_20 iter_args(%scan3A_34 = %scan3A_16) -> (i32)  : i32 {
        %get3A = arith.index_cast %scan3A_33 : i32 to index
        %get3A_35 = arith.constant 0 : index
        %get3A_36 = tpu.vector_load %arg4[%get3A, %get3A_35] {strides = array<i32>} : memref<40x128xi32, #tpu.memory_space<vmem>>, vector<16xi32>,
        tpu.vector_store_idx %arg5[%get3A_36], %broadcast_in_dim3A_9 {add = true} : memref<10240xf32, #tpu.memory_space<vmem>>[vector<16xi32>], vector<16xf32>,
        %get3A_37 = arith.index_cast %scan3A_33 : i32 to index
        %get3A_38 = arith.constant 16 : index
        %get3A_39 = tpu.vector_load %arg4[%get3A_37, %get3A_38] {strides = array<i32>} : memref<40x128xi32, #tpu.memory_space<vmem>>, vector<16xi32>,
        tpu.vector_store_idx %arg5[%get3A_39], %broadcast_in_dim3A_9 {add = true} : memref<10240xf32, #tpu.memory_space<vmem>>[vector<16xi32>], vector<16xf32>,
        %get3A_40 = arith.index_cast %scan3A_33 : i32 to index
        %get3A_41 = arith.constant 32 : index
        %get3A_42 = tpu.vector_load %arg4[%get3A_40, %get3A_41] {strides = array<i32>} : memref<40x128xi32, #tpu.memory_space<vmem>>, vector<16xi32>,
        tpu.vector_store_idx %arg5[%get3A_42], %broadcast_in_dim3A_9 {add = true} : memref<10240xf32, #tpu.memory_space<vmem>>[vector<16xi32>], vector<16xf32>,
        %get3A_43 = arith.index_cast %scan3A_33 : i32 to index
        %get3A_44 = arith.constant 48 : index
        %get3A_45 = tpu.vector_load %arg4[%get3A_43, %get3A_44] {strides = array<i32>} : memref<40x128xi32, #tpu.memory_space<vmem>>, vector<16xi32>,
        tpu.vector_store_idx %arg5[%get3A_45], %broadcast_in_dim3A_9 {add = true} : memref<10240xf32, #tpu.memory_space<vmem>>[vector<16xi32>], vector<16xf32>,
        %get3A_46 = arith.index_cast %scan3A_33 : i32 to index
        %get3A_47 = arith.constant 64 : index
        %get3A_48 = tpu.vector_load %arg4[%get3A_46, %get3A_47] {strides = array<i32>} : memref<40x128xi32, #tpu.memory_space<vmem>>, vector<16xi32>,
        tpu.vector_store_idx %arg5[%get3A_48], %broadcast_in_dim3A_9 {add = true} : memref<10240xf32, #tpu.memory_space<vmem>>[vector<16xi32>], vector<16xf32>,
        %get3A_49 = arith.index_cast %scan3A_33 : i32 to index
        %get3A_50 = arith.constant 80 : index
        %get3A_51 = tpu.vector_load %arg4[%get3A_49, %get3A_50] {strides = array<i32>} : memref<40x128xi32, #tpu.memory_space<vmem>>, vector<16xi32>,
        tpu.vector_store_idx %arg5[%get3A_51], %broadcast_in_dim3A_9 {add = true} : memref<10240xf32, #tpu.memory_space<vmem>>[vector<16xi32>], vector<16xf32>,
        %get3A_52 = arith.index_cast %scan3A_33 : i32 to index
        %get3A_53 = arith.constant 96 : index
        %get3A_54 = tpu.vector_load %arg4[%get3A_52, %get3A_53] {strides = array<i32>} : memref<40x128xi32, #tpu.memory_space<vmem>>, vector<16xi32>,
        tpu.vector_store_idx %arg5[%get3A_54], %broadcast_in_dim3A_9 {add = true} : memref<10240xf32, #tpu.memory_space<vmem>>[vector<16xi32>], vector<16xf32>,
        %get3A_55 = arith.index_cast %scan3A_33 : i32 to index
        %get3A_56 = arith.constant 112 : index
        %get3A_57 = tpu.vector_load %arg4[%get3A_55, %get3A_56] {strides = array<i32>} : memref<40x128xi32, #tpu.memory_space<vmem>>, vector<16xi32>,
        tpu.vector_store_idx %arg5[%get3A_57], %broadcast_in_dim3A_9 {add = true} : memref<10240xf32, #tpu.memory_space<vmem>>[vector<16xi32>], vector<16xf32>,
        %scan3A_58 = arith.constant 0 : i32
        scf.yield %scan3A_58 : i32
      }
      %scan3A_22 = arith.constant 40 : i32
      %add3A_23 = arith.constant 40 : i32
      %add3A_24 = arith.addi %mul3A_2, %add3A_23 : i32
      %run_scoped3A_25 = arith.constant 1 : i32
      "tpu.region"() ({
        %run_scoped3A_33 = tpu.sem_alloc : memref<!tpu.dma_semaphore, #tpu.memory_space<semaphore_mem>>
        %dma_start3A = arith.constant 0 : i32
        %dma_start3A_34 = arith.constant 0 : i32
        %dma_start3A_35 = tpu.memref_slice %arg4[%dma_start3A, %dma_start3A_34] : memref<40x128xi32, #tpu.memory_space<vmem>> -> memref<40x128xi32, #tpu.memory_space<vmem>>
        %dma_start3A_36 = arith.constant 0 : i32
        %dma_start3A_37 = tpu.memref_slice %arg2[%run_scoped3A_25, %add3A_24, %dma_start3A_36] : memref<2x2504x128xi32, #tpu.memory_space<hbm>> -> memref<1x40x128xi32, #tpu.memory_space<hbm>>
        %dma_start3A_38 = tpu.memref_squeeze %dma_start3A_37 : memref<1x40x128xi32, #tpu.memory_space<hbm>> -> memref<40x128xi32, #tpu.memory_space<hbm>>
        %dma_start3A_39 = arith.constant 0 : i32
        %dma_start3A_40 = arith.constant 0 : i32
        %dma_start3A_41 = tpu.memref_slice %arg4[%dma_start3A_39, %dma_start3A_40] : memref<40x128xi32, #tpu.memory_space<vmem>> -> memref<40x128xi32, #tpu.memory_space<vmem>>
        %dma_start3A_42 = arith.constant 0 : i32
        %dma_start3A_43 = tpu.memref_slice %arg2[%run_scoped3A_25, %add3A_24, %dma_start3A_42] : memref<2x2504x128xi32, #tpu.memory_space<hbm>> -> memref<1x40x128xi32, #tpu.memory_space<hbm>>
        %dma_start3A_44 = tpu.memref_squeeze %dma_start3A_43 : memref<1x40x128xi32, #tpu.memory_space<hbm>> -> memref<40x128xi32, #tpu.memory_space<hbm>>
        tpu.enqueue_dma source(%dma_start3A_44 : memref<40x128xi32, #tpu.memory_space<hbm>>) target(%dma_start3A_41 : memref<40x128xi32, #tpu.memory_space<vmem>>) target_semaphore(%run_scoped3A_33 : memref<!tpu.dma_semaphore, #tpu.memory_space<semaphore_mem>>)
        %dma_wait3A = arith.constant 0 : i32
        %dma_wait3A_45 = arith.constant 0 : i32
        %dma_wait3A_46 = tpu.memref_slice %arg4[%dma_wait3A, %dma_wait3A_45] : memref<40x128xi32, #tpu.memory_space<vmem>> -> memref<40x128xi32, #tpu.memory_space<vmem>>
        %dma_wait3A_47 = arith.constant 0 : i32
        %dma_wait3A_48 = tpu.memref_slice %arg2[%run_scoped3A_25, %add3A_24, %dma_wait3A_47] : memref<2x2504x128xi32, #tpu.memory_space<hbm>> -> memref<1x40x128xi32, #tpu.memory_space<hbm>>
        %dma_wait3A_49 = tpu.memref_squeeze %dma_wait3A_48 : memref<1x40x128xi32, #tpu.memory_space<hbm>> -> memref<40x128xi32, #tpu.memory_space<hbm>>
        %dma_wait3A_50 = arith.constant 0 : i32
        %dma_wait3A_51 = arith.constant 0 : i32
        %dma_wait3A_52 = tpu.memref_slice %arg4[%dma_wait3A_50, %dma_wait3A_51] : memref<40x128xi32, #tpu.memory_space<vmem>> -> memref<40x128xi32, #tpu.memory_space<vmem>>
        %dma_wait3A_53 = arith.constant 0 : i32
        %dma_wait3A_54 = tpu.memref_slice %arg2[%run_scoped3A_25, %add3A_24, %dma_wait3A_53] : memref<2x2504x128xi32, #tpu.memory_space<hbm>> -> memref<1x40x128xi32, #tpu.memory_space<hbm>>
        %dma_wait3A_55 = tpu.memref_squeeze %dma_wait3A_54 : memref<1x40x128xi32, #tpu.memory_space<hbm>> -> memref<40x128xi32, #tpu.memory_space<hbm>>
        tpu.wait_dma2 semaphore(%run_scoped3A_33 : memref<!tpu.dma_semaphore, #tpu.memory_space<semaphore_mem>>) src(%dma_wait3A_55 : memref<40x128xi32, #tpu.memory_space<hbm>>) dst(%dma_wait3A_52 : memref<40x128xi32, #tpu.memory_space<vmem>>)
        tpu.yield
      }) : () -> ()
      %scan3A_26 = arith.constant 0 : i32
      %scan3A_27 = arith.constant 0 : i32
      %scan3A_28 = arith.constant 40 : i32
      %scan3A_29 = arith.addi %scan3A_27, %scan3A_28 : i32
      %scan3A_30 = arith.constant 1 : i32
      %scan3A_31 = scf.for %scan3A_33 = %scan3A_27 to %scan3A_29 step %scan3A_30 iter_args(%scan3A_34 = %scan3A_26) -> (i32)  : i32 {
        %get3A = arith.index_cast %scan3A_33 : i32 to index
        %get3A_35 = arith.constant 0 : index
        %get3A_36 = tpu.vector_load %arg4[%get3A, %get3A_35] {strides = array<i32>} : memref<40x128xi32, #tpu.memory_space<vmem>>, vector<16xi32>,
        tpu.vector_store_idx %arg5[%get3A_36], %broadcast_in_dim3A_9 {add = true} : memref<10240xf32, #tpu.memory_space<vmem>>[vector<16xi32>], vector<16xf32>,
        %get3A_37 = arith.index_cast %scan3A_33 : i32 to index
        %get3A_38 = arith.constant 16 : index
        %get3A_39 = tpu.vector_load %arg4[%get3A_37, %get3A_38] {strides = array<i32>} : memref<40x128xi32, #tpu.memory_space<vmem>>, vector<16xi32>,
        tpu.vector_store_idx %arg5[%get3A_39], %broadcast_in_dim3A_9 {add = true} : memref<10240xf32, #tpu.memory_space<vmem>>[vector<16xi32>], vector<16xf32>,
        %get3A_40 = arith.index_cast %scan3A_33 : i32 to index
        %get3A_41 = arith.constant 32 : index
        %get3A_42 = tpu.vector_load %arg4[%get3A_40, %get3A_41] {strides = array<i32>} : memref<40x128xi32, #tpu.memory_space<vmem>>, vector<16xi32>,
        tpu.vector_store_idx %arg5[%get3A_42], %broadcast_in_dim3A_9 {add = true} : memref<10240xf32, #tpu.memory_space<vmem>>[vector<16xi32>], vector<16xf32>,
        %get3A_43 = arith.index_cast %scan3A_33 : i32 to index
        %get3A_44 = arith.constant 48 : index
        %get3A_45 = tpu.vector_load %arg4[%get3A_43, %get3A_44] {strides = array<i32>} : memref<40x128xi32, #tpu.memory_space<vmem>>, vector<16xi32>,
        tpu.vector_store_idx %arg5[%get3A_45], %broadcast_in_dim3A_9 {add = true} : memref<10240xf32, #tpu.memory_space<vmem>>[vector<16xi32>], vector<16xf32>,
        %get3A_46 = arith.index_cast %scan3A_33 : i32 to index
        %get3A_47 = arith.constant 64 : index
        %get3A_48 = tpu.vector_load %arg4[%get3A_46, %get3A_47] {strides = array<i32>} : memref<40x128xi32, #tpu.memory_space<vmem>>, vector<16xi32>,
        tpu.vector_store_idx %arg5[%get3A_48], %broadcast_in_dim3A_9 {add = true} : memref<10240xf32, #tpu.memory_space<vmem>>[vector<16xi32>], vector<16xf32>,
        %get3A_49 = arith.index_cast %scan3A_33 : i32 to index
        %get3A_50 = arith.constant 80 : index
        %get3A_51 = tpu.vector_load %arg4[%get3A_49, %get3A_50] {strides = array<i32>} : memref<40x128xi32, #tpu.memory_space<vmem>>, vector<16xi32>,
        tpu.vector_store_idx %arg5[%get3A_51], %broadcast_in_dim3A_9 {add = true} : memref<10240xf32, #tpu.memory_space<vmem>>[vector<16xi32>], vector<16xf32>,
        %get3A_52 = arith.index_cast %scan3A_33 : i32 to index
        %get3A_53 = arith.constant 96 : index
        %get3A_54 = tpu.vector_load %arg4[%get3A_52, %get3A_53] {strides = array<i32>} : memref<40x128xi32, #tpu.memory_space<vmem>>, vector<16xi32>,
        tpu.vector_store_idx %arg5[%get3A_54], %broadcast_in_dim3A_9 {add = true} : memref<10240xf32, #tpu.memory_space<vmem>>[vector<16xi32>], vector<16xf32>,
        %get3A_55 = arith.index_cast %scan3A_33 : i32 to index
        %get3A_56 = arith.constant 112 : index
        %get3A_57 = tpu.vector_load %arg4[%get3A_55, %get3A_56] {strides = array<i32>} : memref<40x128xi32, #tpu.memory_space<vmem>>, vector<16xi32>,
        tpu.vector_store_idx %arg5[%get3A_57], %broadcast_in_dim3A_9 {add = true} : memref<10240xf32, #tpu.memory_space<vmem>>[vector<16xi32>], vector<16xf32>,
        %scan3A_58 = arith.constant 0 : i32
        scf.yield %scan3A_58 : i32
      }
      %scan3A_32 = arith.constant 40 : i32
    } else {
    }
    %eq3A = arith.constant 31 : i32
    %eq3A_12 = arith.cmpi eq, %add3A, %eq3A : i32
    %convert_element_type3A_13 = arith.extui %eq3A_12 : i1 to i32
    %cond3A_14 = arith.constant 0 : i32
    %cond3A_15 = arith.cmpi ne, %convert_element_type3A_13, %cond3A_14 : i32
    scf.if %cond3A_15 {
      %run_scoped3A = arith.constant 1 : i32
      "tpu.region"() ({
        %run_scoped3A_23 = tpu.sem_alloc : memref<!tpu.dma_semaphore, #tpu.memory_space<semaphore_mem>>
        %dma_start3A = arith.constant 0 : i32
        %dma_start3A_24 = arith.constant 0 : i32
        %dma_start3A_25 = tpu.memref_slice %arg4[%dma_start3A, %dma_start3A_24] : memref<40x128xi32, #tpu.memory_space<vmem>> -> memref<24x128xi32, #tpu.memory_space<vmem>>
        %dma_start3A_26 = arith.constant 0 : i32
        %dma_start3A_27 = tpu.memref_slice %arg2[%run_scoped3A, %mul3A_2, %dma_start3A_26] : memref<2x2504x128xi32, #tpu.memory_space<hbm>> -> memref<1x24x128xi32, #tpu.memory_space<hbm>>
        %dma_start3A_28 = tpu.memref_squeeze %dma_start3A_27 : memref<1x24x128xi32, #tpu.memory_space<hbm>> -> memref<24x128xi32, #tpu.memory_space<hbm>>
        %dma_start3A_29 = arith.constant 0 : i32
        %dma_start3A_30 = arith.constant 0 : i32
        %dma_start3A_31 = tpu.memref_slice %arg4[%dma_start3A_29, %dma_start3A_30] : memref<40x128xi32, #tpu.memory_space<vmem>> -> memref<24x128xi32, #tpu.memory_space<vmem>>
        %dma_start3A_32 = arith.constant 0 : i32
        %dma_start3A_33 = tpu.memref_slice %arg2[%run_scoped3A, %mul3A_2, %dma_start3A_32] : memref<2x2504x128xi32, #tpu.memory_space<hbm>> -> memref<1x24x128xi32, #tpu.memory_space<hbm>>
        %dma_start3A_34 = tpu.memref_squeeze %dma_start3A_33 : memref<1x24x128xi32, #tpu.memory_space<hbm>> -> memref<24x128xi32, #tpu.memory_space<hbm>>
        tpu.enqueue_dma source(%dma_start3A_34 : memref<24x128xi32, #tpu.memory_space<hbm>>) target(%dma_start3A_31 : memref<24x128xi32, #tpu.memory_space<vmem>>) target_semaphore(%run_scoped3A_23 : memref<!tpu.dma_semaphore, #tpu.memory_space<semaphore_mem>>)
        %dma_wait3A = arith.constant 0 : i32
        %dma_wait3A_35 = arith.constant 0 : i32
        %dma_wait3A_36 = tpu.memref_slice %arg4[%dma_wait3A, %dma_wait3A_35] : memref<40x128xi32, #tpu.memory_space<vmem>> -> memref<24x128xi32, #tpu.memory_space<vmem>>
        %dma_wait3A_37 = arith.constant 0 : i32
        %dma_wait3A_38 = tpu.memref_slice %arg2[%run_scoped3A, %mul3A_2, %dma_wait3A_37] : memref<2x2504x128xi32, #tpu.memory_space<hbm>> -> memref<1x24x128xi32, #tpu.memory_space<hbm>>
        %dma_wait3A_39 = tpu.memref_squeeze %dma_wait3A_38 : memref<1x24x128xi32, #tpu.memory_space<hbm>> -> memref<24x128xi32, #tpu.memory_space<hbm>>
        %dma_wait3A_40 = arith.constant 0 : i32
        %dma_wait3A_41 = arith.constant 0 : i32
        %dma_wait3A_42 = tpu.memref_slice %arg4[%dma_wait3A_40, %dma_wait3A_41] : memref<40x128xi32, #tpu.memory_space<vmem>> -> memref<24x128xi32, #tpu.memory_space<vmem>>
        %dma_wait3A_43 = arith.constant 0 : i32
        %dma_wait3A_44 = tpu.memref_slice %arg2[%run_scoped3A, %mul3A_2, %dma_wait3A_43] : memref<2x2504x128xi32, #tpu.memory_space<hbm>> -> memref<1x24x128xi32, #tpu.memory_space<hbm>>
        %dma_wait3A_45 = tpu.memref_squeeze %dma_wait3A_44 : memref<1x24x128xi32, #tpu.memory_space<hbm>> -> memref<24x128xi32, #tpu.memory_space<hbm>>
        tpu.wait_dma2 semaphore(%run_scoped3A_23 : memref<!tpu.dma_semaphore, #tpu.memory_space<semaphore_mem>>) src(%dma_wait3A_45 : memref<24x128xi32, #tpu.memory_space<hbm>>) dst(%dma_wait3A_42 : memref<24x128xi32, #tpu.memory_space<vmem>>)
        tpu.yield
      }) : () -> ()
      %scan3A_16 = arith.constant 0 : i32
      %scan3A_17 = arith.constant 0 : i32
      %scan3A_18 = arith.constant 24 : i32
      %scan3A_19 = arith.addi %scan3A_17, %scan3A_18 : i32
      %scan3A_20 = arith.constant 1 : i32
      %scan3A_21 = scf.for %scan3A_23 = %scan3A_17 to %scan3A_19 step %scan3A_20 iter_args(%scan3A_24 = %scan3A_16) -> (i32)  : i32 {
        %get3A = arith.index_cast %scan3A_23 : i32 to index
        %get3A_25 = arith.constant 0 : index
        %get3A_26 = tpu.vector_load %arg4[%get3A, %get3A_25] {strides = array<i32>} : memref<40x128xi32, #tpu.memory_space<vmem>>, vector<16xi32>,
        tpu.vector_store_idx %arg5[%get3A_26], %broadcast_in_dim3A_9 {add = true} : memref<10240xf32, #tpu.memory_space<vmem>>[vector<16xi32>], vector<16xf32>,
        %get3A_27 = arith.index_cast %scan3A_23 : i32 to index
        %get3A_28 = arith.constant 16 : index
        %get3A_29 = tpu.vector_load %arg4[%get3A_27, %get3A_28] {strides = array<i32>} : memref<40x128xi32, #tpu.memory_space<vmem>>, vector<16xi32>,
        tpu.vector_store_idx %arg5[%get3A_29], %broadcast_in_dim3A_9 {add = true} : memref<10240xf32, #tpu.memory_space<vmem>>[vector<16xi32>], vector<16xf32>,
        %get3A_30 = arith.index_cast %scan3A_23 : i32 to index
        %get3A_31 = arith.constant 32 : index
        %get3A_32 = tpu.vector_load %arg4[%get3A_30, %get3A_31] {strides = array<i32>} : memref<40x128xi32, #tpu.memory_space<vmem>>, vector<16xi32>,
        tpu.vector_store_idx %arg5[%get3A_32], %broadcast_in_dim3A_9 {add = true} : memref<10240xf32, #tpu.memory_space<vmem>>[vector<16xi32>], vector<16xf32>,
        %get3A_33 = arith.index_cast %scan3A_23 : i32 to index
        %get3A_34 = arith.constant 48 : index
        %get3A_35 = tpu.vector_load %arg4[%get3A_33, %get3A_34] {strides = array<i32>} : memref<40x128xi32, #tpu.memory_space<vmem>>, vector<16xi32>,
        tpu.vector_store_idx %arg5[%get3A_35], %broadcast_in_dim3A_9 {add = true} : memref<10240xf32, #tpu.memory_space<vmem>>[vector<16xi32>], vector<16xf32>,
        %get3A_36 = arith.index_cast %scan3A_23 : i32 to index
        %get3A_37 = arith.constant 64 : index
        %get3A_38 = tpu.vector_load %arg4[%get3A_36, %get3A_37] {strides = array<i32>} : memref<40x128xi32, #tpu.memory_space<vmem>>, vector<16xi32>,
        tpu.vector_store_idx %arg5[%get3A_38], %broadcast_in_dim3A_9 {add = true} : memref<10240xf32, #tpu.memory_space<vmem>>[vector<16xi32>], vector<16xf32>,
        %get3A_39 = arith.index_cast %scan3A_23 : i32 to index
        %get3A_40 = arith.constant 80 : index
        %get3A_41 = tpu.vector_load %arg4[%get3A_39, %get3A_40] {strides = array<i32>} : memref<40x128xi32, #tpu.memory_space<vmem>>, vector<16xi32>,
        tpu.vector_store_idx %arg5[%get3A_41], %broadcast_in_dim3A_9 {add = true} : memref<10240xf32, #tpu.memory_space<vmem>>[vector<16xi32>], vector<16xf32>,
        %get3A_42 = arith.index_cast %scan3A_23 : i32 to index
        %get3A_43 = arith.constant 96 : index
        %get3A_44 = tpu.vector_load %arg4[%get3A_42, %get3A_43] {strides = array<i32>} : memref<40x128xi32, #tpu.memory_space<vmem>>, vector<16xi32>,
        tpu.vector_store_idx %arg5[%get3A_44], %broadcast_in_dim3A_9 {add = true} : memref<10240xf32, #tpu.memory_space<vmem>>[vector<16xi32>], vector<16xf32>,
        %get3A_45 = arith.index_cast %scan3A_23 : i32 to index
        %get3A_46 = arith.constant 112 : index
        %get3A_47 = tpu.vector_load %arg4[%get3A_45, %get3A_46] {strides = array<i32>} : memref<40x128xi32, #tpu.memory_space<vmem>>, vector<16xi32>,
        tpu.vector_store_idx %arg5[%get3A_47], %broadcast_in_dim3A_9 {add = true} : memref<10240xf32, #tpu.memory_space<vmem>>[vector<16xi32>], vector<16xf32>,
        %scan3A_48 = arith.constant 0 : i32
        scf.yield %scan3A_48 : i32
      }
      %scan3A_22 = arith.constant 24 : i32
    } else {
    }
    "tpu.region"() ({
      %run_scoped3A = tpu.sem_alloc : memref<!tpu.dma_semaphore, #tpu.memory_space<semaphore_mem>>
      %dma_start3A = arith.constant 0 : i32
      %dma_start3A_16 = tpu.memref_slice %arg3[%add3A, %dma_start3A] : memref<32x10240xf32, #tpu.memory_space<hbm>> -> memref<1x10240xf32, #tpu.memory_space<hbm>>
      %dma_start3A_17 = tpu.memref_squeeze %dma_start3A_16 : memref<1x10240xf32, #tpu.memory_space<hbm>> -> memref<10240xf32, #tpu.memory_space<hbm>>
      %dma_start3A_18 = arith.constant 0 : i32
      %dma_start3A_19 = tpu.memref_slice %arg3[%add3A, %dma_start3A_18] : memref<32x10240xf32, #tpu.memory_space<hbm>> -> memref<1x10240xf32, #tpu.memory_space<hbm>>
      %dma_start3A_20 = tpu.memref_squeeze %dma_start3A_19 : memref<1x10240xf32, #tpu.memory_space<hbm>> -> memref<10240xf32, #tpu.memory_space<hbm>>
      tpu.enqueue_dma source(%arg5 : memref<10240xf32, #tpu.memory_space<vmem>>) target(%dma_start3A_20 : memref<10240xf32, #tpu.memory_space<hbm>>) target_semaphore(%run_scoped3A : memref<!tpu.dma_semaphore, #tpu.memory_space<semaphore_mem>>)
      %dma_wait3A = arith.constant 0 : i32
      %dma_wait3A_21 = tpu.memref_slice %arg3[%add3A, %dma_wait3A] : memref<32x10240xf32, #tpu.memory_space<hbm>> -> memref<1x10240xf32, #tpu.memory_space<hbm>>
      %dma_wait3A_22 = tpu.memref_squeeze %dma_wait3A_21 : memref<1x10240xf32, #tpu.memory_space<hbm>> -> memref<10240xf32, #tpu.memory_space<hbm>>
      %dma_wait3A_23 = arith.constant 0 : i32
      %dma_wait3A_24 = tpu.memref_slice %arg3[%add3A, %dma_wait3A_23] : memref<32x10240xf32, #tpu.memory_space<hbm>> -> memref<1x10240xf32, #tpu.memory_space<hbm>>
      %dma_wait3A_25 = tpu.memref_squeeze %dma_wait3A_24 : memref<1x10240xf32, #tpu.memory_space<hbm>> -> memref<10240xf32, #tpu.memory_space<hbm>>
      tpu.wait_dma2 semaphore(%run_scoped3A : memref<!tpu.dma_semaphore, #tpu.memory_space<semaphore_mem>>) src(%arg5 : memref<10240xf32, #tpu.memory_space<vmem>>) dst(%dma_wait3A_25 : memref<10240xf32, #tpu.memory_space<hbm>>)
      tpu.yield
    }) : () -> ()
    return
  }
}

#map = affine_map<(d0, d1) -> (0, 0)>
#map1 = affine_map<(d0, d1) -> (0, 0, 0)>
module attributes {stable_mosaic.version = 14 : i64} {
  func.func @_agg_body(%arg0: i32, %arg1: i32, %arg2: memref<10000x128xf32, #tpu.memory_space<hbm>>, %arg3: memref<2x2504x128xi32, #tpu.memory_space<hbm>>, %arg4: memref<2x10240x128xf32, #tpu.memory_space<hbm>>, %arg5: memref<40x128xi32, #tpu.memory_space<vmem>>, %arg6: memref<40x128xi32, #tpu.memory_space<vmem>>, %arg7: memref<128x128xf32, #tpu.memory_space<vmem>>, %arg8: memref<128x128xf32, #tpu.memory_space<vmem>>, %arg9: memref<10240x128xf32, #tpu.memory_space<vmem_shared>>, %arg10: memref<!tpu.dma_semaphore, #tpu.memory_space<semaphore_mem>>, %arg11: memref<!tpu.dma_semaphore, #tpu.memory_space<semaphore_mem>>) attributes {dimension_semantics = [#tpu.dimension_semantics<core_parallel>, #tpu.dimension_semantics<subcore_parallel>], iteration_bounds = array<i64: 2, 16>, scalar_prefetch = 0 : i64, scratch_operands = 7 : i64, tpu.core_type = #tpu.core_type<sc_vector_subcore>, window_params = [{transform_indices = #map}, {transform_indices = #map1}, {transform_indices = #map1}]} {
    %mul3A = arith.constant 16 : i32
    %mul3A_0 = arith.muli %arg0, %mul3A : i32
    %add3A = arith.addi %mul3A_0, %arg1 : i32
    %mul3A_1 = arith.constant 80 : i32
    %mul3A_2 = arith.muli %add3A, %mul3A_1 : i32
    %scan3A = arith.constant 0 : i32
    %scan3A_3 = arith.constant 0 : i32
    %scan3A_4 = arith.constant 128 : i32
    %scan3A_5 = arith.addi %scan3A_3, %scan3A_4 : i32
    %scan3A_6 = arith.constant 1 : i32
    %scan3A_7 = scf.for %scan3A_40 = %scan3A_3 to %scan3A_5 step %scan3A_6 iter_args(%scan3A_41 = %scan3A) -> (i32)  : i32 {
      %broadcast_in_dim3A = arith.constant 0.000000e+00 : f32
      %broadcast_in_dim3A_42 = vector.broadcast %broadcast_in_dim3A : f32 to vector<16xf32>
      %swap3A = arith.index_cast %scan3A_40 : i32 to index
      %swap3A_43 = arith.constant 0 : index
      %swap3A_44 = tpu.vector_load %arg7[%swap3A, %swap3A_43] {strides = array<i32>} : memref<128x128xf32, #tpu.memory_space<vmem>>, vector<1x16xf32>,
      %swap3A_45 = vector.shape_cast %swap3A_44 : vector<1x16xf32> to vector<16xf32>
      %swap3A_46 = vector.shape_cast %broadcast_in_dim3A_42 : vector<16xf32> to vector<1x16xf32>
      tpu.vector_store %arg7[%swap3A, %swap3A_43], %swap3A_46 {strides = array<i32>} : memref<128x128xf32, #tpu.memory_space<vmem>>, vector<1x16xf32>,
      %broadcast_in_dim3A_47 = arith.constant 0.000000e+00 : f32
      %broadcast_in_dim3A_48 = vector.broadcast %broadcast_in_dim3A_47 : f32 to vector<16xf32>
      %swap3A_49 = arith.index_cast %scan3A_40 : i32 to index
      %swap3A_50 = arith.constant 16 : index
      %swap3A_51 = tpu.vector_load %arg7[%swap3A_49, %swap3A_50] {strides = array<i32>} : memref<128x128xf32, #tpu.memory_space<vmem>>, vector<1x16xf32>,
      %swap3A_52 = vector.shape_cast %swap3A_51 : vector<1x16xf32> to vector<16xf32>
      %swap3A_53 = vector.shape_cast %broadcast_in_dim3A_48 : vector<16xf32> to vector<1x16xf32>
      tpu.vector_store %arg7[%swap3A_49, %swap3A_50], %swap3A_53 {strides = array<i32>} : memref<128x128xf32, #tpu.memory_space<vmem>>, vector<1x16xf32>,
      %broadcast_in_dim3A_54 = arith.constant 0.000000e+00 : f32
      %broadcast_in_dim3A_55 = vector.broadcast %broadcast_in_dim3A_54 : f32 to vector<16xf32>
      %swap3A_56 = arith.index_cast %scan3A_40 : i32 to index
      %swap3A_57 = arith.constant 32 : index
      %swap3A_58 = tpu.vector_load %arg7[%swap3A_56, %swap3A_57] {strides = array<i32>} : memref<128x128xf32, #tpu.memory_space<vmem>>, vector<1x16xf32>,
      %swap3A_59 = vector.shape_cast %swap3A_58 : vector<1x16xf32> to vector<16xf32>
      %swap3A_60 = vector.shape_cast %broadcast_in_dim3A_55 : vector<16xf32> to vector<1x16xf32>
      tpu.vector_store %arg7[%swap3A_56, %swap3A_57], %swap3A_60 {strides = array<i32>} : memref<128x128xf32, #tpu.memory_space<vmem>>, vector<1x16xf32>,
      %broadcast_in_dim3A_61 = arith.constant 0.000000e+00 : f32
      %broadcast_in_dim3A_62 = vector.broadcast %broadcast_in_dim3A_61 : f32 to vector<16xf32>
      %swap3A_63 = arith.index_cast %scan3A_40 : i32 to index
      %swap3A_64 = arith.constant 48 : index
      %swap3A_65 = tpu.vector_load %arg7[%swap3A_63, %swap3A_64] {strides = array<i32>} : memref<128x128xf32, #tpu.memory_space<vmem>>, vector<1x16xf32>,
      %swap3A_66 = vector.shape_cast %swap3A_65 : vector<1x16xf32> to vector<16xf32>
      %swap3A_67 = vector.shape_cast %broadcast_in_dim3A_62 : vector<16xf32> to vector<1x16xf32>
      tpu.vector_store %arg7[%swap3A_63, %swap3A_64], %swap3A_67 {strides = array<i32>} : memref<128x128xf32, #tpu.memory_space<vmem>>, vector<1x16xf32>,
      %broadcast_in_dim3A_68 = arith.constant 0.000000e+00 : f32
      %broadcast_in_dim3A_69 = vector.broadcast %broadcast_in_dim3A_68 : f32 to vector<16xf32>
      %swap3A_70 = arith.index_cast %scan3A_40 : i32 to index
      %swap3A_71 = arith.constant 64 : index
      %swap3A_72 = tpu.vector_load %arg7[%swap3A_70, %swap3A_71] {strides = array<i32>} : memref<128x128xf32, #tpu.memory_space<vmem>>, vector<1x16xf32>,
      %swap3A_73 = vector.shape_cast %swap3A_72 : vector<1x16xf32> to vector<16xf32>
      %swap3A_74 = vector.shape_cast %broadcast_in_dim3A_69 : vector<16xf32> to vector<1x16xf32>
      tpu.vector_store %arg7[%swap3A_70, %swap3A_71], %swap3A_74 {strides = array<i32>} : memref<128x128xf32, #tpu.memory_space<vmem>>, vector<1x16xf32>,
      %broadcast_in_dim3A_75 = arith.constant 0.000000e+00 : f32
      %broadcast_in_dim3A_76 = vector.broadcast %broadcast_in_dim3A_75 : f32 to vector<16xf32>
      %swap3A_77 = arith.index_cast %scan3A_40 : i32 to index
      %swap3A_78 = arith.constant 80 : index
      %swap3A_79 = tpu.vector_load %arg7[%swap3A_77, %swap3A_78] {strides = array<i32>} : memref<128x128xf32, #tpu.memory_space<vmem>>, vector<1x16xf32>,
      %swap3A_80 = vector.shape_cast %swap3A_79 : vector<1x16xf32> to vector<16xf32>
      %swap3A_81 = vector.shape_cast %broadcast_in_dim3A_76 : vector<16xf32> to vector<1x16xf32>
      tpu.vector_store %arg7[%swap3A_77, %swap3A_78], %swap3A_81 {strides = array<i32>} : memref<128x128xf32, #tpu.memory_space<vmem>>, vector<1x16xf32>,
      %broadcast_in_dim3A_82 = arith.constant 0.000000e+00 : f32
      %broadcast_in_dim3A_83 = vector.broadcast %broadcast_in_dim3A_82 : f32 to vector<16xf32>
      %swap3A_84 = arith.index_cast %scan3A_40 : i32 to index
      %swap3A_85 = arith.constant 96 : index
      %swap3A_86 = tpu.vector_load %arg7[%swap3A_84, %swap3A_85] {strides = array<i32>} : memref<128x128xf32, #tpu.memory_space<vmem>>, vector<1x16xf32>,
      %swap3A_87 = vector.shape_cast %swap3A_86 : vector<1x16xf32> to vector<16xf32>
      %swap3A_88 = vector.shape_cast %broadcast_in_dim3A_83 : vector<16xf32> to vector<1x16xf32>
      tpu.vector_store %arg7[%swap3A_84, %swap3A_85], %swap3A_88 {strides = array<i32>} : memref<128x128xf32, #tpu.memory_space<vmem>>, vector<1x16xf32>,
      %broadcast_in_dim3A_89 = arith.constant 0.000000e+00 : f32
      %broadcast_in_dim3A_90 = vector.broadcast %broadcast_in_dim3A_89 : f32 to vector<16xf32>
      %swap3A_91 = arith.index_cast %scan3A_40 : i32 to index
      %swap3A_92 = arith.constant 112 : index
      %swap3A_93 = tpu.vector_load %arg7[%swap3A_91, %swap3A_92] {strides = array<i32>} : memref<128x128xf32, #tpu.memory_space<vmem>>, vector<1x16xf32>,
      %swap3A_94 = vector.shape_cast %swap3A_93 : vector<1x16xf32> to vector<16xf32>
      %swap3A_95 = vector.shape_cast %broadcast_in_dim3A_90 : vector<16xf32> to vector<1x16xf32>
      tpu.vector_store %arg7[%swap3A_91, %swap3A_92], %swap3A_95 {strides = array<i32>} : memref<128x128xf32, #tpu.memory_space<vmem>>, vector<1x16xf32>,
      %scan3A_96 = arith.constant 0 : i32
      scf.yield %scan3A_96 : i32
    }
    %scan3A_8 = arith.constant 128 : i32
    %mul3A_9 = arith.constant 640 : i32
    %mul3A_10 = arith.muli %arg1, %mul3A_9 : i32
    %add3A_11 = arith.constant 0 : i32
    %add3A_12 = arith.addi %mul3A_10, %add3A_11 : i32
    "tpu.region"() ({
      %run_scoped3A = tpu.sem_alloc : memref<!tpu.dma_semaphore, #tpu.memory_space<semaphore_mem>>
      %dma_start3A = arith.constant 0 : i32
      %dma_start3A_40 = tpu.memref_slice %arg9[%add3A_12, %dma_start3A] : memref<10240x128xf32, #tpu.memory_space<vmem_shared>> -> memref<128x128xf32, #tpu.memory_space<vmem_shared>>
      %dma_start3A_41 = arith.constant 0 : i32
      %dma_start3A_42 = tpu.memref_slice %arg9[%add3A_12, %dma_start3A_41] : memref<10240x128xf32, #tpu.memory_space<vmem_shared>> -> memref<128x128xf32, #tpu.memory_space<vmem_shared>>
      tpu.enqueue_dma source(%arg7 : memref<128x128xf32, #tpu.memory_space<vmem>>) target(%dma_start3A_42 : memref<128x128xf32, #tpu.memory_space<vmem_shared>>) target_semaphore(%run_scoped3A : memref<!tpu.dma_semaphore, #tpu.memory_space<semaphore_mem>>)
      %dma_wait3A = arith.constant 0 : i32
      %dma_wait3A_43 = tpu.memref_slice %arg9[%add3A_12, %dma_wait3A] : memref<10240x128xf32, #tpu.memory_space<vmem_shared>> -> memref<128x128xf32, #tpu.memory_space<vmem_shared>>
      %dma_wait3A_44 = arith.constant 0 : i32
      %dma_wait3A_45 = tpu.memref_slice %arg9[%add3A_12, %dma_wait3A_44] : memref<10240x128xf32, #tpu.memory_space<vmem_shared>> -> memref<128x128xf32, #tpu.memory_space<vmem_shared>>
      tpu.wait_dma2 semaphore(%run_scoped3A : memref<!tpu.dma_semaphore, #tpu.memory_space<semaphore_mem>>) src(%arg7 : memref<128x128xf32, #tpu.memory_space<vmem>>) dst(%dma_wait3A_45 : memref<128x128xf32, #tpu.memory_space<vmem_shared>>)
      tpu.yield
    }) : () -> ()
    %mul3A_13 = arith.constant 640 : i32
    %mul3A_14 = arith.muli %arg1, %mul3A_13 : i32
    %add3A_15 = arith.constant 128 : i32
    %add3A_16 = arith.addi %mul3A_14, %add3A_15 : i32
    "tpu.region"() ({
      %run_scoped3A = tpu.sem_alloc : memref<!tpu.dma_semaphore, #tpu.memory_space<semaphore_mem>>
      %dma_start3A = arith.constant 0 : i32
      %dma_start3A_40 = tpu.memref_slice %arg9[%add3A_16, %dma_start3A] : memref<10240x128xf32, #tpu.memory_space<vmem_shared>> -> memref<128x128xf32, #tpu.memory_space<vmem_shared>>
      %dma_start3A_41 = arith.constant 0 : i32
      %dma_start3A_42 = tpu.memref_slice %arg9[%add3A_16, %dma_start3A_41] : memref<10240x128xf32, #tpu.memory_space<vmem_shared>> -> memref<128x128xf32, #tpu.memory_space<vmem_shared>>
      tpu.enqueue_dma source(%arg7 : memref<128x128xf32, #tpu.memory_space<vmem>>) target(%dma_start3A_42 : memref<128x128xf32, #tpu.memory_space<vmem_shared>>) target_semaphore(%run_scoped3A : memref<!tpu.dma_semaphore, #tpu.memory_space<semaphore_mem>>)
      %dma_wait3A = arith.constant 0 : i32
      %dma_wait3A_43 = tpu.memref_slice %arg9[%add3A_16, %dma_wait3A] : memref<10240x128xf32, #tpu.memory_space<vmem_shared>> -> memref<128x128xf32, #tpu.memory_space<vmem_shared>>
      %dma_wait3A_44 = arith.constant 0 : i32
      %dma_wait3A_45 = tpu.memref_slice %arg9[%add3A_16, %dma_wait3A_44] : memref<10240x128xf32, #tpu.memory_space<vmem_shared>> -> memref<128x128xf32, #tpu.memory_space<vmem_shared>>
      tpu.wait_dma2 semaphore(%run_scoped3A : memref<!tpu.dma_semaphore, #tpu.memory_space<semaphore_mem>>) src(%arg7 : memref<128x128xf32, #tpu.memory_space<vmem>>) dst(%dma_wait3A_45 : memref<128x128xf32, #tpu.memory_space<vmem_shared>>)
      tpu.yield
    }) : () -> ()
    %mul3A_17 = arith.constant 640 : i32
    %mul3A_18 = arith.muli %arg1, %mul3A_17 : i32
    %add3A_19 = arith.constant 256 : i32
    %add3A_20 = arith.addi %mul3A_18, %add3A_19 : i32
    "tpu.region"() ({
      %run_scoped3A = tpu.sem_alloc : memref<!tpu.dma_semaphore, #tpu.memory_space<semaphore_mem>>
      %dma_start3A = arith.constant 0 : i32
      %dma_start3A_40 = tpu.memref_slice %arg9[%add3A_20, %dma_start3A] : memref<10240x128xf32, #tpu.memory_space<vmem_shared>> -> memref<128x128xf32, #tpu.memory_space<vmem_shared>>
      %dma_start3A_41 = arith.constant 0 : i32
      %dma_start3A_42 = tpu.memref_slice %arg9[%add3A_20, %dma_start3A_41] : memref<10240x128xf32, #tpu.memory_space<vmem_shared>> -> memref<128x128xf32, #tpu.memory_space<vmem_shared>>
      tpu.enqueue_dma source(%arg7 : memref<128x128xf32, #tpu.memory_space<vmem>>) target(%dma_start3A_42 : memref<128x128xf32, #tpu.memory_space<vmem_shared>>) target_semaphore(%run_scoped3A : memref<!tpu.dma_semaphore, #tpu.memory_space<semaphore_mem>>)
      %dma_wait3A = arith.constant 0 : i32
      %dma_wait3A_43 = tpu.memref_slice %arg9[%add3A_20, %dma_wait3A] : memref<10240x128xf32, #tpu.memory_space<vmem_shared>> -> memref<128x128xf32, #tpu.memory_space<vmem_shared>>
      %dma_wait3A_44 = arith.constant 0 : i32
      %dma_wait3A_45 = tpu.memref_slice %arg9[%add3A_20, %dma_wait3A_44] : memref<10240x128xf32, #tpu.memory_space<vmem_shared>> -> memref<128x128xf32, #tpu.memory_space<vmem_shared>>
      tpu.wait_dma2 semaphore(%run_scoped3A : memref<!tpu.dma_semaphore, #tpu.memory_space<semaphore_mem>>) src(%arg7 : memref<128x128xf32, #tpu.memory_space<vmem>>) dst(%dma_wait3A_45 : memref<128x128xf32, #tpu.memory_space<vmem_shared>>)
      tpu.yield
    }) : () -> ()
    %mul3A_21 = arith.constant 640 : i32
    %mul3A_22 = arith.muli %arg1, %mul3A_21 : i32
    %add3A_23 = arith.constant 384 : i32
    %add3A_24 = arith.addi %mul3A_22, %add3A_23 : i32
    "tpu.region"() ({
      %run_scoped3A = tpu.sem_alloc : memref<!tpu.dma_semaphore, #tpu.memory_space<semaphore_mem>>
      %dma_start3A = arith.constant 0 : i32
      %dma_start3A_40 = tpu.memref_slice %arg9[%add3A_24, %dma_start3A] : memref<10240x128xf32, #tpu.memory_space<vmem_shared>> -> memref<128x128xf32, #tpu.memory_space<vmem_shared>>
      %dma_start3A_41 = arith.constant 0 : i32
      %dma_start3A_42 = tpu.memref_slice %arg9[%add3A_24, %dma_start3A_41] : memref<10240x128xf32, #tpu.memory_space<vmem_shared>> -> memref<128x128xf32, #tpu.memory_space<vmem_shared>>
      tpu.enqueue_dma source(%arg7 : memref<128x128xf32, #tpu.memory_space<vmem>>) target(%dma_start3A_42 : memref<128x128xf32, #tpu.memory_space<vmem_shared>>) target_semaphore(%run_scoped3A : memref<!tpu.dma_semaphore, #tpu.memory_space<semaphore_mem>>)
      %dma_wait3A = arith.constant 0 : i32
      %dma_wait3A_43 = tpu.memref_slice %arg9[%add3A_24, %dma_wait3A] : memref<10240x128xf32, #tpu.memory_space<vmem_shared>> -> memref<128x128xf32, #tpu.memory_space<vmem_shared>>
      %dma_wait3A_44 = arith.constant 0 : i32
      %dma_wait3A_45 = tpu.memref_slice %arg9[%add3A_24, %dma_wait3A_44] : memref<10240x128xf32, #tpu.memory_space<vmem_shared>> -> memref<128x128xf32, #tpu.memory_space<vmem_shared>>
      tpu.wait_dma2 semaphore(%run_scoped3A : memref<!tpu.dma_semaphore, #tpu.memory_space<semaphore_mem>>) src(%arg7 : memref<128x128xf32, #tpu.memory_space<vmem>>) dst(%dma_wait3A_45 : memref<128x128xf32, #tpu.memory_space<vmem_shared>>)
      tpu.yield
    }) : () -> ()
    %mul3A_25 = arith.constant 640 : i32
    %mul3A_26 = arith.muli %arg1, %mul3A_25 : i32
    %add3A_27 = arith.constant 512 : i32
    %add3A_28 = arith.addi %mul3A_26, %add3A_27 : i32
    "tpu.region"() ({
      %run_scoped3A = tpu.sem_alloc : memref<!tpu.dma_semaphore, #tpu.memory_space<semaphore_mem>>
      %dma_start3A = arith.constant 0 : i32
      %dma_start3A_40 = tpu.memref_slice %arg9[%add3A_28, %dma_start3A] : memref<10240x128xf32, #tpu.memory_space<vmem_shared>> -> memref<128x128xf32, #tpu.memory_space<vmem_shared>>
      %dma_start3A_41 = arith.constant 0 : i32
      %dma_start3A_42 = tpu.memref_slice %arg9[%add3A_28, %dma_start3A_41] : memref<10240x128xf32, #tpu.memory_space<vmem_shared>> -> memref<128x128xf32, #tpu.memory_space<vmem_shared>>
      tpu.enqueue_dma source(%arg7 : memref<128x128xf32, #tpu.memory_space<vmem>>) target(%dma_start3A_42 : memref<128x128xf32, #tpu.memory_space<vmem_shared>>) target_semaphore(%run_scoped3A : memref<!tpu.dma_semaphore, #tpu.memory_space<semaphore_mem>>)
      %dma_wait3A = arith.constant 0 : i32
      %dma_wait3A_43 = tpu.memref_slice %arg9[%add3A_28, %dma_wait3A] : memref<10240x128xf32, #tpu.memory_space<vmem_shared>> -> memref<128x128xf32, #tpu.memory_space<vmem_shared>>
      %dma_wait3A_44 = arith.constant 0 : i32
      %dma_wait3A_45 = tpu.memref_slice %arg9[%add3A_28, %dma_wait3A_44] : memref<10240x128xf32, #tpu.memory_space<vmem_shared>> -> memref<128x128xf32, #tpu.memory_space<vmem_shared>>
      tpu.wait_dma2 semaphore(%run_scoped3A : memref<!tpu.dma_semaphore, #tpu.memory_space<semaphore_mem>>) src(%arg7 : memref<128x128xf32, #tpu.memory_space<vmem>>) dst(%dma_wait3A_45 : memref<128x128xf32, #tpu.memory_space<vmem_shared>>)
      tpu.yield
    }) : () -> ()
    %barrier3A = arith.constant 0 : index
    tpu.barrier barrier_id(%barrier3A)
    %lt3A = arith.constant 31 : i32
    %lt3A_29 = arith.cmpi slt, %add3A, %lt3A : i32
    %convert_element_type3A = arith.extui %lt3A_29 : i1 to i32
    %cond3A = arith.constant 0 : i32
    %cond3A_30 = arith.cmpi ne, %convert_element_type3A, %cond3A : i32
    scf.if %cond3A_30 {
      %dma_start3A = arith.constant 0 : i32
      %dma_start3A_40 = arith.constant 0 : i32
      %dma_start3A_41 = arith.constant 0 : i32
      %dma_start3A_42 = tpu.memref_slice %arg5[%dma_start3A_40, %dma_start3A_41] : memref<40x128xi32, #tpu.memory_space<vmem>> -> memref<40x128xi32, #tpu.memory_space<vmem>>
      %dma_start3A_43 = arith.constant 0 : i32
      %dma_start3A_44 = tpu.memref_slice %arg3[%dma_start3A, %mul3A_2, %dma_start3A_43] : memref<2x2504x128xi32, #tpu.memory_space<hbm>> -> memref<1x40x128xi32, #tpu.memory_space<hbm>>
      %dma_start3A_45 = tpu.memref_squeeze %dma_start3A_44 : memref<1x40x128xi32, #tpu.memory_space<hbm>> -> memref<40x128xi32, #tpu.memory_space<hbm>>
      %dma_start3A_46 = arith.constant 0 : i32
      %dma_start3A_47 = arith.constant 0 : i32
      %dma_start3A_48 = tpu.memref_slice %arg5[%dma_start3A_46, %dma_start3A_47] : memref<40x128xi32, #tpu.memory_space<vmem>> -> memref<40x128xi32, #tpu.memory_space<vmem>>
      %dma_start3A_49 = arith.constant 0 : i32
      %dma_start3A_50 = tpu.memref_slice %arg3[%dma_start3A, %mul3A_2, %dma_start3A_49] : memref<2x2504x128xi32, #tpu.memory_space<hbm>> -> memref<1x40x128xi32, #tpu.memory_space<hbm>>
      %dma_start3A_51 = tpu.memref_squeeze %dma_start3A_50 : memref<1x40x128xi32, #tpu.memory_space<hbm>> -> memref<40x128xi32, #tpu.memory_space<hbm>>
      tpu.enqueue_dma source(%dma_start3A_51 : memref<40x128xi32, #tpu.memory_space<hbm>>) target(%dma_start3A_48 : memref<40x128xi32, #tpu.memory_space<vmem>>) target_semaphore(%arg10 : memref<!tpu.dma_semaphore, #tpu.memory_space<semaphore_mem>>)
      %dma_start3A_52 = arith.constant 1 : i32
      %dma_start3A_53 = arith.constant 0 : i32
      %dma_start3A_54 = arith.constant 0 : i32
      %dma_start3A_55 = tpu.memref_slice %arg6[%dma_start3A_53, %dma_start3A_54] : memref<40x128xi32, #tpu.memory_space<vmem>> -> memref<40x128xi32, #tpu.memory_space<vmem>>
      %dma_start3A_56 = arith.constant 0 : i32
      %dma_start3A_57 = tpu.memref_slice %arg3[%dma_start3A_52, %mul3A_2, %dma_start3A_56] : memref<2x2504x128xi32, #tpu.memory_space<hbm>> -> memref<1x40x128xi32, #tpu.memory_space<hbm>>
      %dma_start3A_58 = tpu.memref_squeeze %dma_start3A_57 : memref<1x40x128xi32, #tpu.memory_space<hbm>> -> memref<40x128xi32, #tpu.memory_space<hbm>>
      %dma_start3A_59 = arith.constant 0 : i32
      %dma_start3A_60 = arith.constant 0 : i32
      %dma_start3A_61 = tpu.memref_slice %arg6[%dma_start3A_59, %dma_start3A_60] : memref<40x128xi32, #tpu.memory_space<vmem>> -> memref<40x128xi32, #tpu.memory_space<vmem>>
      %dma_start3A_62 = arith.constant 0 : i32
      %dma_start3A_63 = tpu.memref_slice %arg3[%dma_start3A_52, %mul3A_2, %dma_start3A_62] : memref<2x2504x128xi32, #tpu.memory_space<hbm>> -> memref<1x40x128xi32, #tpu.memory_space<hbm>>
      %dma_start3A_64 = tpu.memref_squeeze %dma_start3A_63 : memref<1x40x128xi32, #tpu.memory_space<hbm>> -> memref<40x128xi32, #tpu.memory_space<hbm>>
      tpu.enqueue_dma source(%dma_start3A_64 : memref<40x128xi32, #tpu.memory_space<hbm>>) target(%dma_start3A_61 : memref<40x128xi32, #tpu.memory_space<vmem>>) target_semaphore(%arg11 : memref<!tpu.dma_semaphore, #tpu.memory_space<semaphore_mem>>)
      %dma_wait3A = arith.constant 0 : i32
      %dma_wait3A_65 = arith.constant 0 : i32
      %dma_wait3A_66 = arith.constant 0 : i32
      %dma_wait3A_67 = tpu.memref_slice %arg5[%dma_wait3A_65, %dma_wait3A_66] : memref<40x128xi32, #tpu.memory_space<vmem>> -> memref<40x128xi32, #tpu.memory_space<vmem>>
      %dma_wait3A_68 = arith.constant 0 : i32
      %dma_wait3A_69 = tpu.memref_slice %arg3[%dma_wait3A, %mul3A_2, %dma_wait3A_68] : memref<2x2504x128xi32, #tpu.memory_space<hbm>> -> memref<1x40x128xi32, #tpu.memory_space<hbm>>
      %dma_wait3A_70 = tpu.memref_squeeze %dma_wait3A_69 : memref<1x40x128xi32, #tpu.memory_space<hbm>> -> memref<40x128xi32, #tpu.memory_space<hbm>>
      %dma_wait3A_71 = arith.constant 0 : i32
      %dma_wait3A_72 = arith.constant 0 : i32
      %dma_wait3A_73 = tpu.memref_slice %arg5[%dma_wait3A_71, %dma_wait3A_72] : memref<40x128xi32, #tpu.memory_space<vmem>> -> memref<40x128xi32, #tpu.memory_space<vmem>>
      %dma_wait3A_74 = arith.constant 0 : i32
      %dma_wait3A_75 = tpu.memref_slice %arg3[%dma_wait3A, %mul3A_2, %dma_wait3A_74] : memref<2x2504x128xi32, #tpu.memory_space<hbm>> -> memref<1x40x128xi32, #tpu.memory_space<hbm>>
      %dma_wait3A_76 = tpu.memref_squeeze %dma_wait3A_75 : memref<1x40x128xi32, #tpu.memory_space<hbm>> -> memref<40x128xi32, #tpu.memory_space<hbm>>
      tpu.wait_dma2 semaphore(%arg10 : memref<!tpu.dma_semaphore, #tpu.memory_space<semaphore_mem>>) src(%dma_wait3A_76 : memref<40x128xi32, #tpu.memory_space<hbm>>) dst(%dma_wait3A_73 : memref<40x128xi32, #tpu.memory_space<vmem>>)
      %dma_wait3A_77 = arith.constant 1 : i32
      %dma_wait3A_78 = arith.constant 0 : i32
      %dma_wait3A_79 = arith.constant 0 : i32
      %dma_wait3A_80 = tpu.memref_slice %arg6[%dma_wait3A_78, %dma_wait3A_79] : memref<40x128xi32, #tpu.memory_space<vmem>> -> memref<40x128xi32, #tpu.memory_space<vmem>>
      %dma_wait3A_81 = arith.constant 0 : i32
      %dma_wait3A_82 = tpu.memref_slice %arg3[%dma_wait3A_77, %mul3A_2, %dma_wait3A_81] : memref<2x2504x128xi32, #tpu.memory_space<hbm>> -> memref<1x40x128xi32, #tpu.memory_space<hbm>>
      %dma_wait3A_83 = tpu.memref_squeeze %dma_wait3A_82 : memref<1x40x128xi32, #tpu.memory_space<hbm>> -> memref<40x128xi32, #tpu.memory_space<hbm>>
      %dma_wait3A_84 = arith.constant 0 : i32
      %dma_wait3A_85 = arith.constant 0 : i32
      %dma_wait3A_86 = tpu.memref_slice %arg6[%dma_wait3A_84, %dma_wait3A_85] : memref<40x128xi32, #tpu.memory_space<vmem>> -> memref<40x128xi32, #tpu.memory_space<vmem>>
      %dma_wait3A_87 = arith.constant 0 : i32
      %dma_wait3A_88 = tpu.memref_slice %arg3[%dma_wait3A_77, %mul3A_2, %dma_wait3A_87] : memref<2x2504x128xi32, #tpu.memory_space<hbm>> -> memref<1x40x128xi32, #tpu.memory_space<hbm>>
      %dma_wait3A_89 = tpu.memref_squeeze %dma_wait3A_88 : memref<1x40x128xi32, #tpu.memory_space<hbm>> -> memref<40x128xi32, #tpu.memory_space<hbm>>
      tpu.wait_dma2 semaphore(%arg11 : memref<!tpu.dma_semaphore, #tpu.memory_space<semaphore_mem>>) src(%dma_wait3A_89 : memref<40x128xi32, #tpu.memory_space<hbm>>) dst(%dma_wait3A_86 : memref<40x128xi32, #tpu.memory_space<vmem>>)
      %dma_start3A_90 = arith.constant 0 : i32
      %dma_start3A_91 = arith.constant 0 : i32
      %dma_start3A_92 = tpu.memref_slice %arg5[%dma_start3A_90, %dma_start3A_91] : memref<40x128xi32, #tpu.memory_space<vmem>> -> memref<1x128xi32, #tpu.memory_space<vmem>>
      %dma_start3A_93 = tpu.memref_squeeze %dma_start3A_92 : memref<1x128xi32, #tpu.memory_space<vmem>> -> memref<128xi32, #tpu.memory_space<vmem>>
      %dma_start3A_94 = arith.constant 0 : i32
      %dma_start3A_95 = arith.constant 0 : i32
      %dma_start3A_96 = tpu.memref_slice %arg2[%dma_start3A_94, %dma_start3A_95] : memref<10000x128xf32, #tpu.memory_space<hbm>> -> memref<10000x128xf32, #tpu.memory_space<hbm>>
      tpu.enqueue_indirect_dma source(%dma_start3A_96 : memref<10000x128xf32, #tpu.memory_space<hbm>>) target(%arg7 : memref<128x128xf32, #tpu.memory_space<vmem>>) offsets(%dma_start3A_93 : memref<128xi32, #tpu.memory_space<vmem>>) semaphore(%arg10 : memref<!tpu.dma_semaphore, #tpu.memory_space<semaphore_mem>>)
      %dma_start3A_97 = arith.constant 1 : i32
      %dma_start3A_98 = arith.constant 0 : i32
      %dma_start3A_99 = tpu.memref_slice %arg5[%dma_start3A_97, %dma_start3A_98] : memref<40x128xi32, #tpu.memory_space<vmem>> -> memref<1x128xi32, #tpu.memory_space<vmem>>
      %dma_start3A_100 = tpu.memref_squeeze %dma_start3A_99 : memref<1x128xi32, #tpu.memory_space<vmem>> -> memref<128xi32, #tpu.memory_space<vmem>>
      %dma_start3A_101 = arith.constant 0 : i32
      %dma_start3A_102 = arith.constant 0 : i32
      %dma_start3A_103 = tpu.memref_slice %arg2[%dma_start3A_101, %dma_start3A_102] : memref<10000x128xf32, #tpu.memory_space<hbm>> -> memref<10000x128xf32, #tpu.memory_space<hbm>>
      tpu.enqueue_indirect_dma source(%dma_start3A_103 : memref<10000x128xf32, #tpu.memory_space<hbm>>) target(%arg8 : memref<128x128xf32, #tpu.memory_space<vmem>>) offsets(%dma_start3A_100 : memref<128xi32, #tpu.memory_space<vmem>>) semaphore(%arg11 : memref<!tpu.dma_semaphore, #tpu.memory_space<semaphore_mem>>)
      %scan3A_104 = arith.constant 0 : i32
      %scan3A_105 = arith.constant 0 : i32
      %scan3A_106 = arith.constant 19 : i32
      %scan3A_107 = arith.addi %scan3A_105, %scan3A_106 : i32
      %scan3A_108 = arith.constant 1 : i32
      %scan3A_109 = scf.for %scan3A_217 = %scan3A_105 to %scan3A_107 step %scan3A_108 iter_args(%scan3A_218 = %scan3A_104) -> (i32)  : i32 {
        %mul3A_219 = arith.constant 2 : i32
        %mul3A_220 = arith.muli %mul3A_219, %scan3A_217 : i32
        %dma_wait3A_221 = arith.constant 0 : i32
        %dma_wait3A_222 = tpu.memref_slice %arg5[%mul3A_220, %dma_wait3A_221] : memref<40x128xi32, #tpu.memory_space<vmem>> -> memref<1x128xi32, #tpu.memory_space<vmem>>
        %dma_wait3A_223 = tpu.memref_squeeze %dma_wait3A_222 : memref<1x128xi32, #tpu.memory_space<vmem>> -> memref<128xi32, #tpu.memory_space<vmem>>
        %dma_wait3A_224 = arith.constant 0 : i32
        %dma_wait3A_225 = arith.constant 0 : i32
        %dma_wait3A_226 = tpu.memref_slice %arg2[%dma_wait3A_224, %dma_wait3A_225] : memref<10000x128xf32, #tpu.memory_space<hbm>> -> memref<10000x128xf32, #tpu.memory_space<hbm>>
        tpu.wait_indirect_dma semaphore(%arg10 : memref<!tpu.dma_semaphore, #tpu.memory_space<semaphore_mem>>) src(%dma_wait3A_226 : memref<10000x128xf32, #tpu.memory_space<hbm>>) dst(%arg7 : memref<128x128xf32, #tpu.memory_space<vmem>>)
        "tpu.region"() ({
          %run_scoped3A_254 = tpu.sem_alloc : memref<!tpu.dma_semaphore, #tpu.memory_space<semaphore_mem>>
          %dma_start3A_255 = arith.constant 0 : i32
          %dma_start3A_256 = tpu.memref_slice %arg6[%mul3A_220, %dma_start3A_255] : memref<40x128xi32, #tpu.memory_space<vmem>> -> memref<1x128xi32, #tpu.memory_space<vmem>>
          %dma_start3A_257 = tpu.memref_squeeze %dma_start3A_256 : memref<1x128xi32, #tpu.memory_space<vmem>> -> memref<128xi32, #tpu.memory_space<vmem>>
          %dma_start3A_258 = arith.constant 0 : i32
          %dma_start3A_259 = arith.constant 0 : i32
          %dma_start3A_260 = tpu.memref_slice %arg9[%dma_start3A_258, %dma_start3A_259] : memref<10240x128xf32, #tpu.memory_space<vmem_shared>> -> memref<10240x128xf32, #tpu.memory_space<vmem_shared>>
          tpu.enqueue_indirect_dma source(%arg7 : memref<128x128xf32, #tpu.memory_space<vmem>>) target(%dma_start3A_260 : memref<10240x128xf32, #tpu.memory_space<vmem_shared>>) offsets(%dma_start3A_257 : memref<128xi32, #tpu.memory_space<vmem>>) semaphore(%run_scoped3A_254 : memref<!tpu.dma_semaphore, #tpu.memory_space<semaphore_mem>>) {add = true}
          %dma_wait3A_261 = arith.constant 0 : i32
          %dma_wait3A_262 = tpu.memref_slice %arg6[%mul3A_220, %dma_wait3A_261] : memref<40x128xi32, #tpu.memory_space<vmem>> -> memref<1x128xi32, #tpu.memory_space<vmem>>
          %dma_wait3A_263 = tpu.memref_squeeze %dma_wait3A_262 : memref<1x128xi32, #tpu.memory_space<vmem>> -> memref<128xi32, #tpu.memory_space<vmem>>
          %dma_wait3A_264 = arith.constant 0 : i32
          %dma_wait3A_265 = arith.constant 0 : i32
          %dma_wait3A_266 = tpu.memref_slice %arg9[%dma_wait3A_264, %dma_wait3A_265] : memref<10240x128xf32, #tpu.memory_space<vmem_shared>> -> memref<10240x128xf32, #tpu.memory_space<vmem_shared>>
          tpu.wait_indirect_dma semaphore(%run_scoped3A_254 : memref<!tpu.dma_semaphore, #tpu.memory_space<semaphore_mem>>) src(%arg7 : memref<128x128xf32, #tpu.memory_space<vmem>>) dst(%dma_wait3A_266 : memref<10240x128xf32, #tpu.memory_space<vmem_shared>>)
          tpu.yield
        }) : () -> ()
        %add3A_227 = arith.constant 2 : i32
        %add3A_228 = arith.addi %mul3A_220, %add3A_227 : i32
        %dma_start3A_229 = arith.constant 0 : i32
        %dma_start3A_230 = tpu.memref_slice %arg5[%add3A_228, %dma_start3A_229] : memref<40x128xi32, #tpu.memory_space<vmem>> -> memref<1x128xi32, #tpu.memory_space<vmem>>
        %dma_start3A_231 = tpu.memref_squeeze %dma_start3A_230 : memref<1x128xi32, #tpu.memory_space<vmem>> -> memref<128xi32, #tpu.memory_space<vmem>>
        %dma_start3A_232 = arith.constant 0 : i32
        %dma_start3A_233 = arith.constant 0 : i32
        %dma_start3A_234 = tpu.memref_slice %arg2[%dma_start3A_232, %dma_start3A_233] : memref<10000x128xf32, #tpu.memory_space<hbm>> -> memref<10000x128xf32, #tpu.memory_space<hbm>>
        tpu.enqueue_indirect_dma source(%dma_start3A_234 : memref<10000x128xf32, #tpu.memory_space<hbm>>) target(%arg7 : memref<128x128xf32, #tpu.memory_space<vmem>>) offsets(%dma_start3A_231 : memref<128xi32, #tpu.memory_space<vmem>>) semaphore(%arg10 : memref<!tpu.dma_semaphore, #tpu.memory_space<semaphore_mem>>)
        %add3A_235 = arith.constant 1 : i32
        %add3A_236 = arith.addi %mul3A_220, %add3A_235 : i32
        %dma_wait3A_237 = arith.constant 0 : i32
        %dma_wait3A_238 = tpu.memref_slice %arg5[%add3A_236, %dma_wait3A_237] : memref<40x128xi32, #tpu.memory_space<vmem>> -> memref<1x128xi32, #tpu.memory_space<vmem>>
        %dma_wait3A_239 = tpu.memref_squeeze %dma_wait3A_238 : memref<1x128xi32, #tpu.memory_space<vmem>> -> memref<128xi32, #tpu.memory_space<vmem>>
        %dma_wait3A_240 = arith.constant 0 : i32
        %dma_wait3A_241 = arith.constant 0 : i32
        %dma_wait3A_242 = tpu.memref_slice %arg2[%dma_wait3A_240, %dma_wait3A_241] : memref<10000x128xf32, #tpu.memory_space<hbm>> -> memref<10000x128xf32, #tpu.memory_space<hbm>>
        tpu.wait_indirect_dma semaphore(%arg11 : memref<!tpu.dma_semaphore, #tpu.memory_space<semaphore_mem>>) src(%dma_wait3A_242 : memref<10000x128xf32, #tpu.memory_space<hbm>>) dst(%arg8 : memref<128x128xf32, #tpu.memory_space<vmem>>)
        %add3A_243 = arith.constant 1 : i32
        %add3A_244 = arith.addi %mul3A_220, %add3A_243 : i32
        "tpu.region"() ({
          %run_scoped3A_254 = tpu.sem_alloc : memref<!tpu.dma_semaphore, #tpu.memory_space<semaphore_mem>>
          %dma_start3A_255 = arith.constant 0 : i32
          %dma_start3A_256 = tpu.memref_slice %arg6[%add3A_244, %dma_start3A_255] : memref<40x128xi32, #tpu.memory_space<vmem>> -> memref<1x128xi32, #tpu.memory_space<vmem>>
          %dma_start3A_257 = tpu.memref_squeeze %dma_start3A_256 : memref<1x128xi32, #tpu.memory_space<vmem>> -> memref<128xi32, #tpu.memory_space<vmem>>
          %dma_start3A_258 = arith.constant 0 : i32
          %dma_start3A_259 = arith.constant 0 : i32
          %dma_start3A_260 = tpu.memref_slice %arg9[%dma_start3A_258, %dma_start3A_259] : memref<10240x128xf32, #tpu.memory_space<vmem_shared>> -> memref<10240x128xf32, #tpu.memory_space<vmem_shared>>
          tpu.enqueue_indirect_dma source(%arg8 : memref<128x128xf32, #tpu.memory_space<vmem>>) target(%dma_start3A_260 : memref<10240x128xf32, #tpu.memory_space<vmem_shared>>) offsets(%dma_start3A_257 : memref<128xi32, #tpu.memory_space<vmem>>) semaphore(%run_scoped3A_254 : memref<!tpu.dma_semaphore, #tpu.memory_space<semaphore_mem>>) {add = true}
          %dma_wait3A_261 = arith.constant 0 : i32
          %dma_wait3A_262 = tpu.memref_slice %arg6[%add3A_244, %dma_wait3A_261] : memref<40x128xi32, #tpu.memory_space<vmem>> -> memref<1x128xi32, #tpu.memory_space<vmem>>
          %dma_wait3A_263 = tpu.memref_squeeze %dma_wait3A_262 : memref<1x128xi32, #tpu.memory_space<vmem>> -> memref<128xi32, #tpu.memory_space<vmem>>
          %dma_wait3A_264 = arith.constant 0 : i32
          %dma_wait3A_265 = arith.constant 0 : i32
          %dma_wait3A_266 = tpu.memref_slice %arg9[%dma_wait3A_264, %dma_wait3A_265] : memref<10240x128xf32, #tpu.memory_space<vmem_shared>> -> memref<10240x128xf32, #tpu.memory_space<vmem_shared>>
          tpu.wait_indirect_dma semaphore(%run_scoped3A_254 : memref<!tpu.dma_semaphore, #tpu.memory_space<semaphore_mem>>) src(%arg8 : memref<128x128xf32, #tpu.memory_space<vmem>>) dst(%dma_wait3A_266 : memref<10240x128xf32, #tpu.memory_space<vmem_shared>>)
          tpu.yield
        }) : () -> ()
        %add3A_245 = arith.constant 3 : i32
        %add3A_246 = arith.addi %mul3A_220, %add3A_245 : i32
        %dma_start3A_247 = arith.constant 0 : i32
        %dma_start3A_248 = tpu.memref_slice %arg5[%add3A_246, %dma_start3A_247] : memref<40x128xi32, #tpu.memory_space<vmem>> -> memref<1x128xi32, #tpu.memory_space<vmem>>
        %dma_start3A_249 = tpu.memref_squeeze %dma_start3A_248 : memref<1x128xi32, #tpu.memory_space<vmem>> -> memref<128xi32, #tpu.memory_space<vmem>>
        %dma_start3A_250 = arith.constant 0 : i32
        %dma_start3A_251 = arith.constant 0 : i32
        %dma_start3A_252 = tpu.memref_slice %arg2[%dma_start3A_250, %dma_start3A_251] : memref<10000x128xf32, #tpu.memory_space<hbm>> -> memref<10000x128xf32, #tpu.memory_space<hbm>>
        tpu.enqueue_indirect_dma source(%dma_start3A_252 : memref<10000x128xf32, #tpu.memory_space<hbm>>) target(%arg8 : memref<128x128xf32, #tpu.memory_space<vmem>>) offsets(%dma_start3A_249 : memref<128xi32, #tpu.memory_space<vmem>>) semaphore(%arg11 : memref<!tpu.dma_semaphore, #tpu.memory_space<semaphore_mem>>)
        %scan3A_253 = arith.constant 0 : i32
        scf.yield %scan3A_253 : i32
      }
      %scan3A_110 = arith.constant 19 : i32
      %dma_wait3A_111 = arith.constant 38 : i32
      %dma_wait3A_112 = arith.constant 0 : i32
      %dma_wait3A_113 = tpu.memref_slice %arg5[%dma_wait3A_111, %dma_wait3A_112] : memref<40x128xi32, #tpu.memory_space<vmem>> -> memref<1x128xi32, #tpu.memory_space<vmem>>
      %dma_wait3A_114 = tpu.memref_squeeze %dma_wait3A_113 : memref<1x128xi32, #tpu.memory_space<vmem>> -> memref<128xi32, #tpu.memory_space<vmem>>
      %dma_wait3A_115 = arith.constant 0 : i32
      %dma_wait3A_116 = arith.constant 0 : i32
      %dma_wait3A_117 = tpu.memref_slice %arg2[%dma_wait3A_115, %dma_wait3A_116] : memref<10000x128xf32, #tpu.memory_space<hbm>> -> memref<10000x128xf32, #tpu.memory_space<hbm>>
      tpu.wait_indirect_dma semaphore(%arg10 : memref<!tpu.dma_semaphore, #tpu.memory_space<semaphore_mem>>) src(%dma_wait3A_117 : memref<10000x128xf32, #tpu.memory_space<hbm>>) dst(%arg7 : memref<128x128xf32, #tpu.memory_space<vmem>>)
      %run_scoped3A = arith.constant 38 : i32
      "tpu.region"() ({
        %run_scoped3A_217 = tpu.sem_alloc : memref<!tpu.dma_semaphore, #tpu.memory_space<semaphore_mem>>
        %dma_start3A_218 = arith.constant 0 : i32
        %dma_start3A_219 = tpu.memref_slice %arg6[%run_scoped3A, %dma_start3A_218] : memref<40x128xi32, #tpu.memory_space<vmem>> -> memref<1x128xi32, #tpu.memory_space<vmem>>
        %dma_start3A_220 = tpu.memref_squeeze %dma_start3A_219 : memref<1x128xi32, #tpu.memory_space<vmem>> -> memref<128xi32, #tpu.memory_space<vmem>>
        %dma_start3A_221 = arith.constant 0 : i32
        %dma_start3A_222 = arith.constant 0 : i32
        %dma_start3A_223 = tpu.memref_slice %arg9[%dma_start3A_221, %dma_start3A_222] : memref<10240x128xf32, #tpu.memory_space<vmem_shared>> -> memref<10240x128xf32, #tpu.memory_space<vmem_shared>>
        tpu.enqueue_indirect_dma source(%arg7 : memref<128x128xf32, #tpu.memory_space<vmem>>) target(%dma_start3A_223 : memref<10240x128xf32, #tpu.memory_space<vmem_shared>>) offsets(%dma_start3A_220 : memref<128xi32, #tpu.memory_space<vmem>>) semaphore(%run_scoped3A_217 : memref<!tpu.dma_semaphore, #tpu.memory_space<semaphore_mem>>) {add = true}
        %dma_wait3A_224 = arith.constant 0 : i32
        %dma_wait3A_225 = tpu.memref_slice %arg6[%run_scoped3A, %dma_wait3A_224] : memref<40x128xi32, #tpu.memory_space<vmem>> -> memref<1x128xi32, #tpu.memory_space<vmem>>
        %dma_wait3A_226 = tpu.memref_squeeze %dma_wait3A_225 : memref<1x128xi32, #tpu.memory_space<vmem>> -> memref<128xi32, #tpu.memory_space<vmem>>
        %dma_wait3A_227 = arith.constant 0 : i32
        %dma_wait3A_228 = arith.constant 0 : i32
        %dma_wait3A_229 = tpu.memref_slice %arg9[%dma_wait3A_227, %dma_wait3A_228] : memref<10240x128xf32, #tpu.memory_space<vmem_shared>> -> memref<10240x128xf32, #tpu.memory_space<vmem_shared>>
        tpu.wait_indirect_dma semaphore(%run_scoped3A_217 : memref<!tpu.dma_semaphore, #tpu.memory_space<semaphore_mem>>) src(%arg7 : memref<128x128xf32, #tpu.memory_space<vmem>>) dst(%dma_wait3A_229 : memref<10240x128xf32, #tpu.memory_space<vmem_shared>>)
        tpu.yield
      }) : () -> ()
      %dma_wait3A_118 = arith.constant 39 : i32
      %dma_wait3A_119 = arith.constant 0 : i32
      %dma_wait3A_120 = tpu.memref_slice %arg5[%dma_wait3A_118, %dma_wait3A_119] : memref<40x128xi32, #tpu.memory_space<vmem>> -> memref<1x128xi32, #tpu.memory_space<vmem>>
      %dma_wait3A_121 = tpu.memref_squeeze %dma_wait3A_120 : memref<1x128xi32, #tpu.memory_space<vmem>> -> memref<128xi32, #tpu.memory_space<vmem>>
      %dma_wait3A_122 = arith.constant 0 : i32
      %dma_wait3A_123 = arith.constant 0 : i32
      %dma_wait3A_124 = tpu.memref_slice %arg2[%dma_wait3A_122, %dma_wait3A_123] : memref<10000x128xf32, #tpu.memory_space<hbm>> -> memref<10000x128xf32, #tpu.memory_space<hbm>>
      tpu.wait_indirect_dma semaphore(%arg11 : memref<!tpu.dma_semaphore, #tpu.memory_space<semaphore_mem>>) src(%dma_wait3A_124 : memref<10000x128xf32, #tpu.memory_space<hbm>>) dst(%arg8 : memref<128x128xf32, #tpu.memory_space<vmem>>)
      %run_scoped3A_125 = arith.constant 39 : i32
      "tpu.region"() ({
        %run_scoped3A_217 = tpu.sem_alloc : memref<!tpu.dma_semaphore, #tpu.memory_space<semaphore_mem>>
        %dma_start3A_218 = arith.constant 0 : i32
        %dma_start3A_219 = tpu.memref_slice %arg6[%run_scoped3A_125, %dma_start3A_218] : memref<40x128xi32, #tpu.memory_space<vmem>> -> memref<1x128xi32, #tpu.memory_space<vmem>>
        %dma_start3A_220 = tpu.memref_squeeze %dma_start3A_219 : memref<1x128xi32, #tpu.memory_space<vmem>> -> memref<128xi32, #tpu.memory_space<vmem>>
        %dma_start3A_221 = arith.constant 0 : i32
        %dma_start3A_222 = arith.constant 0 : i32
        %dma_start3A_223 = tpu.memref_slice %arg9[%dma_start3A_221, %dma_start3A_222] : memref<10240x128xf32, #tpu.memory_space<vmem_shared>> -> memref<10240x128xf32, #tpu.memory_space<vmem_shared>>
        tpu.enqueue_indirect_dma source(%arg8 : memref<128x128xf32, #tpu.memory_space<vmem>>) target(%dma_start3A_223 : memref<10240x128xf32, #tpu.memory_space<vmem_shared>>) offsets(%dma_start3A_220 : memref<128xi32, #tpu.memory_space<vmem>>) semaphore(%run_scoped3A_217 : memref<!tpu.dma_semaphore, #tpu.memory_space<semaphore_mem>>) {add = true}
        %dma_wait3A_224 = arith.constant 0 : i32
        %dma_wait3A_225 = tpu.memref_slice %arg6[%run_scoped3A_125, %dma_wait3A_224] : memref<40x128xi32, #tpu.memory_space<vmem>> -> memref<1x128xi32, #tpu.memory_space<vmem>>
        %dma_wait3A_226 = tpu.memref_squeeze %dma_wait3A_225 : memref<1x128xi32, #tpu.memory_space<vmem>> -> memref<128xi32, #tpu.memory_space<vmem>>
        %dma_wait3A_227 = arith.constant 0 : i32
        %dma_wait3A_228 = arith.constant 0 : i32
        %dma_wait3A_229 = tpu.memref_slice %arg9[%dma_wait3A_227, %dma_wait3A_228] : memref<10240x128xf32, #tpu.memory_space<vmem_shared>> -> memref<10240x128xf32, #tpu.memory_space<vmem_shared>>
        tpu.wait_indirect_dma semaphore(%run_scoped3A_217 : memref<!tpu.dma_semaphore, #tpu.memory_space<semaphore_mem>>) src(%arg8 : memref<128x128xf32, #tpu.memory_space<vmem>>) dst(%dma_wait3A_229 : memref<10240x128xf32, #tpu.memory_space<vmem_shared>>)
        tpu.yield
      }) : () -> ()
      %add3A_126 = arith.constant 40 : i32
      %add3A_127 = arith.addi %mul3A_2, %add3A_126 : i32
      %dma_start3A_128 = arith.constant 0 : i32
      %dma_start3A_129 = arith.constant 0 : i32
      %dma_start3A_130 = arith.constant 0 : i32
      %dma_start3A_131 = tpu.memref_slice %arg5[%dma_start3A_129, %dma_start3A_130] : memref<40x128xi32, #tpu.memory_space<vmem>> -> memref<40x128xi32, #tpu.memory_space<vmem>>
      %dma_start3A_132 = arith.constant 0 : i32
      %dma_start3A_133 = tpu.memref_slice %arg3[%dma_start3A_128, %add3A_127, %dma_start3A_132] : memref<2x2504x128xi32, #tpu.memory_space<hbm>> -> memref<1x40x128xi32, #tpu.memory_space<hbm>>
      %dma_start3A_134 = tpu.memref_squeeze %dma_start3A_133 : memref<1x40x128xi32, #tpu.memory_space<hbm>> -> memref<40x128xi32, #tpu.memory_space<hbm>>
      %dma_start3A_135 = arith.constant 0 : i32
      %dma_start3A_136 = arith.constant 0 : i32
      %dma_start3A_137 = tpu.memref_slice %arg5[%dma_start3A_135, %dma_start3A_136] : memref<40x128xi32, #tpu.memory_space<vmem>> -> memref<40x128xi32, #tpu.memory_space<vmem>>
      %dma_start3A_138 = arith.constant 0 : i32
      %dma_start3A_139 = tpu.memref_slice %arg3[%dma_start3A_128, %add3A_127, %dma_start3A_138] : memref<2x2504x128xi32, #tpu.memory_space<hbm>> -> memref<1x40x128xi32, #tpu.memory_space<hbm>>
      %dma_start3A_140 = tpu.memref_squeeze %dma_start3A_139 : memref<1x40x128xi32, #tpu.memory_space<hbm>> -> memref<40x128xi32, #tpu.memory_space<hbm>>
      tpu.enqueue_dma source(%dma_start3A_140 : memref<40x128xi32, #tpu.memory_space<hbm>>) target(%dma_start3A_137 : memref<40x128xi32, #tpu.memory_space<vmem>>) target_semaphore(%arg10 : memref<!tpu.dma_semaphore, #tpu.memory_space<semaphore_mem>>)
      %dma_start3A_141 = arith.constant 1 : i32
      %dma_start3A_142 = arith.constant 0 : i32
      %dma_start3A_143 = arith.constant 0 : i32
      %dma_start3A_144 = tpu.memref_slice %arg6[%dma_start3A_142, %dma_start3A_143] : memref<40x128xi32, #tpu.memory_space<vmem>> -> memref<40x128xi32, #tpu.memory_space<vmem>>
      %dma_start3A_145 = arith.constant 0 : i32
      %dma_start3A_146 = tpu.memref_slice %arg3[%dma_start3A_141, %add3A_127, %dma_start3A_145] : memref<2x2504x128xi32, #tpu.memory_space<hbm>> -> memref<1x40x128xi32, #tpu.memory_space<hbm>>
      %dma_start3A_147 = tpu.memref_squeeze %dma_start3A_146 : memref<1x40x128xi32, #tpu.memory_space<hbm>> -> memref<40x128xi32, #tpu.memory_space<hbm>>
      %dma_start3A_148 = arith.constant 0 : i32
      %dma_start3A_149 = arith.constant 0 : i32
      %dma_start3A_150 = tpu.memref_slice %arg6[%dma_start3A_148, %dma_start3A_149] : memref<40x128xi32, #tpu.memory_space<vmem>> -> memref<40x128xi32, #tpu.memory_space<vmem>>
      %dma_start3A_151 = arith.constant 0 : i32
      %dma_start3A_152 = tpu.memref_slice %arg3[%dma_start3A_141, %add3A_127, %dma_start3A_151] : memref<2x2504x128xi32, #tpu.memory_space<hbm>> -> memref<1x40x128xi32, #tpu.memory_space<hbm>>
      %dma_start3A_153 = tpu.memref_squeeze %dma_start3A_152 : memref<1x40x128xi32, #tpu.memory_space<hbm>> -> memref<40x128xi32, #tpu.memory_space<hbm>>
      tpu.enqueue_dma source(%dma_start3A_153 : memref<40x128xi32, #tpu.memory_space<hbm>>) target(%dma_start3A_150 : memref<40x128xi32, #tpu.memory_space<vmem>>) target_semaphore(%arg11 : memref<!tpu.dma_semaphore, #tpu.memory_space<semaphore_mem>>)
      %dma_wait3A_154 = arith.constant 0 : i32
      %dma_wait3A_155 = arith.constant 0 : i32
      %dma_wait3A_156 = arith.constant 0 : i32
      %dma_wait3A_157 = tpu.memref_slice %arg5[%dma_wait3A_155, %dma_wait3A_156] : memref<40x128xi32, #tpu.memory_space<vmem>> -> memref<40x128xi32, #tpu.memory_space<vmem>>
      %dma_wait3A_158 = arith.constant 0 : i32
      %dma_wait3A_159 = tpu.memref_slice %arg3[%dma_wait3A_154, %add3A_127, %dma_wait3A_158] : memref<2x2504x128xi32, #tpu.memory_space<hbm>> -> memref<1x40x128xi32, #tpu.memory_space<hbm>>
      %dma_wait3A_160 = tpu.memref_squeeze %dma_wait3A_159 : memref<1x40x128xi32, #tpu.memory_space<hbm>> -> memref<40x128xi32, #tpu.memory_space<hbm>>
      %dma_wait3A_161 = arith.constant 0 : i32
      %dma_wait3A_162 = arith.constant 0 : i32
      %dma_wait3A_163 = tpu.memref_slice %arg5[%dma_wait3A_161, %dma_wait3A_162] : memref<40x128xi32, #tpu.memory_space<vmem>> -> memref<40x128xi32, #tpu.memory_space<vmem>>
      %dma_wait3A_164 = arith.constant 0 : i32
      %dma_wait3A_165 = tpu.memref_slice %arg3[%dma_wait3A_154, %add3A_127, %dma_wait3A_164] : memref<2x2504x128xi32, #tpu.memory_space<hbm>> -> memref<1x40x128xi32, #tpu.memory_space<hbm>>
      %dma_wait3A_166 = tpu.memref_squeeze %dma_wait3A_165 : memref<1x40x128xi32, #tpu.memory_space<hbm>> -> memref<40x128xi32, #tpu.memory_space<hbm>>
      tpu.wait_dma2 semaphore(%arg10 : memref<!tpu.dma_semaphore, #tpu.memory_space<semaphore_mem>>) src(%dma_wait3A_166 : memref<40x128xi32, #tpu.memory_space<hbm>>) dst(%dma_wait3A_163 : memref<40x128xi32, #tpu.memory_space<vmem>>)
      %dma_wait3A_167 = arith.constant 1 : i32
      %dma_wait3A_168 = arith.constant 0 : i32
      %dma_wait3A_169 = arith.constant 0 : i32
      %dma_wait3A_170 = tpu.memref_slice %arg6[%dma_wait3A_168, %dma_wait3A_169] : memref<40x128xi32, #tpu.memory_space<vmem>> -> memref<40x128xi32, #tpu.memory_space<vmem>>
      %dma_wait3A_171 = arith.constant 0 : i32
      %dma_wait3A_172 = tpu.memref_slice %arg3[%dma_wait3A_167, %add3A_127, %dma_wait3A_171] : memref<2x2504x128xi32, #tpu.memory_space<hbm>> -> memref<1x40x128xi32, #tpu.memory_space<hbm>>
      %dma_wait3A_173 = tpu.memref_squeeze %dma_wait3A_172 : memref<1x40x128xi32, #tpu.memory_space<hbm>> -> memref<40x128xi32, #tpu.memory_space<hbm>>
      %dma_wait3A_174 = arith.constant 0 : i32
      %dma_wait3A_175 = arith.constant 0 : i32
      %dma_wait3A_176 = tpu.memref_slice %arg6[%dma_wait3A_174, %dma_wait3A_175] : memref<40x128xi32, #tpu.memory_space<vmem>> -> memref<40x128xi32, #tpu.memory_space<vmem>>
      %dma_wait3A_177 = arith.constant 0 : i32
      %dma_wait3A_178 = tpu.memref_slice %arg3[%dma_wait3A_167, %add3A_127, %dma_wait3A_177] : memref<2x2504x128xi32, #tpu.memory_space<hbm>> -> memref<1x40x128xi32, #tpu.memory_space<hbm>>
      %dma_wait3A_179 = tpu.memref_squeeze %dma_wait3A_178 : memref<1x40x128xi32, #tpu.memory_space<hbm>> -> memref<40x128xi32, #tpu.memory_space<hbm>>
      tpu.wait_dma2 semaphore(%arg11 : memref<!tpu.dma_semaphore, #tpu.memory_space<semaphore_mem>>) src(%dma_wait3A_179 : memref<40x128xi32, #tpu.memory_space<hbm>>) dst(%dma_wait3A_176 : memref<40x128xi32, #tpu.memory_space<vmem>>)
      %dma_start3A_180 = arith.constant 0 : i32
      %dma_start3A_181 = arith.constant 0 : i32
      %dma_start3A_182 = tpu.memref_slice %arg5[%dma_start3A_180, %dma_start3A_181] : memref<40x128xi32, #tpu.memory_space<vmem>> -> memref<1x128xi32, #tpu.memory_space<vmem>>
      %dma_start3A_183 = tpu.memref_squeeze %dma_start3A_182 : memref<1x128xi32, #tpu.memory_space<vmem>> -> memref<128xi32, #tpu.memory_space<vmem>>
      %dma_start3A_184 = arith.constant 0 : i32
      %dma_start3A_185 = arith.constant 0 : i32
      %dma_start3A_186 = tpu.memref_slice %arg2[%dma_start3A_184, %dma_start3A_185] : memref<10000x128xf32, #tpu.memory_space<hbm>> -> memref<10000x128xf32, #tpu.memory_space<hbm>>
      tpu.enqueue_indirect_dma source(%dma_start3A_186 : memref<10000x128xf32, #tpu.memory_space<hbm>>) target(%arg7 : memref<128x128xf32, #tpu.memory_space<vmem>>) offsets(%dma_start3A_183 : memref<128xi32, #tpu.memory_space<vmem>>) semaphore(%arg10 : memref<!tpu.dma_semaphore, #tpu.memory_space<semaphore_mem>>)
      %dma_start3A_187 = arith.constant 1 : i32
      %dma_start3A_188 = arith.constant 0 : i32
      %dma_start3A_189 = tpu.memref_slice %arg5[%dma_start3A_187, %dma_start3A_188] : memref<40x128xi32, #tpu.memory_space<vmem>> -> memref<1x128xi32, #tpu.memory_space<vmem>>
      %dma_start3A_190 = tpu.memref_squeeze %dma_start3A_189 : memref<1x128xi32, #tpu.memory_space<vmem>> -> memref<128xi32, #tpu.memory_space<vmem>>
      %dma_start3A_191 = arith.constant 0 : i32
      %dma_start3A_192 = arith.constant 0 : i32
      %dma_start3A_193 = tpu.memref_slice %arg2[%dma_start3A_191, %dma_start3A_192] : memref<10000x128xf32, #tpu.memory_space<hbm>> -> memref<10000x128xf32, #tpu.memory_space<hbm>>
      tpu.enqueue_indirect_dma source(%dma_start3A_193 : memref<10000x128xf32, #tpu.memory_space<hbm>>) target(%arg8 : memref<128x128xf32, #tpu.memory_space<vmem>>) offsets(%dma_start3A_190 : memref<128xi32, #tpu.memory_space<vmem>>) semaphore(%arg11 : memref<!tpu.dma_semaphore, #tpu.memory_space<semaphore_mem>>)
      %scan3A_194 = arith.constant 0 : i32
      %scan3A_195 = arith.constant 0 : i32
      %scan3A_196 = arith.constant 19 : i32
      %scan3A_197 = arith.addi %scan3A_195, %scan3A_196 : i32
      %scan3A_198 = arith.constant 1 : i32
      %scan3A_199 = scf.for %scan3A_217 = %scan3A_195 to %scan3A_197 step %scan3A_198 iter_args(%scan3A_218 = %scan3A_194) -> (i32)  : i32 {
        %mul3A_219 = arith.constant 2 : i32
        %mul3A_220 = arith.muli %mul3A_219, %scan3A_217 : i32
        %dma_wait3A_221 = arith.constant 0 : i32
        %dma_wait3A_222 = tpu.memref_slice %arg5[%mul3A_220, %dma_wait3A_221] : memref<40x128xi32, #tpu.memory_space<vmem>> -> memref<1x128xi32, #tpu.memory_space<vmem>>
        %dma_wait3A_223 = tpu.memref_squeeze %dma_wait3A_222 : memref<1x128xi32, #tpu.memory_space<vmem>> -> memref<128xi32, #tpu.memory_space<vmem>>
        %dma_wait3A_224 = arith.constant 0 : i32
        %dma_wait3A_225 = arith.constant 0 : i32
        %dma_wait3A_226 = tpu.memref_slice %arg2[%dma_wait3A_224, %dma_wait3A_225] : memref<10000x128xf32, #tpu.memory_space<hbm>> -> memref<10000x128xf32, #tpu.memory_space<hbm>>
        tpu.wait_indirect_dma semaphore(%arg10 : memref<!tpu.dma_semaphore, #tpu.memory_space<semaphore_mem>>) src(%dma_wait3A_226 : memref<10000x128xf32, #tpu.memory_space<hbm>>) dst(%arg7 : memref<128x128xf32, #tpu.memory_space<vmem>>)
        "tpu.region"() ({
          %run_scoped3A_254 = tpu.sem_alloc : memref<!tpu.dma_semaphore, #tpu.memory_space<semaphore_mem>>
          %dma_start3A_255 = arith.constant 0 : i32
          %dma_start3A_256 = tpu.memref_slice %arg6[%mul3A_220, %dma_start3A_255] : memref<40x128xi32, #tpu.memory_space<vmem>> -> memref<1x128xi32, #tpu.memory_space<vmem>>
          %dma_start3A_257 = tpu.memref_squeeze %dma_start3A_256 : memref<1x128xi32, #tpu.memory_space<vmem>> -> memref<128xi32, #tpu.memory_space<vmem>>
          %dma_start3A_258 = arith.constant 0 : i32
          %dma_start3A_259 = arith.constant 0 : i32
          %dma_start3A_260 = tpu.memref_slice %arg9[%dma_start3A_258, %dma_start3A_259] : memref<10240x128xf32, #tpu.memory_space<vmem_shared>> -> memref<10240x128xf32, #tpu.memory_space<vmem_shared>>
          tpu.enqueue_indirect_dma source(%arg7 : memref<128x128xf32, #tpu.memory_space<vmem>>) target(%dma_start3A_260 : memref<10240x128xf32, #tpu.memory_space<vmem_shared>>) offsets(%dma_start3A_257 : memref<128xi32, #tpu.memory_space<vmem>>) semaphore(%run_scoped3A_254 : memref<!tpu.dma_semaphore, #tpu.memory_space<semaphore_mem>>) {add = true}
          %dma_wait3A_261 = arith.constant 0 : i32
          %dma_wait3A_262 = tpu.memref_slice %arg6[%mul3A_220, %dma_wait3A_261] : memref<40x128xi32, #tpu.memory_space<vmem>> -> memref<1x128xi32, #tpu.memory_space<vmem>>
          %dma_wait3A_263 = tpu.memref_squeeze %dma_wait3A_262 : memref<1x128xi32, #tpu.memory_space<vmem>> -> memref<128xi32, #tpu.memory_space<vmem>>
          %dma_wait3A_264 = arith.constant 0 : i32
          %dma_wait3A_265 = arith.constant 0 : i32
          %dma_wait3A_266 = tpu.memref_slice %arg9[%dma_wait3A_264, %dma_wait3A_265] : memref<10240x128xf32, #tpu.memory_space<vmem_shared>> -> memref<10240x128xf32, #tpu.memory_space<vmem_shared>>
          tpu.wait_indirect_dma semaphore(%run_scoped3A_254 : memref<!tpu.dma_semaphore, #tpu.memory_space<semaphore_mem>>) src(%arg7 : memref<128x128xf32, #tpu.memory_space<vmem>>) dst(%dma_wait3A_266 : memref<10240x128xf32, #tpu.memory_space<vmem_shared>>)
          tpu.yield
        }) : () -> ()
        %add3A_227 = arith.constant 2 : i32
        %add3A_228 = arith.addi %mul3A_220, %add3A_227 : i32
        %dma_start3A_229 = arith.constant 0 : i32
        %dma_start3A_230 = tpu.memref_slice %arg5[%add3A_228, %dma_start3A_229] : memref<40x128xi32, #tpu.memory_space<vmem>> -> memref<1x128xi32, #tpu.memory_space<vmem>>
        %dma_start3A_231 = tpu.memref_squeeze %dma_start3A_230 : memref<1x128xi32, #tpu.memory_space<vmem>> -> memref<128xi32, #tpu.memory_space<vmem>>
        %dma_start3A_232 = arith.constant 0 : i32
        %dma_start3A_233 = arith.constant 0 : i32
        %dma_start3A_234 = tpu.memref_slice %arg2[%dma_start3A_232, %dma_start3A_233] : memref<10000x128xf32, #tpu.memory_space<hbm>> -> memref<10000x128xf32, #tpu.memory_space<hbm>>
        tpu.enqueue_indirect_dma source(%dma_start3A_234 : memref<10000x128xf32, #tpu.memory_space<hbm>>) target(%arg7 : memref<128x128xf32, #tpu.memory_space<vmem>>) offsets(%dma_start3A_231 : memref<128xi32, #tpu.memory_space<vmem>>) semaphore(%arg10 : memref<!tpu.dma_semaphore, #tpu.memory_space<semaphore_mem>>)
        %add3A_235 = arith.constant 1 : i32
        %add3A_236 = arith.addi %mul3A_220, %add3A_235 : i32
        %dma_wait3A_237 = arith.constant 0 : i32
        %dma_wait3A_238 = tpu.memref_slice %arg5[%add3A_236, %dma_wait3A_237] : memref<40x128xi32, #tpu.memory_space<vmem>> -> memref<1x128xi32, #tpu.memory_space<vmem>>
        %dma_wait3A_239 = tpu.memref_squeeze %dma_wait3A_238 : memref<1x128xi32, #tpu.memory_space<vmem>> -> memref<128xi32, #tpu.memory_space<vmem>>
        %dma_wait3A_240 = arith.constant 0 : i32
        %dma_wait3A_241 = arith.constant 0 : i32
        %dma_wait3A_242 = tpu.memref_slice %arg2[%dma_wait3A_240, %dma_wait3A_241] : memref<10000x128xf32, #tpu.memory_space<hbm>> -> memref<10000x128xf32, #tpu.memory_space<hbm>>
        tpu.wait_indirect_dma semaphore(%arg11 : memref<!tpu.dma_semaphore, #tpu.memory_space<semaphore_mem>>) src(%dma_wait3A_242 : memref<10000x128xf32, #tpu.memory_space<hbm>>) dst(%arg8 : memref<128x128xf32, #tpu.memory_space<vmem>>)
        %add3A_243 = arith.constant 1 : i32
        %add3A_244 = arith.addi %mul3A_220, %add3A_243 : i32
        "tpu.region"() ({
          %run_scoped3A_254 = tpu.sem_alloc : memref<!tpu.dma_semaphore, #tpu.memory_space<semaphore_mem>>
          %dma_start3A_255 = arith.constant 0 : i32
          %dma_start3A_256 = tpu.memref_slice %arg6[%add3A_244, %dma_start3A_255] : memref<40x128xi32, #tpu.memory_space<vmem>> -> memref<1x128xi32, #tpu.memory_space<vmem>>
          %dma_start3A_257 = tpu.memref_squeeze %dma_start3A_256 : memref<1x128xi32, #tpu.memory_space<vmem>> -> memref<128xi32, #tpu.memory_space<vmem>>
          %dma_start3A_258 = arith.constant 0 : i32
          %dma_start3A_259 = arith.constant 0 : i32
          %dma_start3A_260 = tpu.memref_slice %arg9[%dma_start3A_258, %dma_start3A_259] : memref<10240x128xf32, #tpu.memory_space<vmem_shared>> -> memref<10240x128xf32, #tpu.memory_space<vmem_shared>>
          tpu.enqueue_indirect_dma source(%arg8 : memref<128x128xf32, #tpu.memory_space<vmem>>) target(%dma_start3A_260 : memref<10240x128xf32, #tpu.memory_space<vmem_shared>>) offsets(%dma_start3A_257 : memref<128xi32, #tpu.memory_space<vmem>>) semaphore(%run_scoped3A_254 : memref<!tpu.dma_semaphore, #tpu.memory_space<semaphore_mem>>) {add = true}
          %dma_wait3A_261 = arith.constant 0 : i32
          %dma_wait3A_262 = tpu.memref_slice %arg6[%add3A_244, %dma_wait3A_261] : memref<40x128xi32, #tpu.memory_space<vmem>> -> memref<1x128xi32, #tpu.memory_space<vmem>>
          %dma_wait3A_263 = tpu.memref_squeeze %dma_wait3A_262 : memref<1x128xi32, #tpu.memory_space<vmem>> -> memref<128xi32, #tpu.memory_space<vmem>>
          %dma_wait3A_264 = arith.constant 0 : i32
          %dma_wait3A_265 = arith.constant 0 : i32
          %dma_wait3A_266 = tpu.memref_slice %arg9[%dma_wait3A_264, %dma_wait3A_265] : memref<10240x128xf32, #tpu.memory_space<vmem_shared>> -> memref<10240x128xf32, #tpu.memory_space<vmem_shared>>
          tpu.wait_indirect_dma semaphore(%run_scoped3A_254 : memref<!tpu.dma_semaphore, #tpu.memory_space<semaphore_mem>>) src(%arg8 : memref<128x128xf32, #tpu.memory_space<vmem>>) dst(%dma_wait3A_266 : memref<10240x128xf32, #tpu.memory_space<vmem_shared>>)
          tpu.yield
        }) : () -> ()
        %add3A_245 = arith.constant 3 : i32
        %add3A_246 = arith.addi %mul3A_220, %add3A_245 : i32
        %dma_start3A_247 = arith.constant 0 : i32
        %dma_start3A_248 = tpu.memref_slice %arg5[%add3A_246, %dma_start3A_247] : memref<40x128xi32, #tpu.memory_space<vmem>> -> memref<1x128xi32, #tpu.memory_space<vmem>>
        %dma_start3A_249 = tpu.memref_squeeze %dma_start3A_248 : memref<1x128xi32, #tpu.memory_space<vmem>> -> memref<128xi32, #tpu.memory_space<vmem>>
        %dma_start3A_250 = arith.constant 0 : i32
        %dma_start3A_251 = arith.constant 0 : i32
        %dma_start3A_252 = tpu.memref_slice %arg2[%dma_start3A_250, %dma_start3A_251] : memref<10000x128xf32, #tpu.memory_space<hbm>> -> memref<10000x128xf32, #tpu.memory_space<hbm>>
        tpu.enqueue_indirect_dma source(%dma_start3A_252 : memref<10000x128xf32, #tpu.memory_space<hbm>>) target(%arg8 : memref<128x128xf32, #tpu.memory_space<vmem>>) offsets(%dma_start3A_249 : memref<128xi32, #tpu.memory_space<vmem>>) semaphore(%arg11 : memref<!tpu.dma_semaphore, #tpu.memory_space<semaphore_mem>>)
        %scan3A_253 = arith.constant 0 : i32
        scf.yield %scan3A_253 : i32
      }
      %scan3A_200 = arith.constant 19 : i32
      %dma_wait3A_201 = arith.constant 38 : i32
      %dma_wait3A_202 = arith.constant 0 : i32
      %dma_wait3A_203 = tpu.memref_slice %arg5[%dma_wait3A_201, %dma_wait3A_202] : memref<40x128xi32, #tpu.memory_space<vmem>> -> memref<1x128xi32, #tpu.memory_space<vmem>>
      %dma_wait3A_204 = tpu.memref_squeeze %dma_wait3A_203 : memref<1x128xi32, #tpu.memory_space<vmem>> -> memref<128xi32, #tpu.memory_space<vmem>>
      %dma_wait3A_205 = arith.constant 0 : i32
      %dma_wait3A_206 = arith.constant 0 : i32
      %dma_wait3A_207 = tpu.memref_slice %arg2[%dma_wait3A_205, %dma_wait3A_206] : memref<10000x128xf32, #tpu.memory_space<hbm>> -> memref<10000x128xf32, #tpu.memory_space<hbm>>
      tpu.wait_indirect_dma semaphore(%arg10 : memref<!tpu.dma_semaphore, #tpu.memory_space<semaphore_mem>>) src(%dma_wait3A_207 : memref<10000x128xf32, #tpu.memory_space<hbm>>) dst(%arg7 : memref<128x128xf32, #tpu.memory_space<vmem>>)
      %run_scoped3A_208 = arith.constant 38 : i32
      "tpu.region"() ({
        %run_scoped3A_217 = tpu.sem_alloc : memref<!tpu.dma_semaphore, #tpu.memory_space<semaphore_mem>>
        %dma_start3A_218 = arith.constant 0 : i32
        %dma_start3A_219 = tpu.memref_slice %arg6[%run_scoped3A_208, %dma_start3A_218] : memref<40x128xi32, #tpu.memory_space<vmem>> -> memref<1x128xi32, #tpu.memory_space<vmem>>
        %dma_start3A_220 = tpu.memref_squeeze %dma_start3A_219 : memref<1x128xi32, #tpu.memory_space<vmem>> -> memref<128xi32, #tpu.memory_space<vmem>>
        %dma_start3A_221 = arith.constant 0 : i32
        %dma_start3A_222 = arith.constant 0 : i32
        %dma_start3A_223 = tpu.memref_slice %arg9[%dma_start3A_221, %dma_start3A_222] : memref<10240x128xf32, #tpu.memory_space<vmem_shared>> -> memref<10240x128xf32, #tpu.memory_space<vmem_shared>>
        tpu.enqueue_indirect_dma source(%arg7 : memref<128x128xf32, #tpu.memory_space<vmem>>) target(%dma_start3A_223 : memref<10240x128xf32, #tpu.memory_space<vmem_shared>>) offsets(%dma_start3A_220 : memref<128xi32, #tpu.memory_space<vmem>>) semaphore(%run_scoped3A_217 : memref<!tpu.dma_semaphore, #tpu.memory_space<semaphore_mem>>) {add = true}
        %dma_wait3A_224 = arith.constant 0 : i32
        %dma_wait3A_225 = tpu.memref_slice %arg6[%run_scoped3A_208, %dma_wait3A_224] : memref<40x128xi32, #tpu.memory_space<vmem>> -> memref<1x128xi32, #tpu.memory_space<vmem>>
        %dma_wait3A_226 = tpu.memref_squeeze %dma_wait3A_225 : memref<1x128xi32, #tpu.memory_space<vmem>> -> memref<128xi32, #tpu.memory_space<vmem>>
        %dma_wait3A_227 = arith.constant 0 : i32
        %dma_wait3A_228 = arith.constant 0 : i32
        %dma_wait3A_229 = tpu.memref_slice %arg9[%dma_wait3A_227, %dma_wait3A_228] : memref<10240x128xf32, #tpu.memory_space<vmem_shared>> -> memref<10240x128xf32, #tpu.memory_space<vmem_shared>>
        tpu.wait_indirect_dma semaphore(%run_scoped3A_217 : memref<!tpu.dma_semaphore, #tpu.memory_space<semaphore_mem>>) src(%arg7 : memref<128x128xf32, #tpu.memory_space<vmem>>) dst(%dma_wait3A_229 : memref<10240x128xf32, #tpu.memory_space<vmem_shared>>)
        tpu.yield
      }) : () -> ()
      %dma_wait3A_209 = arith.constant 39 : i32
      %dma_wait3A_210 = arith.constant 0 : i32
      %dma_wait3A_211 = tpu.memref_slice %arg5[%dma_wait3A_209, %dma_wait3A_210] : memref<40x128xi32, #tpu.memory_space<vmem>> -> memref<1x128xi32, #tpu.memory_space<vmem>>
      %dma_wait3A_212 = tpu.memref_squeeze %dma_wait3A_211 : memref<1x128xi32, #tpu.memory_space<vmem>> -> memref<128xi32, #tpu.memory_space<vmem>>
      %dma_wait3A_213 = arith.constant 0 : i32
      %dma_wait3A_214 = arith.constant 0 : i32
      %dma_wait3A_215 = tpu.memref_slice %arg2[%dma_wait3A_213, %dma_wait3A_214] : memref<10000x128xf32, #tpu.memory_space<hbm>> -> memref<10000x128xf32, #tpu.memory_space<hbm>>
      tpu.wait_indirect_dma semaphore(%arg11 : memref<!tpu.dma_semaphore, #tpu.memory_space<semaphore_mem>>) src(%dma_wait3A_215 : memref<10000x128xf32, #tpu.memory_space<hbm>>) dst(%arg8 : memref<128x128xf32, #tpu.memory_space<vmem>>)
      %run_scoped3A_216 = arith.constant 39 : i32
      "tpu.region"() ({
        %run_scoped3A_217 = tpu.sem_alloc : memref<!tpu.dma_semaphore, #tpu.memory_space<semaphore_mem>>
        %dma_start3A_218 = arith.constant 0 : i32
        %dma_start3A_219 = tpu.memref_slice %arg6[%run_scoped3A_216, %dma_start3A_218] : memref<40x128xi32, #tpu.memory_space<vmem>> -> memref<1x128xi32, #tpu.memory_space<vmem>>
        %dma_start3A_220 = tpu.memref_squeeze %dma_start3A_219 : memref<1x128xi32, #tpu.memory_space<vmem>> -> memref<128xi32, #tpu.memory_space<vmem>>
        %dma_start3A_221 = arith.constant 0 : i32
        %dma_start3A_222 = arith.constant 0 : i32
        %dma_start3A_223 = tpu.memref_slice %arg9[%dma_start3A_221, %dma_start3A_222] : memref<10240x128xf32, #tpu.memory_space<vmem_shared>> -> memref<10240x128xf32, #tpu.memory_space<vmem_shared>>
        tpu.enqueue_indirect_dma source(%arg8 : memref<128x128xf32, #tpu.memory_space<vmem>>) target(%dma_start3A_223 : memref<10240x128xf32, #tpu.memory_space<vmem_shared>>) offsets(%dma_start3A_220 : memref<128xi32, #tpu.memory_space<vmem>>) semaphore(%run_scoped3A_217 : memref<!tpu.dma_semaphore, #tpu.memory_space<semaphore_mem>>) {add = true}
        %dma_wait3A_224 = arith.constant 0 : i32
        %dma_wait3A_225 = tpu.memref_slice %arg6[%run_scoped3A_216, %dma_wait3A_224] : memref<40x128xi32, #tpu.memory_space<vmem>> -> memref<1x128xi32, #tpu.memory_space<vmem>>
        %dma_wait3A_226 = tpu.memref_squeeze %dma_wait3A_225 : memref<1x128xi32, #tpu.memory_space<vmem>> -> memref<128xi32, #tpu.memory_space<vmem>>
        %dma_wait3A_227 = arith.constant 0 : i32
        %dma_wait3A_228 = arith.constant 0 : i32
        %dma_wait3A_229 = tpu.memref_slice %arg9[%dma_wait3A_227, %dma_wait3A_228] : memref<10240x128xf32, #tpu.memory_space<vmem_shared>> -> memref<10240x128xf32, #tpu.memory_space<vmem_shared>>
        tpu.wait_indirect_dma semaphore(%run_scoped3A_217 : memref<!tpu.dma_semaphore, #tpu.memory_space<semaphore_mem>>) src(%arg8 : memref<128x128xf32, #tpu.memory_space<vmem>>) dst(%dma_wait3A_229 : memref<10240x128xf32, #tpu.memory_space<vmem_shared>>)
        tpu.yield
      }) : () -> ()
    } else {
    }
    %eq3A = arith.constant 31 : i32
    %eq3A_31 = arith.cmpi eq, %add3A, %eq3A : i32
    %convert_element_type3A_32 = arith.extui %eq3A_31 : i1 to i32
    %cond3A_33 = arith.constant 0 : i32
    %cond3A_34 = arith.cmpi ne, %convert_element_type3A_32, %cond3A_33 : i32
    scf.if %cond3A_34 {
      %dma_start3A = arith.constant 0 : i32
      %dma_start3A_40 = arith.constant 0 : i32
      %dma_start3A_41 = arith.constant 0 : i32
      %dma_start3A_42 = tpu.memref_slice %arg5[%dma_start3A_40, %dma_start3A_41] : memref<40x128xi32, #tpu.memory_space<vmem>> -> memref<24x128xi32, #tpu.memory_space<vmem>>
      %dma_start3A_43 = arith.constant 0 : i32
      %dma_start3A_44 = tpu.memref_slice %arg3[%dma_start3A, %mul3A_2, %dma_start3A_43] : memref<2x2504x128xi32, #tpu.memory_space<hbm>> -> memref<1x24x128xi32, #tpu.memory_space<hbm>>
      %dma_start3A_45 = tpu.memref_squeeze %dma_start3A_44 : memref<1x24x128xi32, #tpu.memory_space<hbm>> -> memref<24x128xi32, #tpu.memory_space<hbm>>
      %dma_start3A_46 = arith.constant 0 : i32
      %dma_start3A_47 = arith.constant 0 : i32
      %dma_start3A_48 = tpu.memref_slice %arg5[%dma_start3A_46, %dma_start3A_47] : memref<40x128xi32, #tpu.memory_space<vmem>> -> memref<24x128xi32, #tpu.memory_space<vmem>>
      %dma_start3A_49 = arith.constant 0 : i32
      %dma_start3A_50 = tpu.memref_slice %arg3[%dma_start3A, %mul3A_2, %dma_start3A_49] : memref<2x2504x128xi32, #tpu.memory_space<hbm>> -> memref<1x24x128xi32, #tpu.memory_space<hbm>>
      %dma_start3A_51 = tpu.memref_squeeze %dma_start3A_50 : memref<1x24x128xi32, #tpu.memory_space<hbm>> -> memref<24x128xi32, #tpu.memory_space<hbm>>
      tpu.enqueue_dma source(%dma_start3A_51 : memref<24x128xi32, #tpu.memory_space<hbm>>) target(%dma_start3A_48 : memref<24x128xi32, #tpu.memory_space<vmem>>) target_semaphore(%arg10 : memref<!tpu.dma_semaphore, #tpu.memory_space<semaphore_mem>>)
      %dma_start3A_52 = arith.constant 1 : i32
      %dma_start3A_53 = arith.constant 0 : i32
      %dma_start3A_54 = arith.constant 0 : i32
      %dma_start3A_55 = tpu.memref_slice %arg6[%dma_start3A_53, %dma_start3A_54] : memref<40x128xi32, #tpu.memory_space<vmem>> -> memref<24x128xi32, #tpu.memory_space<vmem>>
      %dma_start3A_56 = arith.constant 0 : i32
      %dma_start3A_57 = tpu.memref_slice %arg3[%dma_start3A_52, %mul3A_2, %dma_start3A_56] : memref<2x2504x128xi32, #tpu.memory_space<hbm>> -> memref<1x24x128xi32, #tpu.memory_space<hbm>>
      %dma_start3A_58 = tpu.memref_squeeze %dma_start3A_57 : memref<1x24x128xi32, #tpu.memory_space<hbm>> -> memref<24x128xi32, #tpu.memory_space<hbm>>
      %dma_start3A_59 = arith.constant 0 : i32
      %dma_start3A_60 = arith.constant 0 : i32
      %dma_start3A_61 = tpu.memref_slice %arg6[%dma_start3A_59, %dma_start3A_60] : memref<40x128xi32, #tpu.memory_space<vmem>> -> memref<24x128xi32, #tpu.memory_space<vmem>>
      %dma_start3A_62 = arith.constant 0 : i32
      %dma_start3A_63 = tpu.memref_slice %arg3[%dma_start3A_52, %mul3A_2, %dma_start3A_62] : memref<2x2504x128xi32, #tpu.memory_space<hbm>> -> memref<1x24x128xi32, #tpu.memory_space<hbm>>
      %dma_start3A_64 = tpu.memref_squeeze %dma_start3A_63 : memref<1x24x128xi32, #tpu.memory_space<hbm>> -> memref<24x128xi32, #tpu.memory_space<hbm>>
      tpu.enqueue_dma source(%dma_start3A_64 : memref<24x128xi32, #tpu.memory_space<hbm>>) target(%dma_start3A_61 : memref<24x128xi32, #tpu.memory_space<vmem>>) target_semaphore(%arg11 : memref<!tpu.dma_semaphore, #tpu.memory_space<semaphore_mem>>)
      %dma_wait3A = arith.constant 0 : i32
      %dma_wait3A_65 = arith.constant 0 : i32
      %dma_wait3A_66 = arith.constant 0 : i32
      %dma_wait3A_67 = tpu.memref_slice %arg5[%dma_wait3A_65, %dma_wait3A_66] : memref<40x128xi32, #tpu.memory_space<vmem>> -> memref<24x128xi32, #tpu.memory_space<vmem>>
      %dma_wait3A_68 = arith.constant 0 : i32
      %dma_wait3A_69 = tpu.memref_slice %arg3[%dma_wait3A, %mul3A_2, %dma_wait3A_68] : memref<2x2504x128xi32, #tpu.memory_space<hbm>> -> memref<1x24x128xi32, #tpu.memory_space<hbm>>
      %dma_wait3A_70 = tpu.memref_squeeze %dma_wait3A_69 : memref<1x24x128xi32, #tpu.memory_space<hbm>> -> memref<24x128xi32, #tpu.memory_space<hbm>>
      %dma_wait3A_71 = arith.constant 0 : i32
      %dma_wait3A_72 = arith.constant 0 : i32
      %dma_wait3A_73 = tpu.memref_slice %arg5[%dma_wait3A_71, %dma_wait3A_72] : memref<40x128xi32, #tpu.memory_space<vmem>> -> memref<24x128xi32, #tpu.memory_space<vmem>>
      %dma_wait3A_74 = arith.constant 0 : i32
      %dma_wait3A_75 = tpu.memref_slice %arg3[%dma_wait3A, %mul3A_2, %dma_wait3A_74] : memref<2x2504x128xi32, #tpu.memory_space<hbm>> -> memref<1x24x128xi32, #tpu.memory_space<hbm>>
      %dma_wait3A_76 = tpu.memref_squeeze %dma_wait3A_75 : memref<1x24x128xi32, #tpu.memory_space<hbm>> -> memref<24x128xi32, #tpu.memory_space<hbm>>
      tpu.wait_dma2 semaphore(%arg10 : memref<!tpu.dma_semaphore, #tpu.memory_space<semaphore_mem>>) src(%dma_wait3A_76 : memref<24x128xi32, #tpu.memory_space<hbm>>) dst(%dma_wait3A_73 : memref<24x128xi32, #tpu.memory_space<vmem>>)
      %dma_wait3A_77 = arith.constant 1 : i32
      %dma_wait3A_78 = arith.constant 0 : i32
      %dma_wait3A_79 = arith.constant 0 : i32
      %dma_wait3A_80 = tpu.memref_slice %arg6[%dma_wait3A_78, %dma_wait3A_79] : memref<40x128xi32, #tpu.memory_space<vmem>> -> memref<24x128xi32, #tpu.memory_space<vmem>>
      %dma_wait3A_81 = arith.constant 0 : i32
      %dma_wait3A_82 = tpu.memref_slice %arg3[%dma_wait3A_77, %mul3A_2, %dma_wait3A_81] : memref<2x2504x128xi32, #tpu.memory_space<hbm>> -> memref<1x24x128xi32, #tpu.memory_space<hbm>>
      %dma_wait3A_83 = tpu.memref_squeeze %dma_wait3A_82 : memref<1x24x128xi32, #tpu.memory_space<hbm>> -> memref<24x128xi32, #tpu.memory_space<hbm>>
      %dma_wait3A_84 = arith.constant 0 : i32
      %dma_wait3A_85 = arith.constant 0 : i32
      %dma_wait3A_86 = tpu.memref_slice %arg6[%dma_wait3A_84, %dma_wait3A_85] : memref<40x128xi32, #tpu.memory_space<vmem>> -> memref<24x128xi32, #tpu.memory_space<vmem>>
      %dma_wait3A_87 = arith.constant 0 : i32
      %dma_wait3A_88 = tpu.memref_slice %arg3[%dma_wait3A_77, %mul3A_2, %dma_wait3A_87] : memref<2x2504x128xi32, #tpu.memory_space<hbm>> -> memref<1x24x128xi32, #tpu.memory_space<hbm>>
      %dma_wait3A_89 = tpu.memref_squeeze %dma_wait3A_88 : memref<1x24x128xi32, #tpu.memory_space<hbm>> -> memref<24x128xi32, #tpu.memory_space<hbm>>
      tpu.wait_dma2 semaphore(%arg11 : memref<!tpu.dma_semaphore, #tpu.memory_space<semaphore_mem>>) src(%dma_wait3A_89 : memref<24x128xi32, #tpu.memory_space<hbm>>) dst(%dma_wait3A_86 : memref<24x128xi32, #tpu.memory_space<vmem>>)
      %dma_start3A_90 = arith.constant 0 : i32
      %dma_start3A_91 = arith.constant 0 : i32
      %dma_start3A_92 = tpu.memref_slice %arg5[%dma_start3A_90, %dma_start3A_91] : memref<40x128xi32, #tpu.memory_space<vmem>> -> memref<1x128xi32, #tpu.memory_space<vmem>>
      %dma_start3A_93 = tpu.memref_squeeze %dma_start3A_92 : memref<1x128xi32, #tpu.memory_space<vmem>> -> memref<128xi32, #tpu.memory_space<vmem>>
      %dma_start3A_94 = arith.constant 0 : i32
      %dma_start3A_95 = arith.constant 0 : i32
      %dma_start3A_96 = tpu.memref_slice %arg2[%dma_start3A_94, %dma_start3A_95] : memref<10000x128xf32, #tpu.memory_space<hbm>> -> memref<10000x128xf32, #tpu.memory_space<hbm>>
      tpu.enqueue_indirect_dma source(%dma_start3A_96 : memref<10000x128xf32, #tpu.memory_space<hbm>>) target(%arg7 : memref<128x128xf32, #tpu.memory_space<vmem>>) offsets(%dma_start3A_93 : memref<128xi32, #tpu.memory_space<vmem>>) semaphore(%arg10 : memref<!tpu.dma_semaphore, #tpu.memory_space<semaphore_mem>>)
      %dma_start3A_97 = arith.constant 1 : i32
      %dma_start3A_98 = arith.constant 0 : i32
      %dma_start3A_99 = tpu.memref_slice %arg5[%dma_start3A_97, %dma_start3A_98] : memref<40x128xi32, #tpu.memory_space<vmem>> -> memref<1x128xi32, #tpu.memory_space<vmem>>
      %dma_start3A_100 = tpu.memref_squeeze %dma_start3A_99 : memref<1x128xi32, #tpu.memory_space<vmem>> -> memref<128xi32, #tpu.memory_space<vmem>>
      %dma_start3A_101 = arith.constant 0 : i32
      %dma_start3A_102 = arith.constant 0 : i32
      %dma_start3A_103 = tpu.memref_slice %arg2[%dma_start3A_101, %dma_start3A_102] : memref<10000x128xf32, #tpu.memory_space<hbm>> -> memref<10000x128xf32, #tpu.memory_space<hbm>>
      tpu.enqueue_indirect_dma source(%dma_start3A_103 : memref<10000x128xf32, #tpu.memory_space<hbm>>) target(%arg8 : memref<128x128xf32, #tpu.memory_space<vmem>>) offsets(%dma_start3A_100 : memref<128xi32, #tpu.memory_space<vmem>>) semaphore(%arg11 : memref<!tpu.dma_semaphore, #tpu.memory_space<semaphore_mem>>)
      %scan3A_104 = arith.constant 0 : i32
      %scan3A_105 = arith.constant 0 : i32
      %scan3A_106 = arith.constant 11 : i32
      %scan3A_107 = arith.addi %scan3A_105, %scan3A_106 : i32
      %scan3A_108 = arith.constant 1 : i32
      %scan3A_109 = scf.for %scan3A_126 = %scan3A_105 to %scan3A_107 step %scan3A_108 iter_args(%scan3A_127 = %scan3A_104) -> (i32)  : i32 {
        %mul3A_128 = arith.constant 2 : i32
        %mul3A_129 = arith.muli %mul3A_128, %scan3A_126 : i32
        %dma_wait3A_130 = arith.constant 0 : i32
        %dma_wait3A_131 = tpu.memref_slice %arg5[%mul3A_129, %dma_wait3A_130] : memref<40x128xi32, #tpu.memory_space<vmem>> -> memref<1x128xi32, #tpu.memory_space<vmem>>
        %dma_wait3A_132 = tpu.memref_squeeze %dma_wait3A_131 : memref<1x128xi32, #tpu.memory_space<vmem>> -> memref<128xi32, #tpu.memory_space<vmem>>
        %dma_wait3A_133 = arith.constant 0 : i32
        %dma_wait3A_134 = arith.constant 0 : i32
        %dma_wait3A_135 = tpu.memref_slice %arg2[%dma_wait3A_133, %dma_wait3A_134] : memref<10000x128xf32, #tpu.memory_space<hbm>> -> memref<10000x128xf32, #tpu.memory_space<hbm>>
        tpu.wait_indirect_dma semaphore(%arg10 : memref<!tpu.dma_semaphore, #tpu.memory_space<semaphore_mem>>) src(%dma_wait3A_135 : memref<10000x128xf32, #tpu.memory_space<hbm>>) dst(%arg7 : memref<128x128xf32, #tpu.memory_space<vmem>>)
        "tpu.region"() ({
          %run_scoped3A_163 = tpu.sem_alloc : memref<!tpu.dma_semaphore, #tpu.memory_space<semaphore_mem>>
          %dma_start3A_164 = arith.constant 0 : i32
          %dma_start3A_165 = tpu.memref_slice %arg6[%mul3A_129, %dma_start3A_164] : memref<40x128xi32, #tpu.memory_space<vmem>> -> memref<1x128xi32, #tpu.memory_space<vmem>>
          %dma_start3A_166 = tpu.memref_squeeze %dma_start3A_165 : memref<1x128xi32, #tpu.memory_space<vmem>> -> memref<128xi32, #tpu.memory_space<vmem>>
          %dma_start3A_167 = arith.constant 0 : i32
          %dma_start3A_168 = arith.constant 0 : i32
          %dma_start3A_169 = tpu.memref_slice %arg9[%dma_start3A_167, %dma_start3A_168] : memref<10240x128xf32, #tpu.memory_space<vmem_shared>> -> memref<10240x128xf32, #tpu.memory_space<vmem_shared>>
          tpu.enqueue_indirect_dma source(%arg7 : memref<128x128xf32, #tpu.memory_space<vmem>>) target(%dma_start3A_169 : memref<10240x128xf32, #tpu.memory_space<vmem_shared>>) offsets(%dma_start3A_166 : memref<128xi32, #tpu.memory_space<vmem>>) semaphore(%run_scoped3A_163 : memref<!tpu.dma_semaphore, #tpu.memory_space<semaphore_mem>>) {add = true}
          %dma_wait3A_170 = arith.constant 0 : i32
          %dma_wait3A_171 = tpu.memref_slice %arg6[%mul3A_129, %dma_wait3A_170] : memref<40x128xi32, #tpu.memory_space<vmem>> -> memref<1x128xi32, #tpu.memory_space<vmem>>
          %dma_wait3A_172 = tpu.memref_squeeze %dma_wait3A_171 : memref<1x128xi32, #tpu.memory_space<vmem>> -> memref<128xi32, #tpu.memory_space<vmem>>
          %dma_wait3A_173 = arith.constant 0 : i32
          %dma_wait3A_174 = arith.constant 0 : i32
          %dma_wait3A_175 = tpu.memref_slice %arg9[%dma_wait3A_173, %dma_wait3A_174] : memref<10240x128xf32, #tpu.memory_space<vmem_shared>> -> memref<10240x128xf32, #tpu.memory_space<vmem_shared>>
          tpu.wait_indirect_dma semaphore(%run_scoped3A_163 : memref<!tpu.dma_semaphore, #tpu.memory_space<semaphore_mem>>) src(%arg7 : memref<128x128xf32, #tpu.memory_space<vmem>>) dst(%dma_wait3A_175 : memref<10240x128xf32, #tpu.memory_space<vmem_shared>>)
          tpu.yield
        }) : () -> ()
        %add3A_136 = arith.constant 2 : i32
        %add3A_137 = arith.addi %mul3A_129, %add3A_136 : i32
        %dma_start3A_138 = arith.constant 0 : i32
        %dma_start3A_139 = tpu.memref_slice %arg5[%add3A_137, %dma_start3A_138] : memref<40x128xi32, #tpu.memory_space<vmem>> -> memref<1x128xi32, #tpu.memory_space<vmem>>
        %dma_start3A_140 = tpu.memref_squeeze %dma_start3A_139 : memref<1x128xi32, #tpu.memory_space<vmem>> -> memref<128xi32, #tpu.memory_space<vmem>>
        %dma_start3A_141 = arith.constant 0 : i32
        %dma_start3A_142 = arith.constant 0 : i32
        %dma_start3A_143 = tpu.memref_slice %arg2[%dma_start3A_141, %dma_start3A_142] : memref<10000x128xf32, #tpu.memory_space<hbm>> -> memref<10000x128xf32, #tpu.memory_space<hbm>>
        tpu.enqueue_indirect_dma source(%dma_start3A_143 : memref<10000x128xf32, #tpu.memory_space<hbm>>) target(%arg7 : memref<128x128xf32, #tpu.memory_space<vmem>>) offsets(%dma_start3A_140 : memref<128xi32, #tpu.memory_space<vmem>>) semaphore(%arg10 : memref<!tpu.dma_semaphore, #tpu.memory_space<semaphore_mem>>)
        %add3A_144 = arith.constant 1 : i32
        %add3A_145 = arith.addi %mul3A_129, %add3A_144 : i32
        %dma_wait3A_146 = arith.constant 0 : i32
        %dma_wait3A_147 = tpu.memref_slice %arg5[%add3A_145, %dma_wait3A_146] : memref<40x128xi32, #tpu.memory_space<vmem>> -> memref<1x128xi32, #tpu.memory_space<vmem>>
        %dma_wait3A_148 = tpu.memref_squeeze %dma_wait3A_147 : memref<1x128xi32, #tpu.memory_space<vmem>> -> memref<128xi32, #tpu.memory_space<vmem>>
        %dma_wait3A_149 = arith.constant 0 : i32
        %dma_wait3A_150 = arith.constant 0 : i32
        %dma_wait3A_151 = tpu.memref_slice %arg2[%dma_wait3A_149, %dma_wait3A_150] : memref<10000x128xf32, #tpu.memory_space<hbm>> -> memref<10000x128xf32, #tpu.memory_space<hbm>>
        tpu.wait_indirect_dma semaphore(%arg11 : memref<!tpu.dma_semaphore, #tpu.memory_space<semaphore_mem>>) src(%dma_wait3A_151 : memref<10000x128xf32, #tpu.memory_space<hbm>>) dst(%arg8 : memref<128x128xf32, #tpu.memory_space<vmem>>)
        %add3A_152 = arith.constant 1 : i32
        %add3A_153 = arith.addi %mul3A_129, %add3A_152 : i32
        "tpu.region"() ({
          %run_scoped3A_163 = tpu.sem_alloc : memref<!tpu.dma_semaphore, #tpu.memory_space<semaphore_mem>>
          %dma_start3A_164 = arith.constant 0 : i32
          %dma_start3A_165 = tpu.memref_slice %arg6[%add3A_153, %dma_start3A_164] : memref<40x128xi32, #tpu.memory_space<vmem>> -> memref<1x128xi32, #tpu.memory_space<vmem>>
          %dma_start3A_166 = tpu.memref_squeeze %dma_start3A_165 : memref<1x128xi32, #tpu.memory_space<vmem>> -> memref<128xi32, #tpu.memory_space<vmem>>
          %dma_start3A_167 = arith.constant 0 : i32
          %dma_start3A_168 = arith.constant 0 : i32
          %dma_start3A_169 = tpu.memref_slice %arg9[%dma_start3A_167, %dma_start3A_168] : memref<10240x128xf32, #tpu.memory_space<vmem_shared>> -> memref<10240x128xf32, #tpu.memory_space<vmem_shared>>
          tpu.enqueue_indirect_dma source(%arg8 : memref<128x128xf32, #tpu.memory_space<vmem>>) target(%dma_start3A_169 : memref<10240x128xf32, #tpu.memory_space<vmem_shared>>) offsets(%dma_start3A_166 : memref<128xi32, #tpu.memory_space<vmem>>) semaphore(%run_scoped3A_163 : memref<!tpu.dma_semaphore, #tpu.memory_space<semaphore_mem>>) {add = true}
          %dma_wait3A_170 = arith.constant 0 : i32
          %dma_wait3A_171 = tpu.memref_slice %arg6[%add3A_153, %dma_wait3A_170] : memref<40x128xi32, #tpu.memory_space<vmem>> -> memref<1x128xi32, #tpu.memory_space<vmem>>
          %dma_wait3A_172 = tpu.memref_squeeze %dma_wait3A_171 : memref<1x128xi32, #tpu.memory_space<vmem>> -> memref<128xi32, #tpu.memory_space<vmem>>
          %dma_wait3A_173 = arith.constant 0 : i32
          %dma_wait3A_174 = arith.constant 0 : i32
          %dma_wait3A_175 = tpu.memref_slice %arg9[%dma_wait3A_173, %dma_wait3A_174] : memref<10240x128xf32, #tpu.memory_space<vmem_shared>> -> memref<10240x128xf32, #tpu.memory_space<vmem_shared>>
          tpu.wait_indirect_dma semaphore(%run_scoped3A_163 : memref<!tpu.dma_semaphore, #tpu.memory_space<semaphore_mem>>) src(%arg8 : memref<128x128xf32, #tpu.memory_space<vmem>>) dst(%dma_wait3A_175 : memref<10240x128xf32, #tpu.memory_space<vmem_shared>>)
          tpu.yield
        }) : () -> ()
        %add3A_154 = arith.constant 3 : i32
        %add3A_155 = arith.addi %mul3A_129, %add3A_154 : i32
        %dma_start3A_156 = arith.constant 0 : i32
        %dma_start3A_157 = tpu.memref_slice %arg5[%add3A_155, %dma_start3A_156] : memref<40x128xi32, #tpu.memory_space<vmem>> -> memref<1x128xi32, #tpu.memory_space<vmem>>
        %dma_start3A_158 = tpu.memref_squeeze %dma_start3A_157 : memref<1x128xi32, #tpu.memory_space<vmem>> -> memref<128xi32, #tpu.memory_space<vmem>>
        %dma_start3A_159 = arith.constant 0 : i32
        %dma_start3A_160 = arith.constant 0 : i32
        %dma_start3A_161 = tpu.memref_slice %arg2[%dma_start3A_159, %dma_start3A_160] : memref<10000x128xf32, #tpu.memory_space<hbm>> -> memref<10000x128xf32, #tpu.memory_space<hbm>>
        tpu.enqueue_indirect_dma source(%dma_start3A_161 : memref<10000x128xf32, #tpu.memory_space<hbm>>) target(%arg8 : memref<128x128xf32, #tpu.memory_space<vmem>>) offsets(%dma_start3A_158 : memref<128xi32, #tpu.memory_space<vmem>>) semaphore(%arg11 : memref<!tpu.dma_semaphore, #tpu.memory_space<semaphore_mem>>)
        %scan3A_162 = arith.constant 0 : i32
        scf.yield %scan3A_162 : i32
      }
      %scan3A_110 = arith.constant 11 : i32
      %dma_wait3A_111 = arith.constant 22 : i32
      %dma_wait3A_112 = arith.constant 0 : i32
      %dma_wait3A_113 = tpu.memref_slice %arg5[%dma_wait3A_111, %dma_wait3A_112] : memref<40x128xi32, #tpu.memory_space<vmem>> -> memref<1x128xi32, #tpu.memory_space<vmem>>
      %dma_wait3A_114 = tpu.memref_squeeze %dma_wait3A_113 : memref<1x128xi32, #tpu.memory_space<vmem>> -> memref<128xi32, #tpu.memory_space<vmem>>
      %dma_wait3A_115 = arith.constant 0 : i32
      %dma_wait3A_116 = arith.constant 0 : i32
      %dma_wait3A_117 = tpu.memref_slice %arg2[%dma_wait3A_115, %dma_wait3A_116] : memref<10000x128xf32, #tpu.memory_space<hbm>> -> memref<10000x128xf32, #tpu.memory_space<hbm>>
      tpu.wait_indirect_dma semaphore(%arg10 : memref<!tpu.dma_semaphore, #tpu.memory_space<semaphore_mem>>) src(%dma_wait3A_117 : memref<10000x128xf32, #tpu.memory_space<hbm>>) dst(%arg7 : memref<128x128xf32, #tpu.memory_space<vmem>>)
      %run_scoped3A = arith.constant 22 : i32
      "tpu.region"() ({
        %run_scoped3A_126 = tpu.sem_alloc : memref<!tpu.dma_semaphore, #tpu.memory_space<semaphore_mem>>
        %dma_start3A_127 = arith.constant 0 : i32
        %dma_start3A_128 = tpu.memref_slice %arg6[%run_scoped3A, %dma_start3A_127] : memref<40x128xi32, #tpu.memory_space<vmem>> -> memref<1x128xi32, #tpu.memory_space<vmem>>
        %dma_start3A_129 = tpu.memref_squeeze %dma_start3A_128 : memref<1x128xi32, #tpu.memory_space<vmem>> -> memref<128xi32, #tpu.memory_space<vmem>>
        %dma_start3A_130 = arith.constant 0 : i32
        %dma_start3A_131 = arith.constant 0 : i32
        %dma_start3A_132 = tpu.memref_slice %arg9[%dma_start3A_130, %dma_start3A_131] : memref<10240x128xf32, #tpu.memory_space<vmem_shared>> -> memref<10240x128xf32, #tpu.memory_space<vmem_shared>>
        tpu.enqueue_indirect_dma source(%arg7 : memref<128x128xf32, #tpu.memory_space<vmem>>) target(%dma_start3A_132 : memref<10240x128xf32, #tpu.memory_space<vmem_shared>>) offsets(%dma_start3A_129 : memref<128xi32, #tpu.memory_space<vmem>>) semaphore(%run_scoped3A_126 : memref<!tpu.dma_semaphore, #tpu.memory_space<semaphore_mem>>) {add = true}
        %dma_wait3A_133 = arith.constant 0 : i32
        %dma_wait3A_134 = tpu.memref_slice %arg6[%run_scoped3A, %dma_wait3A_133] : memref<40x128xi32, #tpu.memory_space<vmem>> -> memref<1x128xi32, #tpu.memory_space<vmem>>
        %dma_wait3A_135 = tpu.memref_squeeze %dma_wait3A_134 : memref<1x128xi32, #tpu.memory_space<vmem>> -> memref<128xi32, #tpu.memory_space<vmem>>
        %dma_wait3A_136 = arith.constant 0 : i32
        %dma_wait3A_137 = arith.constant 0 : i32
        %dma_wait3A_138 = tpu.memref_slice %arg9[%dma_wait3A_136, %dma_wait3A_137] : memref<10240x128xf32, #tpu.memory_space<vmem_shared>> -> memref<10240x128xf32, #tpu.memory_space<vmem_shared>>
        tpu.wait_indirect_dma semaphore(%run_scoped3A_126 : memref<!tpu.dma_semaphore, #tpu.memory_space<semaphore_mem>>) src(%arg7 : memref<128x128xf32, #tpu.memory_space<vmem>>) dst(%dma_wait3A_138 : memref<10240x128xf32, #tpu.memory_space<vmem_shared>>)
        tpu.yield
      }) : () -> ()
      %dma_wait3A_118 = arith.constant 23 : i32
      %dma_wait3A_119 = arith.constant 0 : i32
      %dma_wait3A_120 = tpu.memref_slice %arg5[%dma_wait3A_118, %dma_wait3A_119] : memref<40x128xi32, #tpu.memory_space<vmem>> -> memref<1x128xi32, #tpu.memory_space<vmem>>
      %dma_wait3A_121 = tpu.memref_squeeze %dma_wait3A_120 : memref<1x128xi32, #tpu.memory_space<vmem>> -> memref<128xi32, #tpu.memory_space<vmem>>
      %dma_wait3A_122 = arith.constant 0 : i32
      %dma_wait3A_123 = arith.constant 0 : i32
      %dma_wait3A_124 = tpu.memref_slice %arg2[%dma_wait3A_122, %dma_wait3A_123] : memref<10000x128xf32, #tpu.memory_space<hbm>> -> memref<10000x128xf32, #tpu.memory_space<hbm>>
      tpu.wait_indirect_dma semaphore(%arg11 : memref<!tpu.dma_semaphore, #tpu.memory_space<semaphore_mem>>) src(%dma_wait3A_124 : memref<10000x128xf32, #tpu.memory_space<hbm>>) dst(%arg8 : memref<128x128xf32, #tpu.memory_space<vmem>>)
      %run_scoped3A_125 = arith.constant 23 : i32
      "tpu.region"() ({
        %run_scoped3A_126 = tpu.sem_alloc : memref<!tpu.dma_semaphore, #tpu.memory_space<semaphore_mem>>
        %dma_start3A_127 = arith.constant 0 : i32
        %dma_start3A_128 = tpu.memref_slice %arg6[%run_scoped3A_125, %dma_start3A_127] : memref<40x128xi32, #tpu.memory_space<vmem>> -> memref<1x128xi32, #tpu.memory_space<vmem>>
        %dma_start3A_129 = tpu.memref_squeeze %dma_start3A_128 : memref<1x128xi32, #tpu.memory_space<vmem>> -> memref<128xi32, #tpu.memory_space<vmem>>
        %dma_start3A_130 = arith.constant 0 : i32
        %dma_start3A_131 = arith.constant 0 : i32
        %dma_start3A_132 = tpu.memref_slice %arg9[%dma_start3A_130, %dma_start3A_131] : memref<10240x128xf32, #tpu.memory_space<vmem_shared>> -> memref<10240x128xf32, #tpu.memory_space<vmem_shared>>
        tpu.enqueue_indirect_dma source(%arg8 : memref<128x128xf32, #tpu.memory_space<vmem>>) target(%dma_start3A_132 : memref<10240x128xf32, #tpu.memory_space<vmem_shared>>) offsets(%dma_start3A_129 : memref<128xi32, #tpu.memory_space<vmem>>) semaphore(%run_scoped3A_126 : memref<!tpu.dma_semaphore, #tpu.memory_space<semaphore_mem>>) {add = true}
        %dma_wait3A_133 = arith.constant 0 : i32
        %dma_wait3A_134 = tpu.memref_slice %arg6[%run_scoped3A_125, %dma_wait3A_133] : memref<40x128xi32, #tpu.memory_space<vmem>> -> memref<1x128xi32, #tpu.memory_space<vmem>>
        %dma_wait3A_135 = tpu.memref_squeeze %dma_wait3A_134 : memref<1x128xi32, #tpu.memory_space<vmem>> -> memref<128xi32, #tpu.memory_space<vmem>>
        %dma_wait3A_136 = arith.constant 0 : i32
        %dma_wait3A_137 = arith.constant 0 : i32
        %dma_wait3A_138 = tpu.memref_slice %arg9[%dma_wait3A_136, %dma_wait3A_137] : memref<10240x128xf32, #tpu.memory_space<vmem_shared>> -> memref<10240x128xf32, #tpu.memory_space<vmem_shared>>
        tpu.wait_indirect_dma semaphore(%run_scoped3A_126 : memref<!tpu.dma_semaphore, #tpu.memory_space<semaphore_mem>>) src(%arg8 : memref<128x128xf32, #tpu.memory_space<vmem>>) dst(%dma_wait3A_138 : memref<10240x128xf32, #tpu.memory_space<vmem_shared>>)
        tpu.yield
      }) : () -> ()
    } else {
    }
    %barrier3A_35 = arith.constant 0 : index
    tpu.barrier barrier_id(%barrier3A_35)
    %mul3A_36 = arith.constant 640 : i32
    %mul3A_37 = arith.muli %arg1, %mul3A_36 : i32
    %mul3A_38 = arith.constant 640 : i32
    %mul3A_39 = arith.muli %arg1, %mul3A_38 : i32
    "tpu.region"() ({
      %run_scoped3A = tpu.sem_alloc : memref<!tpu.dma_semaphore, #tpu.memory_space<semaphore_mem>>
      %dma_start3A = arith.constant 0 : i32
      %dma_start3A_40 = tpu.memref_slice %arg4[%arg0, %mul3A_39, %dma_start3A] : memref<2x10240x128xf32, #tpu.memory_space<hbm>> -> memref<1x640x128xf32, #tpu.memory_space<hbm>>
      %dma_start3A_41 = tpu.memref_squeeze %dma_start3A_40 : memref<1x640x128xf32, #tpu.memory_space<hbm>> -> memref<640x128xf32, #tpu.memory_space<hbm>>
      %dma_start3A_42 = arith.constant 0 : i32
      %dma_start3A_43 = tpu.memref_slice %arg9[%mul3A_37, %dma_start3A_42] : memref<10240x128xf32, #tpu.memory_space<vmem_shared>> -> memref<640x128xf32, #tpu.memory_space<vmem_shared>>
      tpu.enqueue_dma source(%dma_start3A_43 : memref<640x128xf32, #tpu.memory_space<vmem_shared>>) target(%dma_start3A_41 : memref<640x128xf32, #tpu.memory_space<hbm>>) target_semaphore(%run_scoped3A : memref<!tpu.dma_semaphore, #tpu.memory_space<semaphore_mem>>)
      %dma_wait3A = arith.constant 0 : i32
      %dma_wait3A_44 = tpu.memref_slice %arg4[%arg0, %mul3A_39, %dma_wait3A] : memref<2x10240x128xf32, #tpu.memory_space<hbm>> -> memref<1x640x128xf32, #tpu.memory_space<hbm>>
      %dma_wait3A_45 = tpu.memref_squeeze %dma_wait3A_44 : memref<1x640x128xf32, #tpu.memory_space<hbm>> -> memref<640x128xf32, #tpu.memory_space<hbm>>
      %dma_wait3A_46 = arith.constant 0 : i32
      %dma_wait3A_47 = tpu.memref_slice %arg9[%mul3A_37, %dma_wait3A_46] : memref<10240x128xf32, #tpu.memory_space<vmem_shared>> -> memref<640x128xf32, #tpu.memory_space<vmem_shared>>
      tpu.wait_dma2 semaphore(%run_scoped3A : memref<!tpu.dma_semaphore, #tpu.memory_space<semaphore_mem>>) src(%dma_wait3A_47 : memref<640x128xf32, #tpu.memory_space<vmem_shared>>) dst(%dma_wait3A_45 : memref<640x128xf32, #tpu.memory_space<hbm>>)
      tpu.yield
    }) : () -> ()
    return
  }
}

#map = affine_map<(d0, d1) -> (0, 0)>
#map1 = affine_map<(d0, d1) -> (0, 0, 0)>
module attributes {stable_mosaic.version = 14 : i64} {
  func.func @_agg_body(%arg0: i32, %arg1: i32, %arg2: memref<10000x128xf32, #tpu.memory_space<hbm>>, %arg3: memref<2x2504x128xi32, #tpu.memory_space<hbm>>, %arg4: memref<2x10240x128xf32, #tpu.memory_space<hbm>>, %arg5: memref<40x128xi32, #tpu.memory_space<vmem>>, %arg6: memref<40x128xi32, #tpu.memory_space<vmem>>, %arg7: memref<128x128xf32, #tpu.memory_space<vmem>>, %arg8: memref<128x128xf32, #tpu.memory_space<vmem>>, %arg9: memref<10240x128xf32, #tpu.memory_space<vmem_shared>>, %arg10: memref<!tpu.dma_semaphore, #tpu.memory_space<semaphore_mem>>, %arg11: memref<!tpu.dma_semaphore, #tpu.memory_space<semaphore_mem>>) attributes {dimension_semantics = [#tpu.dimension_semantics<core_parallel>, #tpu.dimension_semantics<subcore_parallel>], iteration_bounds = array<i64: 2, 16>, scalar_prefetch = 0 : i64, scratch_operands = 7 : i64, tpu.core_type = #tpu.core_type<sc_vector_subcore>, window_params = [{transform_indices = #map}, {transform_indices = #map1}, {transform_indices = #map1}]} {
    %mul3A = arith.constant 16 : i32
    %mul3A_0 = arith.muli %arg0, %mul3A : i32
    %add3A = arith.addi %mul3A_0, %arg1 : i32
    %mul3A_1 = arith.constant 80 : i32
    %mul3A_2 = arith.muli %add3A, %mul3A_1 : i32
    %scan3A = arith.constant 0 : i32
    %scan3A_3 = arith.constant 0 : i32
    %scan3A_4 = arith.constant 128 : i32
    %scan3A_5 = arith.addi %scan3A_3, %scan3A_4 : i32
    %scan3A_6 = arith.constant 1 : i32
    %scan3A_7 = scf.for %scan3A_40 = %scan3A_3 to %scan3A_5 step %scan3A_6 iter_args(%scan3A_41 = %scan3A) -> (i32)  : i32 {
      %broadcast_in_dim3A = arith.constant 0.000000e+00 : f32
      %broadcast_in_dim3A_42 = vector.broadcast %broadcast_in_dim3A : f32 to vector<16xf32>
      %swap3A = arith.index_cast %scan3A_40 : i32 to index
      %swap3A_43 = arith.constant 0 : index
      %swap3A_44 = tpu.vector_load %arg7[%swap3A, %swap3A_43] {strides = array<i32>} : memref<128x128xf32, #tpu.memory_space<vmem>>, vector<1x16xf32>,
      %swap3A_45 = vector.shape_cast %swap3A_44 : vector<1x16xf32> to vector<16xf32>
      %swap3A_46 = vector.shape_cast %broadcast_in_dim3A_42 : vector<16xf32> to vector<1x16xf32>
      tpu.vector_store %arg7[%swap3A, %swap3A_43], %swap3A_46 {strides = array<i32>} : memref<128x128xf32, #tpu.memory_space<vmem>>, vector<1x16xf32>,
      %broadcast_in_dim3A_47 = arith.constant 0.000000e+00 : f32
      %broadcast_in_dim3A_48 = vector.broadcast %broadcast_in_dim3A_47 : f32 to vector<16xf32>
      %swap3A_49 = arith.index_cast %scan3A_40 : i32 to index
      %swap3A_50 = arith.constant 16 : index
      %swap3A_51 = tpu.vector_load %arg7[%swap3A_49, %swap3A_50] {strides = array<i32>} : memref<128x128xf32, #tpu.memory_space<vmem>>, vector<1x16xf32>,
      %swap3A_52 = vector.shape_cast %swap3A_51 : vector<1x16xf32> to vector<16xf32>
      %swap3A_53 = vector.shape_cast %broadcast_in_dim3A_48 : vector<16xf32> to vector<1x16xf32>
      tpu.vector_store %arg7[%swap3A_49, %swap3A_50], %swap3A_53 {strides = array<i32>} : memref<128x128xf32, #tpu.memory_space<vmem>>, vector<1x16xf32>,
      %broadcast_in_dim3A_54 = arith.constant 0.000000e+00 : f32
      %broadcast_in_dim3A_55 = vector.broadcast %broadcast_in_dim3A_54 : f32 to vector<16xf32>
      %swap3A_56 = arith.index_cast %scan3A_40 : i32 to index
      %swap3A_57 = arith.constant 32 : index
      %swap3A_58 = tpu.vector_load %arg7[%swap3A_56, %swap3A_57] {strides = array<i32>} : memref<128x128xf32, #tpu.memory_space<vmem>>, vector<1x16xf32>,
      %swap3A_59 = vector.shape_cast %swap3A_58 : vector<1x16xf32> to vector<16xf32>
      %swap3A_60 = vector.shape_cast %broadcast_in_dim3A_55 : vector<16xf32> to vector<1x16xf32>
      tpu.vector_store %arg7[%swap3A_56, %swap3A_57], %swap3A_60 {strides = array<i32>} : memref<128x128xf32, #tpu.memory_space<vmem>>, vector<1x16xf32>,
      %broadcast_in_dim3A_61 = arith.constant 0.000000e+00 : f32
      %broadcast_in_dim3A_62 = vector.broadcast %broadcast_in_dim3A_61 : f32 to vector<16xf32>
      %swap3A_63 = arith.index_cast %scan3A_40 : i32 to index
      %swap3A_64 = arith.constant 48 : index
      %swap3A_65 = tpu.vector_load %arg7[%swap3A_63, %swap3A_64] {strides = array<i32>} : memref<128x128xf32, #tpu.memory_space<vmem>>, vector<1x16xf32>,
      %swap3A_66 = vector.shape_cast %swap3A_65 : vector<1x16xf32> to vector<16xf32>
      %swap3A_67 = vector.shape_cast %broadcast_in_dim3A_62 : vector<16xf32> to vector<1x16xf32>
      tpu.vector_store %arg7[%swap3A_63, %swap3A_64], %swap3A_67 {strides = array<i32>} : memref<128x128xf32, #tpu.memory_space<vmem>>, vector<1x16xf32>,
      %broadcast_in_dim3A_68 = arith.constant 0.000000e+00 : f32
      %broadcast_in_dim3A_69 = vector.broadcast %broadcast_in_dim3A_68 : f32 to vector<16xf32>
      %swap3A_70 = arith.index_cast %scan3A_40 : i32 to index
      %swap3A_71 = arith.constant 64 : index
      %swap3A_72 = tpu.vector_load %arg7[%swap3A_70, %swap3A_71] {strides = array<i32>} : memref<128x128xf32, #tpu.memory_space<vmem>>, vector<1x16xf32>,
      %swap3A_73 = vector.shape_cast %swap3A_72 : vector<1x16xf32> to vector<16xf32>
      %swap3A_74 = vector.shape_cast %broadcast_in_dim3A_69 : vector<16xf32> to vector<1x16xf32>
      tpu.vector_store %arg7[%swap3A_70, %swap3A_71], %swap3A_74 {strides = array<i32>} : memref<128x128xf32, #tpu.memory_space<vmem>>, vector<1x16xf32>,
      %broadcast_in_dim3A_75 = arith.constant 0.000000e+00 : f32
      %broadcast_in_dim3A_76 = vector.broadcast %broadcast_in_dim3A_75 : f32 to vector<16xf32>
      %swap3A_77 = arith.index_cast %scan3A_40 : i32 to index
      %swap3A_78 = arith.constant 80 : index
      %swap3A_79 = tpu.vector_load %arg7[%swap3A_77, %swap3A_78] {strides = array<i32>} : memref<128x128xf32, #tpu.memory_space<vmem>>, vector<1x16xf32>,
      %swap3A_80 = vector.shape_cast %swap3A_79 : vector<1x16xf32> to vector<16xf32>
      %swap3A_81 = vector.shape_cast %broadcast_in_dim3A_76 : vector<16xf32> to vector<1x16xf32>
      tpu.vector_store %arg7[%swap3A_77, %swap3A_78], %swap3A_81 {strides = array<i32>} : memref<128x128xf32, #tpu.memory_space<vmem>>, vector<1x16xf32>,
      %broadcast_in_dim3A_82 = arith.constant 0.000000e+00 : f32
      %broadcast_in_dim3A_83 = vector.broadcast %broadcast_in_dim3A_82 : f32 to vector<16xf32>
      %swap3A_84 = arith.index_cast %scan3A_40 : i32 to index
      %swap3A_85 = arith.constant 96 : index
      %swap3A_86 = tpu.vector_load %arg7[%swap3A_84, %swap3A_85] {strides = array<i32>} : memref<128x128xf32, #tpu.memory_space<vmem>>, vector<1x16xf32>,
      %swap3A_87 = vector.shape_cast %swap3A_86 : vector<1x16xf32> to vector<16xf32>
      %swap3A_88 = vector.shape_cast %broadcast_in_dim3A_83 : vector<16xf32> to vector<1x16xf32>
      tpu.vector_store %arg7[%swap3A_84, %swap3A_85], %swap3A_88 {strides = array<i32>} : memref<128x128xf32, #tpu.memory_space<vmem>>, vector<1x16xf32>,
      %broadcast_in_dim3A_89 = arith.constant 0.000000e+00 : f32
      %broadcast_in_dim3A_90 = vector.broadcast %broadcast_in_dim3A_89 : f32 to vector<16xf32>
      %swap3A_91 = arith.index_cast %scan3A_40 : i32 to index
      %swap3A_92 = arith.constant 112 : index
      %swap3A_93 = tpu.vector_load %arg7[%swap3A_91, %swap3A_92] {strides = array<i32>} : memref<128x128xf32, #tpu.memory_space<vmem>>, vector<1x16xf32>,
      %swap3A_94 = vector.shape_cast %swap3A_93 : vector<1x16xf32> to vector<16xf32>
      %swap3A_95 = vector.shape_cast %broadcast_in_dim3A_90 : vector<16xf32> to vector<1x16xf32>
      tpu.vector_store %arg7[%swap3A_91, %swap3A_92], %swap3A_95 {strides = array<i32>} : memref<128x128xf32, #tpu.memory_space<vmem>>, vector<1x16xf32>,
      %scan3A_96 = arith.constant 0 : i32
      scf.yield %scan3A_96 : i32
    }
    %scan3A_8 = arith.constant 128 : i32
    %mul3A_9 = arith.constant 640 : i32
    %mul3A_10 = arith.muli %arg1, %mul3A_9 : i32
    %add3A_11 = arith.constant 0 : i32
    %add3A_12 = arith.addi %mul3A_10, %add3A_11 : i32
    "tpu.region"() ({
      %run_scoped3A = tpu.sem_alloc : memref<!tpu.dma_semaphore, #tpu.memory_space<semaphore_mem>>
      %dma_start3A = arith.constant 0 : i32
      %dma_start3A_40 = tpu.memref_slice %arg9[%add3A_12, %dma_start3A] : memref<10240x128xf32, #tpu.memory_space<vmem_shared>> -> memref<128x128xf32, #tpu.memory_space<vmem_shared>>
      %dma_start3A_41 = arith.constant 0 : i32
      %dma_start3A_42 = tpu.memref_slice %arg9[%add3A_12, %dma_start3A_41] : memref<10240x128xf32, #tpu.memory_space<vmem_shared>> -> memref<128x128xf32, #tpu.memory_space<vmem_shared>>
      tpu.enqueue_dma source(%arg7 : memref<128x128xf32, #tpu.memory_space<vmem>>) target(%dma_start3A_42 : memref<128x128xf32, #tpu.memory_space<vmem_shared>>) target_semaphore(%run_scoped3A : memref<!tpu.dma_semaphore, #tpu.memory_space<semaphore_mem>>)
      %dma_wait3A = arith.constant 0 : i32
      %dma_wait3A_43 = tpu.memref_slice %arg9[%add3A_12, %dma_wait3A] : memref<10240x128xf32, #tpu.memory_space<vmem_shared>> -> memref<128x128xf32, #tpu.memory_space<vmem_shared>>
      %dma_wait3A_44 = arith.constant 0 : i32
      %dma_wait3A_45 = tpu.memref_slice %arg9[%add3A_12, %dma_wait3A_44] : memref<10240x128xf32, #tpu.memory_space<vmem_shared>> -> memref<128x128xf32, #tpu.memory_space<vmem_shared>>
      tpu.wait_dma2 semaphore(%run_scoped3A : memref<!tpu.dma_semaphore, #tpu.memory_space<semaphore_mem>>) src(%arg7 : memref<128x128xf32, #tpu.memory_space<vmem>>) dst(%dma_wait3A_45 : memref<128x128xf32, #tpu.memory_space<vmem_shared>>)
      tpu.yield
    }) : () -> ()
    %mul3A_13 = arith.constant 640 : i32
    %mul3A_14 = arith.muli %arg1, %mul3A_13 : i32
    %add3A_15 = arith.constant 128 : i32
    %add3A_16 = arith.addi %mul3A_14, %add3A_15 : i32
    "tpu.region"() ({
      %run_scoped3A = tpu.sem_alloc : memref<!tpu.dma_semaphore, #tpu.memory_space<semaphore_mem>>
      %dma_start3A = arith.constant 0 : i32
      %dma_start3A_40 = tpu.memref_slice %arg9[%add3A_16, %dma_start3A] : memref<10240x128xf32, #tpu.memory_space<vmem_shared>> -> memref<128x128xf32, #tpu.memory_space<vmem_shared>>
      %dma_start3A_41 = arith.constant 0 : i32
      %dma_start3A_42 = tpu.memref_slice %arg9[%add3A_16, %dma_start3A_41] : memref<10240x128xf32, #tpu.memory_space<vmem_shared>> -> memref<128x128xf32, #tpu.memory_space<vmem_shared>>
      tpu.enqueue_dma source(%arg7 : memref<128x128xf32, #tpu.memory_space<vmem>>) target(%dma_start3A_42 : memref<128x128xf32, #tpu.memory_space<vmem_shared>>) target_semaphore(%run_scoped3A : memref<!tpu.dma_semaphore, #tpu.memory_space<semaphore_mem>>)
      %dma_wait3A = arith.constant 0 : i32
      %dma_wait3A_43 = tpu.memref_slice %arg9[%add3A_16, %dma_wait3A] : memref<10240x128xf32, #tpu.memory_space<vmem_shared>> -> memref<128x128xf32, #tpu.memory_space<vmem_shared>>
      %dma_wait3A_44 = arith.constant 0 : i32
      %dma_wait3A_45 = tpu.memref_slice %arg9[%add3A_16, %dma_wait3A_44] : memref<10240x128xf32, #tpu.memory_space<vmem_shared>> -> memref<128x128xf32, #tpu.memory_space<vmem_shared>>
      tpu.wait_dma2 semaphore(%run_scoped3A : memref<!tpu.dma_semaphore, #tpu.memory_space<semaphore_mem>>) src(%arg7 : memref<128x128xf32, #tpu.memory_space<vmem>>) dst(%dma_wait3A_45 : memref<128x128xf32, #tpu.memory_space<vmem_shared>>)
      tpu.yield
    }) : () -> ()
    %mul3A_17 = arith.constant 640 : i32
    %mul3A_18 = arith.muli %arg1, %mul3A_17 : i32
    %add3A_19 = arith.constant 256 : i32
    %add3A_20 = arith.addi %mul3A_18, %add3A_19 : i32
    "tpu.region"() ({
      %run_scoped3A = tpu.sem_alloc : memref<!tpu.dma_semaphore, #tpu.memory_space<semaphore_mem>>
      %dma_start3A = arith.constant 0 : i32
      %dma_start3A_40 = tpu.memref_slice %arg9[%add3A_20, %dma_start3A] : memref<10240x128xf32, #tpu.memory_space<vmem_shared>> -> memref<128x128xf32, #tpu.memory_space<vmem_shared>>
      %dma_start3A_41 = arith.constant 0 : i32
      %dma_start3A_42 = tpu.memref_slice %arg9[%add3A_20, %dma_start3A_41] : memref<10240x128xf32, #tpu.memory_space<vmem_shared>> -> memref<128x128xf32, #tpu.memory_space<vmem_shared>>
      tpu.enqueue_dma source(%arg7 : memref<128x128xf32, #tpu.memory_space<vmem>>) target(%dma_start3A_42 : memref<128x128xf32, #tpu.memory_space<vmem_shared>>) target_semaphore(%run_scoped3A : memref<!tpu.dma_semaphore, #tpu.memory_space<semaphore_mem>>)
      %dma_wait3A = arith.constant 0 : i32
      %dma_wait3A_43 = tpu.memref_slice %arg9[%add3A_20, %dma_wait3A] : memref<10240x128xf32, #tpu.memory_space<vmem_shared>> -> memref<128x128xf32, #tpu.memory_space<vmem_shared>>
      %dma_wait3A_44 = arith.constant 0 : i32
      %dma_wait3A_45 = tpu.memref_slice %arg9[%add3A_20, %dma_wait3A_44] : memref<10240x128xf32, #tpu.memory_space<vmem_shared>> -> memref<128x128xf32, #tpu.memory_space<vmem_shared>>
      tpu.wait_dma2 semaphore(%run_scoped3A : memref<!tpu.dma_semaphore, #tpu.memory_space<semaphore_mem>>) src(%arg7 : memref<128x128xf32, #tpu.memory_space<vmem>>) dst(%dma_wait3A_45 : memref<128x128xf32, #tpu.memory_space<vmem_shared>>)
      tpu.yield
    }) : () -> ()
    %mul3A_21 = arith.constant 640 : i32
    %mul3A_22 = arith.muli %arg1, %mul3A_21 : i32
    %add3A_23 = arith.constant 384 : i32
    %add3A_24 = arith.addi %mul3A_22, %add3A_23 : i32
    "tpu.region"() ({
      %run_scoped3A = tpu.sem_alloc : memref<!tpu.dma_semaphore, #tpu.memory_space<semaphore_mem>>
      %dma_start3A = arith.constant 0 : i32
      %dma_start3A_40 = tpu.memref_slice %arg9[%add3A_24, %dma_start3A] : memref<10240x128xf32, #tpu.memory_space<vmem_shared>> -> memref<128x128xf32, #tpu.memory_space<vmem_shared>>
      %dma_start3A_41 = arith.constant 0 : i32
      %dma_start3A_42 = tpu.memref_slice %arg9[%add3A_24, %dma_start3A_41] : memref<10240x128xf32, #tpu.memory_space<vmem_shared>> -> memref<128x128xf32, #tpu.memory_space<vmem_shared>>
      tpu.enqueue_dma source(%arg7 : memref<128x128xf32, #tpu.memory_space<vmem>>) target(%dma_start3A_42 : memref<128x128xf32, #tpu.memory_space<vmem_shared>>) target_semaphore(%run_scoped3A : memref<!tpu.dma_semaphore, #tpu.memory_space<semaphore_mem>>)
      %dma_wait3A = arith.constant 0 : i32
      %dma_wait3A_43 = tpu.memref_slice %arg9[%add3A_24, %dma_wait3A] : memref<10240x128xf32, #tpu.memory_space<vmem_shared>> -> memref<128x128xf32, #tpu.memory_space<vmem_shared>>
      %dma_wait3A_44 = arith.constant 0 : i32
      %dma_wait3A_45 = tpu.memref_slice %arg9[%add3A_24, %dma_wait3A_44] : memref<10240x128xf32, #tpu.memory_space<vmem_shared>> -> memref<128x128xf32, #tpu.memory_space<vmem_shared>>
      tpu.wait_dma2 semaphore(%run_scoped3A : memref<!tpu.dma_semaphore, #tpu.memory_space<semaphore_mem>>) src(%arg7 : memref<128x128xf32, #tpu.memory_space<vmem>>) dst(%dma_wait3A_45 : memref<128x128xf32, #tpu.memory_space<vmem_shared>>)
      tpu.yield
    }) : () -> ()
    %mul3A_25 = arith.constant 640 : i32
    %mul3A_26 = arith.muli %arg1, %mul3A_25 : i32
    %add3A_27 = arith.constant 512 : i32
    %add3A_28 = arith.addi %mul3A_26, %add3A_27 : i32
    "tpu.region"() ({
      %run_scoped3A = tpu.sem_alloc : memref<!tpu.dma_semaphore, #tpu.memory_space<semaphore_mem>>
      %dma_start3A = arith.constant 0 : i32
      %dma_start3A_40 = tpu.memref_slice %arg9[%add3A_28, %dma_start3A] : memref<10240x128xf32, #tpu.memory_space<vmem_shared>> -> memref<128x128xf32, #tpu.memory_space<vmem_shared>>
      %dma_start3A_41 = arith.constant 0 : i32
      %dma_start3A_42 = tpu.memref_slice %arg9[%add3A_28, %dma_start3A_41] : memref<10240x128xf32, #tpu.memory_space<vmem_shared>> -> memref<128x128xf32, #tpu.memory_space<vmem_shared>>
      tpu.enqueue_dma source(%arg7 : memref<128x128xf32, #tpu.memory_space<vmem>>) target(%dma_start3A_42 : memref<128x128xf32, #tpu.memory_space<vmem_shared>>) target_semaphore(%run_scoped3A : memref<!tpu.dma_semaphore, #tpu.memory_space<semaphore_mem>>)
      %dma_wait3A = arith.constant 0 : i32
      %dma_wait3A_43 = tpu.memref_slice %arg9[%add3A_28, %dma_wait3A] : memref<10240x128xf32, #tpu.memory_space<vmem_shared>> -> memref<128x128xf32, #tpu.memory_space<vmem_shared>>
      %dma_wait3A_44 = arith.constant 0 : i32
      %dma_wait3A_45 = tpu.memref_slice %arg9[%add3A_28, %dma_wait3A_44] : memref<10240x128xf32, #tpu.memory_space<vmem_shared>> -> memref<128x128xf32, #tpu.memory_space<vmem_shared>>
      tpu.wait_dma2 semaphore(%run_scoped3A : memref<!tpu.dma_semaphore, #tpu.memory_space<semaphore_mem>>) src(%arg7 : memref<128x128xf32, #tpu.memory_space<vmem>>) dst(%dma_wait3A_45 : memref<128x128xf32, #tpu.memory_space<vmem_shared>>)
      tpu.yield
    }) : () -> ()
    %barrier3A = arith.constant 0 : index
    tpu.barrier barrier_id(%barrier3A)
    %lt3A = arith.constant 31 : i32
    %lt3A_29 = arith.cmpi slt, %add3A, %lt3A : i32
    %convert_element_type3A = arith.extui %lt3A_29 : i1 to i32
    %cond3A = arith.constant 0 : i32
    %cond3A_30 = arith.cmpi ne, %convert_element_type3A, %cond3A : i32
    scf.if %cond3A_30 {
      %dma_start3A = arith.constant 0 : i32
      %dma_start3A_40 = arith.constant 0 : i32
      %dma_start3A_41 = arith.constant 0 : i32
      %dma_start3A_42 = tpu.memref_slice %arg5[%dma_start3A_40, %dma_start3A_41] : memref<40x128xi32, #tpu.memory_space<vmem>> -> memref<40x128xi32, #tpu.memory_space<vmem>>
      %dma_start3A_43 = arith.constant 0 : i32
      %dma_start3A_44 = tpu.memref_slice %arg3[%dma_start3A, %mul3A_2, %dma_start3A_43] : memref<2x2504x128xi32, #tpu.memory_space<hbm>> -> memref<1x40x128xi32, #tpu.memory_space<hbm>>
      %dma_start3A_45 = tpu.memref_squeeze %dma_start3A_44 : memref<1x40x128xi32, #tpu.memory_space<hbm>> -> memref<40x128xi32, #tpu.memory_space<hbm>>
      %dma_start3A_46 = arith.constant 0 : i32
      %dma_start3A_47 = arith.constant 0 : i32
      %dma_start3A_48 = tpu.memref_slice %arg5[%dma_start3A_46, %dma_start3A_47] : memref<40x128xi32, #tpu.memory_space<vmem>> -> memref<40x128xi32, #tpu.memory_space<vmem>>
      %dma_start3A_49 = arith.constant 0 : i32
      %dma_start3A_50 = tpu.memref_slice %arg3[%dma_start3A, %mul3A_2, %dma_start3A_49] : memref<2x2504x128xi32, #tpu.memory_space<hbm>> -> memref<1x40x128xi32, #tpu.memory_space<hbm>>
      %dma_start3A_51 = tpu.memref_squeeze %dma_start3A_50 : memref<1x40x128xi32, #tpu.memory_space<hbm>> -> memref<40x128xi32, #tpu.memory_space<hbm>>
      tpu.enqueue_dma source(%dma_start3A_51 : memref<40x128xi32, #tpu.memory_space<hbm>>) target(%dma_start3A_48 : memref<40x128xi32, #tpu.memory_space<vmem>>) target_semaphore(%arg10 : memref<!tpu.dma_semaphore, #tpu.memory_space<semaphore_mem>>)
      %dma_start3A_52 = arith.constant 1 : i32
      %dma_start3A_53 = arith.constant 0 : i32
      %dma_start3A_54 = arith.constant 0 : i32
      %dma_start3A_55 = tpu.memref_slice %arg6[%dma_start3A_53, %dma_start3A_54] : memref<40x128xi32, #tpu.memory_space<vmem>> -> memref<40x128xi32, #tpu.memory_space<vmem>>
      %dma_start3A_56 = arith.constant 0 : i32
      %dma_start3A_57 = tpu.memref_slice %arg3[%dma_start3A_52, %mul3A_2, %dma_start3A_56] : memref<2x2504x128xi32, #tpu.memory_space<hbm>> -> memref<1x40x128xi32, #tpu.memory_space<hbm>>
      %dma_start3A_58 = tpu.memref_squeeze %dma_start3A_57 : memref<1x40x128xi32, #tpu.memory_space<hbm>> -> memref<40x128xi32, #tpu.memory_space<hbm>>
      %dma_start3A_59 = arith.constant 0 : i32
      %dma_start3A_60 = arith.constant 0 : i32
      %dma_start3A_61 = tpu.memref_slice %arg6[%dma_start3A_59, %dma_start3A_60] : memref<40x128xi32, #tpu.memory_space<vmem>> -> memref<40x128xi32, #tpu.memory_space<vmem>>
      %dma_start3A_62 = arith.constant 0 : i32
      %dma_start3A_63 = tpu.memref_slice %arg3[%dma_start3A_52, %mul3A_2, %dma_start3A_62] : memref<2x2504x128xi32, #tpu.memory_space<hbm>> -> memref<1x40x128xi32, #tpu.memory_space<hbm>>
      %dma_start3A_64 = tpu.memref_squeeze %dma_start3A_63 : memref<1x40x128xi32, #tpu.memory_space<hbm>> -> memref<40x128xi32, #tpu.memory_space<hbm>>
      tpu.enqueue_dma source(%dma_start3A_64 : memref<40x128xi32, #tpu.memory_space<hbm>>) target(%dma_start3A_61 : memref<40x128xi32, #tpu.memory_space<vmem>>) target_semaphore(%arg11 : memref<!tpu.dma_semaphore, #tpu.memory_space<semaphore_mem>>)
      %dma_wait3A = arith.constant 0 : i32
      %dma_wait3A_65 = arith.constant 0 : i32
      %dma_wait3A_66 = arith.constant 0 : i32
      %dma_wait3A_67 = tpu.memref_slice %arg5[%dma_wait3A_65, %dma_wait3A_66] : memref<40x128xi32, #tpu.memory_space<vmem>> -> memref<40x128xi32, #tpu.memory_space<vmem>>
      %dma_wait3A_68 = arith.constant 0 : i32
      %dma_wait3A_69 = tpu.memref_slice %arg3[%dma_wait3A, %mul3A_2, %dma_wait3A_68] : memref<2x2504x128xi32, #tpu.memory_space<hbm>> -> memref<1x40x128xi32, #tpu.memory_space<hbm>>
      %dma_wait3A_70 = tpu.memref_squeeze %dma_wait3A_69 : memref<1x40x128xi32, #tpu.memory_space<hbm>> -> memref<40x128xi32, #tpu.memory_space<hbm>>
      %dma_wait3A_71 = arith.constant 0 : i32
      %dma_wait3A_72 = arith.constant 0 : i32
      %dma_wait3A_73 = tpu.memref_slice %arg5[%dma_wait3A_71, %dma_wait3A_72] : memref<40x128xi32, #tpu.memory_space<vmem>> -> memref<40x128xi32, #tpu.memory_space<vmem>>
      %dma_wait3A_74 = arith.constant 0 : i32
      %dma_wait3A_75 = tpu.memref_slice %arg3[%dma_wait3A, %mul3A_2, %dma_wait3A_74] : memref<2x2504x128xi32, #tpu.memory_space<hbm>> -> memref<1x40x128xi32, #tpu.memory_space<hbm>>
      %dma_wait3A_76 = tpu.memref_squeeze %dma_wait3A_75 : memref<1x40x128xi32, #tpu.memory_space<hbm>> -> memref<40x128xi32, #tpu.memory_space<hbm>>
      tpu.wait_dma2 semaphore(%arg10 : memref<!tpu.dma_semaphore, #tpu.memory_space<semaphore_mem>>) src(%dma_wait3A_76 : memref<40x128xi32, #tpu.memory_space<hbm>>) dst(%dma_wait3A_73 : memref<40x128xi32, #tpu.memory_space<vmem>>)
      %dma_wait3A_77 = arith.constant 1 : i32
      %dma_wait3A_78 = arith.constant 0 : i32
      %dma_wait3A_79 = arith.constant 0 : i32
      %dma_wait3A_80 = tpu.memref_slice %arg6[%dma_wait3A_78, %dma_wait3A_79] : memref<40x128xi32, #tpu.memory_space<vmem>> -> memref<40x128xi32, #tpu.memory_space<vmem>>
      %dma_wait3A_81 = arith.constant 0 : i32
      %dma_wait3A_82 = tpu.memref_slice %arg3[%dma_wait3A_77, %mul3A_2, %dma_wait3A_81] : memref<2x2504x128xi32, #tpu.memory_space<hbm>> -> memref<1x40x128xi32, #tpu.memory_space<hbm>>
      %dma_wait3A_83 = tpu.memref_squeeze %dma_wait3A_82 : memref<1x40x128xi32, #tpu.memory_space<hbm>> -> memref<40x128xi32, #tpu.memory_space<hbm>>
      %dma_wait3A_84 = arith.constant 0 : i32
      %dma_wait3A_85 = arith.constant 0 : i32
      %dma_wait3A_86 = tpu.memref_slice %arg6[%dma_wait3A_84, %dma_wait3A_85] : memref<40x128xi32, #tpu.memory_space<vmem>> -> memref<40x128xi32, #tpu.memory_space<vmem>>
      %dma_wait3A_87 = arith.constant 0 : i32
      %dma_wait3A_88 = tpu.memref_slice %arg3[%dma_wait3A_77, %mul3A_2, %dma_wait3A_87] : memref<2x2504x128xi32, #tpu.memory_space<hbm>> -> memref<1x40x128xi32, #tpu.memory_space<hbm>>
      %dma_wait3A_89 = tpu.memref_squeeze %dma_wait3A_88 : memref<1x40x128xi32, #tpu.memory_space<hbm>> -> memref<40x128xi32, #tpu.memory_space<hbm>>
      tpu.wait_dma2 semaphore(%arg11 : memref<!tpu.dma_semaphore, #tpu.memory_space<semaphore_mem>>) src(%dma_wait3A_89 : memref<40x128xi32, #tpu.memory_space<hbm>>) dst(%dma_wait3A_86 : memref<40x128xi32, #tpu.memory_space<vmem>>)
      %dma_start3A_90 = arith.constant 0 : i32
      %dma_start3A_91 = arith.constant 0 : i32
      %dma_start3A_92 = tpu.memref_slice %arg5[%dma_start3A_90, %dma_start3A_91] : memref<40x128xi32, #tpu.memory_space<vmem>> -> memref<1x128xi32, #tpu.memory_space<vmem>>
      %dma_start3A_93 = tpu.memref_squeeze %dma_start3A_92 : memref<1x128xi32, #tpu.memory_space<vmem>> -> memref<128xi32, #tpu.memory_space<vmem>>
      %dma_start3A_94 = arith.constant 0 : i32
      %dma_start3A_95 = arith.constant 0 : i32
      %dma_start3A_96 = tpu.memref_slice %arg2[%dma_start3A_94, %dma_start3A_95] : memref<10000x128xf32, #tpu.memory_space<hbm>> -> memref<10000x128xf32, #tpu.memory_space<hbm>>
      tpu.enqueue_indirect_dma source(%dma_start3A_96 : memref<10000x128xf32, #tpu.memory_space<hbm>>) target(%arg7 : memref<128x128xf32, #tpu.memory_space<vmem>>) offsets(%dma_start3A_93 : memref<128xi32, #tpu.memory_space<vmem>>) semaphore(%arg10 : memref<!tpu.dma_semaphore, #tpu.memory_space<semaphore_mem>>)
      %dma_start3A_97 = arith.constant 1 : i32
      %dma_start3A_98 = arith.constant 0 : i32
      %dma_start3A_99 = tpu.memref_slice %arg5[%dma_start3A_97, %dma_start3A_98] : memref<40x128xi32, #tpu.memory_space<vmem>> -> memref<1x128xi32, #tpu.memory_space<vmem>>
      %dma_start3A_100 = tpu.memref_squeeze %dma_start3A_99 : memref<1x128xi32, #tpu.memory_space<vmem>> -> memref<128xi32, #tpu.memory_space<vmem>>
      %dma_start3A_101 = arith.constant 0 : i32
      %dma_start3A_102 = arith.constant 0 : i32
      %dma_start3A_103 = tpu.memref_slice %arg2[%dma_start3A_101, %dma_start3A_102] : memref<10000x128xf32, #tpu.memory_space<hbm>> -> memref<10000x128xf32, #tpu.memory_space<hbm>>
      tpu.enqueue_indirect_dma source(%dma_start3A_103 : memref<10000x128xf32, #tpu.memory_space<hbm>>) target(%arg8 : memref<128x128xf32, #tpu.memory_space<vmem>>) offsets(%dma_start3A_100 : memref<128xi32, #tpu.memory_space<vmem>>) semaphore(%arg11 : memref<!tpu.dma_semaphore, #tpu.memory_space<semaphore_mem>>)
      %scan3A_104 = arith.constant 0 : i32
      %scan3A_105 = arith.constant 0 : i32
      %scan3A_106 = arith.constant 19 : i32
      %scan3A_107 = arith.addi %scan3A_105, %scan3A_106 : i32
      %scan3A_108 = arith.constant 1 : i32
      %scan3A_109 = scf.for %scan3A_217 = %scan3A_105 to %scan3A_107 step %scan3A_108 iter_args(%scan3A_218 = %scan3A_104) -> (i32)  : i32 {
        %mul3A_219 = arith.constant 2 : i32
        %mul3A_220 = arith.muli %mul3A_219, %scan3A_217 : i32
        %dma_wait3A_221 = arith.constant 0 : i32
        %dma_wait3A_222 = tpu.memref_slice %arg5[%mul3A_220, %dma_wait3A_221] : memref<40x128xi32, #tpu.memory_space<vmem>> -> memref<1x128xi32, #tpu.memory_space<vmem>>
        %dma_wait3A_223 = tpu.memref_squeeze %dma_wait3A_222 : memref<1x128xi32, #tpu.memory_space<vmem>> -> memref<128xi32, #tpu.memory_space<vmem>>
        %dma_wait3A_224 = arith.constant 0 : i32
        %dma_wait3A_225 = arith.constant 0 : i32
        %dma_wait3A_226 = tpu.memref_slice %arg2[%dma_wait3A_224, %dma_wait3A_225] : memref<10000x128xf32, #tpu.memory_space<hbm>> -> memref<10000x128xf32, #tpu.memory_space<hbm>>
        tpu.wait_indirect_dma semaphore(%arg10 : memref<!tpu.dma_semaphore, #tpu.memory_space<semaphore_mem>>) src(%dma_wait3A_226 : memref<10000x128xf32, #tpu.memory_space<hbm>>) dst(%arg7 : memref<128x128xf32, #tpu.memory_space<vmem>>)
        "tpu.region"() ({
          %run_scoped3A_254 = tpu.sem_alloc : memref<!tpu.dma_semaphore, #tpu.memory_space<semaphore_mem>>
          %dma_start3A_255 = arith.constant 0 : i32
          %dma_start3A_256 = tpu.memref_slice %arg6[%mul3A_220, %dma_start3A_255] : memref<40x128xi32, #tpu.memory_space<vmem>> -> memref<1x128xi32, #tpu.memory_space<vmem>>
          %dma_start3A_257 = tpu.memref_squeeze %dma_start3A_256 : memref<1x128xi32, #tpu.memory_space<vmem>> -> memref<128xi32, #tpu.memory_space<vmem>>
          %dma_start3A_258 = arith.constant 0 : i32
          %dma_start3A_259 = arith.constant 0 : i32
          %dma_start3A_260 = tpu.memref_slice %arg9[%dma_start3A_258, %dma_start3A_259] : memref<10240x128xf32, #tpu.memory_space<vmem_shared>> -> memref<10240x128xf32, #tpu.memory_space<vmem_shared>>
          tpu.enqueue_indirect_dma source(%arg7 : memref<128x128xf32, #tpu.memory_space<vmem>>) target(%dma_start3A_260 : memref<10240x128xf32, #tpu.memory_space<vmem_shared>>) offsets(%dma_start3A_257 : memref<128xi32, #tpu.memory_space<vmem>>) semaphore(%run_scoped3A_254 : memref<!tpu.dma_semaphore, #tpu.memory_space<semaphore_mem>>) {add = true}
          %dma_wait3A_261 = arith.constant 0 : i32
          %dma_wait3A_262 = tpu.memref_slice %arg6[%mul3A_220, %dma_wait3A_261] : memref<40x128xi32, #tpu.memory_space<vmem>> -> memref<1x128xi32, #tpu.memory_space<vmem>>
          %dma_wait3A_263 = tpu.memref_squeeze %dma_wait3A_262 : memref<1x128xi32, #tpu.memory_space<vmem>> -> memref<128xi32, #tpu.memory_space<vmem>>
          %dma_wait3A_264 = arith.constant 0 : i32
          %dma_wait3A_265 = arith.constant 0 : i32
          %dma_wait3A_266 = tpu.memref_slice %arg9[%dma_wait3A_264, %dma_wait3A_265] : memref<10240x128xf32, #tpu.memory_space<vmem_shared>> -> memref<10240x128xf32, #tpu.memory_space<vmem_shared>>
          tpu.wait_indirect_dma semaphore(%run_scoped3A_254 : memref<!tpu.dma_semaphore, #tpu.memory_space<semaphore_mem>>) src(%arg7 : memref<128x128xf32, #tpu.memory_space<vmem>>) dst(%dma_wait3A_266 : memref<10240x128xf32, #tpu.memory_space<vmem_shared>>)
          tpu.yield
        }) : () -> ()
        %add3A_227 = arith.constant 2 : i32
        %add3A_228 = arith.addi %mul3A_220, %add3A_227 : i32
        %dma_start3A_229 = arith.constant 0 : i32
        %dma_start3A_230 = tpu.memref_slice %arg5[%add3A_228, %dma_start3A_229] : memref<40x128xi32, #tpu.memory_space<vmem>> -> memref<1x128xi32, #tpu.memory_space<vmem>>
        %dma_start3A_231 = tpu.memref_squeeze %dma_start3A_230 : memref<1x128xi32, #tpu.memory_space<vmem>> -> memref<128xi32, #tpu.memory_space<vmem>>
        %dma_start3A_232 = arith.constant 0 : i32
        %dma_start3A_233 = arith.constant 0 : i32
        %dma_start3A_234 = tpu.memref_slice %arg2[%dma_start3A_232, %dma_start3A_233] : memref<10000x128xf32, #tpu.memory_space<hbm>> -> memref<10000x128xf32, #tpu.memory_space<hbm>>
        tpu.enqueue_indirect_dma source(%dma_start3A_234 : memref<10000x128xf32, #tpu.memory_space<hbm>>) target(%arg7 : memref<128x128xf32, #tpu.memory_space<vmem>>) offsets(%dma_start3A_231 : memref<128xi32, #tpu.memory_space<vmem>>) semaphore(%arg10 : memref<!tpu.dma_semaphore, #tpu.memory_space<semaphore_mem>>)
        %add3A_235 = arith.constant 1 : i32
        %add3A_236 = arith.addi %mul3A_220, %add3A_235 : i32
        %dma_wait3A_237 = arith.constant 0 : i32
        %dma_wait3A_238 = tpu.memref_slice %arg5[%add3A_236, %dma_wait3A_237] : memref<40x128xi32, #tpu.memory_space<vmem>> -> memref<1x128xi32, #tpu.memory_space<vmem>>
        %dma_wait3A_239 = tpu.memref_squeeze %dma_wait3A_238 : memref<1x128xi32, #tpu.memory_space<vmem>> -> memref<128xi32, #tpu.memory_space<vmem>>
        %dma_wait3A_240 = arith.constant 0 : i32
        %dma_wait3A_241 = arith.constant 0 : i32
        %dma_wait3A_242 = tpu.memref_slice %arg2[%dma_wait3A_240, %dma_wait3A_241] : memref<10000x128xf32, #tpu.memory_space<hbm>> -> memref<10000x128xf32, #tpu.memory_space<hbm>>
        tpu.wait_indirect_dma semaphore(%arg11 : memref<!tpu.dma_semaphore, #tpu.memory_space<semaphore_mem>>) src(%dma_wait3A_242 : memref<10000x128xf32, #tpu.memory_space<hbm>>) dst(%arg8 : memref<128x128xf32, #tpu.memory_space<vmem>>)
        %add3A_243 = arith.constant 1 : i32
        %add3A_244 = arith.addi %mul3A_220, %add3A_243 : i32
        "tpu.region"() ({
          %run_scoped3A_254 = tpu.sem_alloc : memref<!tpu.dma_semaphore, #tpu.memory_space<semaphore_mem>>
          %dma_start3A_255 = arith.constant 0 : i32
          %dma_start3A_256 = tpu.memref_slice %arg6[%add3A_244, %dma_start3A_255] : memref<40x128xi32, #tpu.memory_space<vmem>> -> memref<1x128xi32, #tpu.memory_space<vmem>>
          %dma_start3A_257 = tpu.memref_squeeze %dma_start3A_256 : memref<1x128xi32, #tpu.memory_space<vmem>> -> memref<128xi32, #tpu.memory_space<vmem>>
          %dma_start3A_258 = arith.constant 0 : i32
          %dma_start3A_259 = arith.constant 0 : i32
          %dma_start3A_260 = tpu.memref_slice %arg9[%dma_start3A_258, %dma_start3A_259] : memref<10240x128xf32, #tpu.memory_space<vmem_shared>> -> memref<10240x128xf32, #tpu.memory_space<vmem_shared>>
          tpu.enqueue_indirect_dma source(%arg8 : memref<128x128xf32, #tpu.memory_space<vmem>>) target(%dma_start3A_260 : memref<10240x128xf32, #tpu.memory_space<vmem_shared>>) offsets(%dma_start3A_257 : memref<128xi32, #tpu.memory_space<vmem>>) semaphore(%run_scoped3A_254 : memref<!tpu.dma_semaphore, #tpu.memory_space<semaphore_mem>>) {add = true}
          %dma_wait3A_261 = arith.constant 0 : i32
          %dma_wait3A_262 = tpu.memref_slice %arg6[%add3A_244, %dma_wait3A_261] : memref<40x128xi32, #tpu.memory_space<vmem>> -> memref<1x128xi32, #tpu.memory_space<vmem>>
          %dma_wait3A_263 = tpu.memref_squeeze %dma_wait3A_262 : memref<1x128xi32, #tpu.memory_space<vmem>> -> memref<128xi32, #tpu.memory_space<vmem>>
          %dma_wait3A_264 = arith.constant 0 : i32
          %dma_wait3A_265 = arith.constant 0 : i32
          %dma_wait3A_266 = tpu.memref_slice %arg9[%dma_wait3A_264, %dma_wait3A_265] : memref<10240x128xf32, #tpu.memory_space<vmem_shared>> -> memref<10240x128xf32, #tpu.memory_space<vmem_shared>>
          tpu.wait_indirect_dma semaphore(%run_scoped3A_254 : memref<!tpu.dma_semaphore, #tpu.memory_space<semaphore_mem>>) src(%arg8 : memref<128x128xf32, #tpu.memory_space<vmem>>) dst(%dma_wait3A_266 : memref<10240x128xf32, #tpu.memory_space<vmem_shared>>)
          tpu.yield
        }) : () -> ()
        %add3A_245 = arith.constant 3 : i32
        %add3A_246 = arith.addi %mul3A_220, %add3A_245 : i32
        %dma_start3A_247 = arith.constant 0 : i32
        %dma_start3A_248 = tpu.memref_slice %arg5[%add3A_246, %dma_start3A_247] : memref<40x128xi32, #tpu.memory_space<vmem>> -> memref<1x128xi32, #tpu.memory_space<vmem>>
        %dma_start3A_249 = tpu.memref_squeeze %dma_start3A_248 : memref<1x128xi32, #tpu.memory_space<vmem>> -> memref<128xi32, #tpu.memory_space<vmem>>
        %dma_start3A_250 = arith.constant 0 : i32
        %dma_start3A_251 = arith.constant 0 : i32
        %dma_start3A_252 = tpu.memref_slice %arg2[%dma_start3A_250, %dma_start3A_251] : memref<10000x128xf32, #tpu.memory_space<hbm>> -> memref<10000x128xf32, #tpu.memory_space<hbm>>
        tpu.enqueue_indirect_dma source(%dma_start3A_252 : memref<10000x128xf32, #tpu.memory_space<hbm>>) target(%arg8 : memref<128x128xf32, #tpu.memory_space<vmem>>) offsets(%dma_start3A_249 : memref<128xi32, #tpu.memory_space<vmem>>) semaphore(%arg11 : memref<!tpu.dma_semaphore, #tpu.memory_space<semaphore_mem>>)
        %scan3A_253 = arith.constant 0 : i32
        scf.yield %scan3A_253 : i32
      }
      %scan3A_110 = arith.constant 19 : i32
      %dma_wait3A_111 = arith.constant 38 : i32
      %dma_wait3A_112 = arith.constant 0 : i32
      %dma_wait3A_113 = tpu.memref_slice %arg5[%dma_wait3A_111, %dma_wait3A_112] : memref<40x128xi32, #tpu.memory_space<vmem>> -> memref<1x128xi32, #tpu.memory_space<vmem>>
      %dma_wait3A_114 = tpu.memref_squeeze %dma_wait3A_113 : memref<1x128xi32, #tpu.memory_space<vmem>> -> memref<128xi32, #tpu.memory_space<vmem>>
      %dma_wait3A_115 = arith.constant 0 : i32
      %dma_wait3A_116 = arith.constant 0 : i32
      %dma_wait3A_117 = tpu.memref_slice %arg2[%dma_wait3A_115, %dma_wait3A_116] : memref<10000x128xf32, #tpu.memory_space<hbm>> -> memref<10000x128xf32, #tpu.memory_space<hbm>>
      tpu.wait_indirect_dma semaphore(%arg10 : memref<!tpu.dma_semaphore, #tpu.memory_space<semaphore_mem>>) src(%dma_wait3A_117 : memref<10000x128xf32, #tpu.memory_space<hbm>>) dst(%arg7 : memref<128x128xf32, #tpu.memory_space<vmem>>)
      %run_scoped3A = arith.constant 38 : i32
      "tpu.region"() ({
        %run_scoped3A_217 = tpu.sem_alloc : memref<!tpu.dma_semaphore, #tpu.memory_space<semaphore_mem>>
        %dma_start3A_218 = arith.constant 0 : i32
        %dma_start3A_219 = tpu.memref_slice %arg6[%run_scoped3A, %dma_start3A_218] : memref<40x128xi32, #tpu.memory_space<vmem>> -> memref<1x128xi32, #tpu.memory_space<vmem>>
        %dma_start3A_220 = tpu.memref_squeeze %dma_start3A_219 : memref<1x128xi32, #tpu.memory_space<vmem>> -> memref<128xi32, #tpu.memory_space<vmem>>
        %dma_start3A_221 = arith.constant 0 : i32
        %dma_start3A_222 = arith.constant 0 : i32
        %dma_start3A_223 = tpu.memref_slice %arg9[%dma_start3A_221, %dma_start3A_222] : memref<10240x128xf32, #tpu.memory_space<vmem_shared>> -> memref<10240x128xf32, #tpu.memory_space<vmem_shared>>
        tpu.enqueue_indirect_dma source(%arg7 : memref<128x128xf32, #tpu.memory_space<vmem>>) target(%dma_start3A_223 : memref<10240x128xf32, #tpu.memory_space<vmem_shared>>) offsets(%dma_start3A_220 : memref<128xi32, #tpu.memory_space<vmem>>) semaphore(%run_scoped3A_217 : memref<!tpu.dma_semaphore, #tpu.memory_space<semaphore_mem>>) {add = true}
        %dma_wait3A_224 = arith.constant 0 : i32
        %dma_wait3A_225 = tpu.memref_slice %arg6[%run_scoped3A, %dma_wait3A_224] : memref<40x128xi32, #tpu.memory_space<vmem>> -> memref<1x128xi32, #tpu.memory_space<vmem>>
        %dma_wait3A_226 = tpu.memref_squeeze %dma_wait3A_225 : memref<1x128xi32, #tpu.memory_space<vmem>> -> memref<128xi32, #tpu.memory_space<vmem>>
        %dma_wait3A_227 = arith.constant 0 : i32
        %dma_wait3A_228 = arith.constant 0 : i32
        %dma_wait3A_229 = tpu.memref_slice %arg9[%dma_wait3A_227, %dma_wait3A_228] : memref<10240x128xf32, #tpu.memory_space<vmem_shared>> -> memref<10240x128xf32, #tpu.memory_space<vmem_shared>>
        tpu.wait_indirect_dma semaphore(%run_scoped3A_217 : memref<!tpu.dma_semaphore, #tpu.memory_space<semaphore_mem>>) src(%arg7 : memref<128x128xf32, #tpu.memory_space<vmem>>) dst(%dma_wait3A_229 : memref<10240x128xf32, #tpu.memory_space<vmem_shared>>)
        tpu.yield
      }) : () -> ()
      %dma_wait3A_118 = arith.constant 39 : i32
      %dma_wait3A_119 = arith.constant 0 : i32
      %dma_wait3A_120 = tpu.memref_slice %arg5[%dma_wait3A_118, %dma_wait3A_119] : memref<40x128xi32, #tpu.memory_space<vmem>> -> memref<1x128xi32, #tpu.memory_space<vmem>>
      %dma_wait3A_121 = tpu.memref_squeeze %dma_wait3A_120 : memref<1x128xi32, #tpu.memory_space<vmem>> -> memref<128xi32, #tpu.memory_space<vmem>>
      %dma_wait3A_122 = arith.constant 0 : i32
      %dma_wait3A_123 = arith.constant 0 : i32
      %dma_wait3A_124 = tpu.memref_slice %arg2[%dma_wait3A_122, %dma_wait3A_123] : memref<10000x128xf32, #tpu.memory_space<hbm>> -> memref<10000x128xf32, #tpu.memory_space<hbm>>
      tpu.wait_indirect_dma semaphore(%arg11 : memref<!tpu.dma_semaphore, #tpu.memory_space<semaphore_mem>>) src(%dma_wait3A_124 : memref<10000x128xf32, #tpu.memory_space<hbm>>) dst(%arg8 : memref<128x128xf32, #tpu.memory_space<vmem>>)
      %run_scoped3A_125 = arith.constant 39 : i32
      "tpu.region"() ({
        %run_scoped3A_217 = tpu.sem_alloc : memref<!tpu.dma_semaphore, #tpu.memory_space<semaphore_mem>>
        %dma_start3A_218 = arith.constant 0 : i32
        %dma_start3A_219 = tpu.memref_slice %arg6[%run_scoped3A_125, %dma_start3A_218] : memref<40x128xi32, #tpu.memory_space<vmem>> -> memref<1x128xi32, #tpu.memory_space<vmem>>
        %dma_start3A_220 = tpu.memref_squeeze %dma_start3A_219 : memref<1x128xi32, #tpu.memory_space<vmem>> -> memref<128xi32, #tpu.memory_space<vmem>>
        %dma_start3A_221 = arith.constant 0 : i32
        %dma_start3A_222 = arith.constant 0 : i32
        %dma_start3A_223 = tpu.memref_slice %arg9[%dma_start3A_221, %dma_start3A_222] : memref<10240x128xf32, #tpu.memory_space<vmem_shared>> -> memref<10240x128xf32, #tpu.memory_space<vmem_shared>>
        tpu.enqueue_indirect_dma source(%arg8 : memref<128x128xf32, #tpu.memory_space<vmem>>) target(%dma_start3A_223 : memref<10240x128xf32, #tpu.memory_space<vmem_shared>>) offsets(%dma_start3A_220 : memref<128xi32, #tpu.memory_space<vmem>>) semaphore(%run_scoped3A_217 : memref<!tpu.dma_semaphore, #tpu.memory_space<semaphore_mem>>) {add = true}
        %dma_wait3A_224 = arith.constant 0 : i32
        %dma_wait3A_225 = tpu.memref_slice %arg6[%run_scoped3A_125, %dma_wait3A_224] : memref<40x128xi32, #tpu.memory_space<vmem>> -> memref<1x128xi32, #tpu.memory_space<vmem>>
        %dma_wait3A_226 = tpu.memref_squeeze %dma_wait3A_225 : memref<1x128xi32, #tpu.memory_space<vmem>> -> memref<128xi32, #tpu.memory_space<vmem>>
        %dma_wait3A_227 = arith.constant 0 : i32
        %dma_wait3A_228 = arith.constant 0 : i32
        %dma_wait3A_229 = tpu.memref_slice %arg9[%dma_wait3A_227, %dma_wait3A_228] : memref<10240x128xf32, #tpu.memory_space<vmem_shared>> -> memref<10240x128xf32, #tpu.memory_space<vmem_shared>>
        tpu.wait_indirect_dma semaphore(%run_scoped3A_217 : memref<!tpu.dma_semaphore, #tpu.memory_space<semaphore_mem>>) src(%arg8 : memref<128x128xf32, #tpu.memory_space<vmem>>) dst(%dma_wait3A_229 : memref<10240x128xf32, #tpu.memory_space<vmem_shared>>)
        tpu.yield
      }) : () -> ()
      %add3A_126 = arith.constant 40 : i32
      %add3A_127 = arith.addi %mul3A_2, %add3A_126 : i32
      %dma_start3A_128 = arith.constant 0 : i32
      %dma_start3A_129 = arith.constant 0 : i32
      %dma_start3A_130 = arith.constant 0 : i32
      %dma_start3A_131 = tpu.memref_slice %arg5[%dma_start3A_129, %dma_start3A_130] : memref<40x128xi32, #tpu.memory_space<vmem>> -> memref<40x128xi32, #tpu.memory_space<vmem>>
      %dma_start3A_132 = arith.constant 0 : i32
      %dma_start3A_133 = tpu.memref_slice %arg3[%dma_start3A_128, %add3A_127, %dma_start3A_132] : memref<2x2504x128xi32, #tpu.memory_space<hbm>> -> memref<1x40x128xi32, #tpu.memory_space<hbm>>
      %dma_start3A_134 = tpu.memref_squeeze %dma_start3A_133 : memref<1x40x128xi32, #tpu.memory_space<hbm>> -> memref<40x128xi32, #tpu.memory_space<hbm>>
      %dma_start3A_135 = arith.constant 0 : i32
      %dma_start3A_136 = arith.constant 0 : i32
      %dma_start3A_137 = tpu.memref_slice %arg5[%dma_start3A_135, %dma_start3A_136] : memref<40x128xi32, #tpu.memory_space<vmem>> -> memref<40x128xi32, #tpu.memory_space<vmem>>
      %dma_start3A_138 = arith.constant 0 : i32
      %dma_start3A_139 = tpu.memref_slice %arg3[%dma_start3A_128, %add3A_127, %dma_start3A_138] : memref<2x2504x128xi32, #tpu.memory_space<hbm>> -> memref<1x40x128xi32, #tpu.memory_space<hbm>>
      %dma_start3A_140 = tpu.memref_squeeze %dma_start3A_139 : memref<1x40x128xi32, #tpu.memory_space<hbm>> -> memref<40x128xi32, #tpu.memory_space<hbm>>
      tpu.enqueue_dma source(%dma_start3A_140 : memref<40x128xi32, #tpu.memory_space<hbm>>) target(%dma_start3A_137 : memref<40x128xi32, #tpu.memory_space<vmem>>) target_semaphore(%arg10 : memref<!tpu.dma_semaphore, #tpu.memory_space<semaphore_mem>>)
      %dma_start3A_141 = arith.constant 1 : i32
      %dma_start3A_142 = arith.constant 0 : i32
      %dma_start3A_143 = arith.constant 0 : i32
      %dma_start3A_144 = tpu.memref_slice %arg6[%dma_start3A_142, %dma_start3A_143] : memref<40x128xi32, #tpu.memory_space<vmem>> -> memref<40x128xi32, #tpu.memory_space<vmem>>
      %dma_start3A_145 = arith.constant 0 : i32
      %dma_start3A_146 = tpu.memref_slice %arg3[%dma_start3A_141, %add3A_127, %dma_start3A_145] : memref<2x2504x128xi32, #tpu.memory_space<hbm>> -> memref<1x40x128xi32, #tpu.memory_space<hbm>>
      %dma_start3A_147 = tpu.memref_squeeze %dma_start3A_146 : memref<1x40x128xi32, #tpu.memory_space<hbm>> -> memref<40x128xi32, #tpu.memory_space<hbm>>
      %dma_start3A_148 = arith.constant 0 : i32
      %dma_start3A_149 = arith.constant 0 : i32
      %dma_start3A_150 = tpu.memref_slice %arg6[%dma_start3A_148, %dma_start3A_149] : memref<40x128xi32, #tpu.memory_space<vmem>> -> memref<40x128xi32, #tpu.memory_space<vmem>>
      %dma_start3A_151 = arith.constant 0 : i32
      %dma_start3A_152 = tpu.memref_slice %arg3[%dma_start3A_141, %add3A_127, %dma_start3A_151] : memref<2x2504x128xi32, #tpu.memory_space<hbm>> -> memref<1x40x128xi32, #tpu.memory_space<hbm>>
      %dma_start3A_153 = tpu.memref_squeeze %dma_start3A_152 : memref<1x40x128xi32, #tpu.memory_space<hbm>> -> memref<40x128xi32, #tpu.memory_space<hbm>>
      tpu.enqueue_dma source(%dma_start3A_153 : memref<40x128xi32, #tpu.memory_space<hbm>>) target(%dma_start3A_150 : memref<40x128xi32, #tpu.memory_space<vmem>>) target_semaphore(%arg11 : memref<!tpu.dma_semaphore, #tpu.memory_space<semaphore_mem>>)
      %dma_wait3A_154 = arith.constant 0 : i32
      %dma_wait3A_155 = arith.constant 0 : i32
      %dma_wait3A_156 = arith.constant 0 : i32
      %dma_wait3A_157 = tpu.memref_slice %arg5[%dma_wait3A_155, %dma_wait3A_156] : memref<40x128xi32, #tpu.memory_space<vmem>> -> memref<40x128xi32, #tpu.memory_space<vmem>>
      %dma_wait3A_158 = arith.constant 0 : i32
      %dma_wait3A_159 = tpu.memref_slice %arg3[%dma_wait3A_154, %add3A_127, %dma_wait3A_158] : memref<2x2504x128xi32, #tpu.memory_space<hbm>> -> memref<1x40x128xi32, #tpu.memory_space<hbm>>
      %dma_wait3A_160 = tpu.memref_squeeze %dma_wait3A_159 : memref<1x40x128xi32, #tpu.memory_space<hbm>> -> memref<40x128xi32, #tpu.memory_space<hbm>>
      %dma_wait3A_161 = arith.constant 0 : i32
      %dma_wait3A_162 = arith.constant 0 : i32
      %dma_wait3A_163 = tpu.memref_slice %arg5[%dma_wait3A_161, %dma_wait3A_162] : memref<40x128xi32, #tpu.memory_space<vmem>> -> memref<40x128xi32, #tpu.memory_space<vmem>>
      %dma_wait3A_164 = arith.constant 0 : i32
      %dma_wait3A_165 = tpu.memref_slice %arg3[%dma_wait3A_154, %add3A_127, %dma_wait3A_164] : memref<2x2504x128xi32, #tpu.memory_space<hbm>> -> memref<1x40x128xi32, #tpu.memory_space<hbm>>
      %dma_wait3A_166 = tpu.memref_squeeze %dma_wait3A_165 : memref<1x40x128xi32, #tpu.memory_space<hbm>> -> memref<40x128xi32, #tpu.memory_space<hbm>>
      tpu.wait_dma2 semaphore(%arg10 : memref<!tpu.dma_semaphore, #tpu.memory_space<semaphore_mem>>) src(%dma_wait3A_166 : memref<40x128xi32, #tpu.memory_space<hbm>>) dst(%dma_wait3A_163 : memref<40x128xi32, #tpu.memory_space<vmem>>)
      %dma_wait3A_167 = arith.constant 1 : i32
      %dma_wait3A_168 = arith.constant 0 : i32
      %dma_wait3A_169 = arith.constant 0 : i32
      %dma_wait3A_170 = tpu.memref_slice %arg6[%dma_wait3A_168, %dma_wait3A_169] : memref<40x128xi32, #tpu.memory_space<vmem>> -> memref<40x128xi32, #tpu.memory_space<vmem>>
      %dma_wait3A_171 = arith.constant 0 : i32
      %dma_wait3A_172 = tpu.memref_slice %arg3[%dma_wait3A_167, %add3A_127, %dma_wait3A_171] : memref<2x2504x128xi32, #tpu.memory_space<hbm>> -> memref<1x40x128xi32, #tpu.memory_space<hbm>>
      %dma_wait3A_173 = tpu.memref_squeeze %dma_wait3A_172 : memref<1x40x128xi32, #tpu.memory_space<hbm>> -> memref<40x128xi32, #tpu.memory_space<hbm>>
      %dma_wait3A_174 = arith.constant 0 : i32
      %dma_wait3A_175 = arith.constant 0 : i32
      %dma_wait3A_176 = tpu.memref_slice %arg6[%dma_wait3A_174, %dma_wait3A_175] : memref<40x128xi32, #tpu.memory_space<vmem>> -> memref<40x128xi32, #tpu.memory_space<vmem>>
      %dma_wait3A_177 = arith.constant 0 : i32
      %dma_wait3A_178 = tpu.memref_slice %arg3[%dma_wait3A_167, %add3A_127, %dma_wait3A_177] : memref<2x2504x128xi32, #tpu.memory_space<hbm>> -> memref<1x40x128xi32, #tpu.memory_space<hbm>>
      %dma_wait3A_179 = tpu.memref_squeeze %dma_wait3A_178 : memref<1x40x128xi32, #tpu.memory_space<hbm>> -> memref<40x128xi32, #tpu.memory_space<hbm>>
      tpu.wait_dma2 semaphore(%arg11 : memref<!tpu.dma_semaphore, #tpu.memory_space<semaphore_mem>>) src(%dma_wait3A_179 : memref<40x128xi32, #tpu.memory_space<hbm>>) dst(%dma_wait3A_176 : memref<40x128xi32, #tpu.memory_space<vmem>>)
      %dma_start3A_180 = arith.constant 0 : i32
      %dma_start3A_181 = arith.constant 0 : i32
      %dma_start3A_182 = tpu.memref_slice %arg5[%dma_start3A_180, %dma_start3A_181] : memref<40x128xi32, #tpu.memory_space<vmem>> -> memref<1x128xi32, #tpu.memory_space<vmem>>
      %dma_start3A_183 = tpu.memref_squeeze %dma_start3A_182 : memref<1x128xi32, #tpu.memory_space<vmem>> -> memref<128xi32, #tpu.memory_space<vmem>>
      %dma_start3A_184 = arith.constant 0 : i32
      %dma_start3A_185 = arith.constant 0 : i32
      %dma_start3A_186 = tpu.memref_slice %arg2[%dma_start3A_184, %dma_start3A_185] : memref<10000x128xf32, #tpu.memory_space<hbm>> -> memref<10000x128xf32, #tpu.memory_space<hbm>>
      tpu.enqueue_indirect_dma source(%dma_start3A_186 : memref<10000x128xf32, #tpu.memory_space<hbm>>) target(%arg7 : memref<128x128xf32, #tpu.memory_space<vmem>>) offsets(%dma_start3A_183 : memref<128xi32, #tpu.memory_space<vmem>>) semaphore(%arg10 : memref<!tpu.dma_semaphore, #tpu.memory_space<semaphore_mem>>)
      %dma_start3A_187 = arith.constant 1 : i32
      %dma_start3A_188 = arith.constant 0 : i32
      %dma_start3A_189 = tpu.memref_slice %arg5[%dma_start3A_187, %dma_start3A_188] : memref<40x128xi32, #tpu.memory_space<vmem>> -> memref<1x128xi32, #tpu.memory_space<vmem>>
      %dma_start3A_190 = tpu.memref_squeeze %dma_start3A_189 : memref<1x128xi32, #tpu.memory_space<vmem>> -> memref<128xi32, #tpu.memory_space<vmem>>
      %dma_start3A_191 = arith.constant 0 : i32
      %dma_start3A_192 = arith.constant 0 : i32
      %dma_start3A_193 = tpu.memref_slice %arg2[%dma_start3A_191, %dma_start3A_192] : memref<10000x128xf32, #tpu.memory_space<hbm>> -> memref<10000x128xf32, #tpu.memory_space<hbm>>
      tpu.enqueue_indirect_dma source(%dma_start3A_193 : memref<10000x128xf32, #tpu.memory_space<hbm>>) target(%arg8 : memref<128x128xf32, #tpu.memory_space<vmem>>) offsets(%dma_start3A_190 : memref<128xi32, #tpu.memory_space<vmem>>) semaphore(%arg11 : memref<!tpu.dma_semaphore, #tpu.memory_space<semaphore_mem>>)
      %scan3A_194 = arith.constant 0 : i32
      %scan3A_195 = arith.constant 0 : i32
      %scan3A_196 = arith.constant 19 : i32
      %scan3A_197 = arith.addi %scan3A_195, %scan3A_196 : i32
      %scan3A_198 = arith.constant 1 : i32
      %scan3A_199 = scf.for %scan3A_217 = %scan3A_195 to %scan3A_197 step %scan3A_198 iter_args(%scan3A_218 = %scan3A_194) -> (i32)  : i32 {
        %mul3A_219 = arith.constant 2 : i32
        %mul3A_220 = arith.muli %mul3A_219, %scan3A_217 : i32
        %dma_wait3A_221 = arith.constant 0 : i32
        %dma_wait3A_222 = tpu.memref_slice %arg5[%mul3A_220, %dma_wait3A_221] : memref<40x128xi32, #tpu.memory_space<vmem>> -> memref<1x128xi32, #tpu.memory_space<vmem>>
        %dma_wait3A_223 = tpu.memref_squeeze %dma_wait3A_222 : memref<1x128xi32, #tpu.memory_space<vmem>> -> memref<128xi32, #tpu.memory_space<vmem>>
        %dma_wait3A_224 = arith.constant 0 : i32
        %dma_wait3A_225 = arith.constant 0 : i32
        %dma_wait3A_226 = tpu.memref_slice %arg2[%dma_wait3A_224, %dma_wait3A_225] : memref<10000x128xf32, #tpu.memory_space<hbm>> -> memref<10000x128xf32, #tpu.memory_space<hbm>>
        tpu.wait_indirect_dma semaphore(%arg10 : memref<!tpu.dma_semaphore, #tpu.memory_space<semaphore_mem>>) src(%dma_wait3A_226 : memref<10000x128xf32, #tpu.memory_space<hbm>>) dst(%arg7 : memref<128x128xf32, #tpu.memory_space<vmem>>)
        "tpu.region"() ({
          %run_scoped3A_254 = tpu.sem_alloc : memref<!tpu.dma_semaphore, #tpu.memory_space<semaphore_mem>>
          %dma_start3A_255 = arith.constant 0 : i32
          %dma_start3A_256 = tpu.memref_slice %arg6[%mul3A_220, %dma_start3A_255] : memref<40x128xi32, #tpu.memory_space<vmem>> -> memref<1x128xi32, #tpu.memory_space<vmem>>
          %dma_start3A_257 = tpu.memref_squeeze %dma_start3A_256 : memref<1x128xi32, #tpu.memory_space<vmem>> -> memref<128xi32, #tpu.memory_space<vmem>>
          %dma_start3A_258 = arith.constant 0 : i32
          %dma_start3A_259 = arith.constant 0 : i32
          %dma_start3A_260 = tpu.memref_slice %arg9[%dma_start3A_258, %dma_start3A_259] : memref<10240x128xf32, #tpu.memory_space<vmem_shared>> -> memref<10240x128xf32, #tpu.memory_space<vmem_shared>>
          tpu.enqueue_indirect_dma source(%arg7 : memref<128x128xf32, #tpu.memory_space<vmem>>) target(%dma_start3A_260 : memref<10240x128xf32, #tpu.memory_space<vmem_shared>>) offsets(%dma_start3A_257 : memref<128xi32, #tpu.memory_space<vmem>>) semaphore(%run_scoped3A_254 : memref<!tpu.dma_semaphore, #tpu.memory_space<semaphore_mem>>) {add = true}
          %dma_wait3A_261 = arith.constant 0 : i32
          %dma_wait3A_262 = tpu.memref_slice %arg6[%mul3A_220, %dma_wait3A_261] : memref<40x128xi32, #tpu.memory_space<vmem>> -> memref<1x128xi32, #tpu.memory_space<vmem>>
          %dma_wait3A_263 = tpu.memref_squeeze %dma_wait3A_262 : memref<1x128xi32, #tpu.memory_space<vmem>> -> memref<128xi32, #tpu.memory_space<vmem>>
          %dma_wait3A_264 = arith.constant 0 : i32
          %dma_wait3A_265 = arith.constant 0 : i32
          %dma_wait3A_266 = tpu.memref_slice %arg9[%dma_wait3A_264, %dma_wait3A_265] : memref<10240x128xf32, #tpu.memory_space<vmem_shared>> -> memref<10240x128xf32, #tpu.memory_space<vmem_shared>>
          tpu.wait_indirect_dma semaphore(%run_scoped3A_254 : memref<!tpu.dma_semaphore, #tpu.memory_space<semaphore_mem>>) src(%arg7 : memref<128x128xf32, #tpu.memory_space<vmem>>) dst(%dma_wait3A_266 : memref<10240x128xf32, #tpu.memory_space<vmem_shared>>)
          tpu.yield
        }) : () -> ()
        %add3A_227 = arith.constant 2 : i32
        %add3A_228 = arith.addi %mul3A_220, %add3A_227 : i32
        %dma_start3A_229 = arith.constant 0 : i32
        %dma_start3A_230 = tpu.memref_slice %arg5[%add3A_228, %dma_start3A_229] : memref<40x128xi32, #tpu.memory_space<vmem>> -> memref<1x128xi32, #tpu.memory_space<vmem>>
        %dma_start3A_231 = tpu.memref_squeeze %dma_start3A_230 : memref<1x128xi32, #tpu.memory_space<vmem>> -> memref<128xi32, #tpu.memory_space<vmem>>
        %dma_start3A_232 = arith.constant 0 : i32
        %dma_start3A_233 = arith.constant 0 : i32
        %dma_start3A_234 = tpu.memref_slice %arg2[%dma_start3A_232, %dma_start3A_233] : memref<10000x128xf32, #tpu.memory_space<hbm>> -> memref<10000x128xf32, #tpu.memory_space<hbm>>
        tpu.enqueue_indirect_dma source(%dma_start3A_234 : memref<10000x128xf32, #tpu.memory_space<hbm>>) target(%arg7 : memref<128x128xf32, #tpu.memory_space<vmem>>) offsets(%dma_start3A_231 : memref<128xi32, #tpu.memory_space<vmem>>) semaphore(%arg10 : memref<!tpu.dma_semaphore, #tpu.memory_space<semaphore_mem>>)
        %add3A_235 = arith.constant 1 : i32
        %add3A_236 = arith.addi %mul3A_220, %add3A_235 : i32
        %dma_wait3A_237 = arith.constant 0 : i32
        %dma_wait3A_238 = tpu.memref_slice %arg5[%add3A_236, %dma_wait3A_237] : memref<40x128xi32, #tpu.memory_space<vmem>> -> memref<1x128xi32, #tpu.memory_space<vmem>>
        %dma_wait3A_239 = tpu.memref_squeeze %dma_wait3A_238 : memref<1x128xi32, #tpu.memory_space<vmem>> -> memref<128xi32, #tpu.memory_space<vmem>>
        %dma_wait3A_240 = arith.constant 0 : i32
        %dma_wait3A_241 = arith.constant 0 : i32
        %dma_wait3A_242 = tpu.memref_slice %arg2[%dma_wait3A_240, %dma_wait3A_241] : memref<10000x128xf32, #tpu.memory_space<hbm>> -> memref<10000x128xf32, #tpu.memory_space<hbm>>
        tpu.wait_indirect_dma semaphore(%arg11 : memref<!tpu.dma_semaphore, #tpu.memory_space<semaphore_mem>>) src(%dma_wait3A_242 : memref<10000x128xf32, #tpu.memory_space<hbm>>) dst(%arg8 : memref<128x128xf32, #tpu.memory_space<vmem>>)
        %add3A_243 = arith.constant 1 : i32
        %add3A_244 = arith.addi %mul3A_220, %add3A_243 : i32
        "tpu.region"() ({
          %run_scoped3A_254 = tpu.sem_alloc : memref<!tpu.dma_semaphore, #tpu.memory_space<semaphore_mem>>
          %dma_start3A_255 = arith.constant 0 : i32
          %dma_start3A_256 = tpu.memref_slice %arg6[%add3A_244, %dma_start3A_255] : memref<40x128xi32, #tpu.memory_space<vmem>> -> memref<1x128xi32, #tpu.memory_space<vmem>>
          %dma_start3A_257 = tpu.memref_squeeze %dma_start3A_256 : memref<1x128xi32, #tpu.memory_space<vmem>> -> memref<128xi32, #tpu.memory_space<vmem>>
          %dma_start3A_258 = arith.constant 0 : i32
          %dma_start3A_259 = arith.constant 0 : i32
          %dma_start3A_260 = tpu.memref_slice %arg9[%dma_start3A_258, %dma_start3A_259] : memref<10240x128xf32, #tpu.memory_space<vmem_shared>> -> memref<10240x128xf32, #tpu.memory_space<vmem_shared>>
          tpu.enqueue_indirect_dma source(%arg8 : memref<128x128xf32, #tpu.memory_space<vmem>>) target(%dma_start3A_260 : memref<10240x128xf32, #tpu.memory_space<vmem_shared>>) offsets(%dma_start3A_257 : memref<128xi32, #tpu.memory_space<vmem>>) semaphore(%run_scoped3A_254 : memref<!tpu.dma_semaphore, #tpu.memory_space<semaphore_mem>>) {add = true}
          %dma_wait3A_261 = arith.constant 0 : i32
          %dma_wait3A_262 = tpu.memref_slice %arg6[%add3A_244, %dma_wait3A_261] : memref<40x128xi32, #tpu.memory_space<vmem>> -> memref<1x128xi32, #tpu.memory_space<vmem>>
          %dma_wait3A_263 = tpu.memref_squeeze %dma_wait3A_262 : memref<1x128xi32, #tpu.memory_space<vmem>> -> memref<128xi32, #tpu.memory_space<vmem>>
          %dma_wait3A_264 = arith.constant 0 : i32
          %dma_wait3A_265 = arith.constant 0 : i32
          %dma_wait3A_266 = tpu.memref_slice %arg9[%dma_wait3A_264, %dma_wait3A_265] : memref<10240x128xf32, #tpu.memory_space<vmem_shared>> -> memref<10240x128xf32, #tpu.memory_space<vmem_shared>>
          tpu.wait_indirect_dma semaphore(%run_scoped3A_254 : memref<!tpu.dma_semaphore, #tpu.memory_space<semaphore_mem>>) src(%arg8 : memref<128x128xf32, #tpu.memory_space<vmem>>) dst(%dma_wait3A_266 : memref<10240x128xf32, #tpu.memory_space<vmem_shared>>)
          tpu.yield
        }) : () -> ()
        %add3A_245 = arith.constant 3 : i32
        %add3A_246 = arith.addi %mul3A_220, %add3A_245 : i32
        %dma_start3A_247 = arith.constant 0 : i32
        %dma_start3A_248 = tpu.memref_slice %arg5[%add3A_246, %dma_start3A_247] : memref<40x128xi32, #tpu.memory_space<vmem>> -> memref<1x128xi32, #tpu.memory_space<vmem>>
        %dma_start3A_249 = tpu.memref_squeeze %dma_start3A_248 : memref<1x128xi32, #tpu.memory_space<vmem>> -> memref<128xi32, #tpu.memory_space<vmem>>
        %dma_start3A_250 = arith.constant 0 : i32
        %dma_start3A_251 = arith.constant 0 : i32
        %dma_start3A_252 = tpu.memref_slice %arg2[%dma_start3A_250, %dma_start3A_251] : memref<10000x128xf32, #tpu.memory_space<hbm>> -> memref<10000x128xf32, #tpu.memory_space<hbm>>
        tpu.enqueue_indirect_dma source(%dma_start3A_252 : memref<10000x128xf32, #tpu.memory_space<hbm>>) target(%arg8 : memref<128x128xf32, #tpu.memory_space<vmem>>) offsets(%dma_start3A_249 : memref<128xi32, #tpu.memory_space<vmem>>) semaphore(%arg11 : memref<!tpu.dma_semaphore, #tpu.memory_space<semaphore_mem>>)
        %scan3A_253 = arith.constant 0 : i32
        scf.yield %scan3A_253 : i32
      }
      %scan3A_200 = arith.constant 19 : i32
      %dma_wait3A_201 = arith.constant 38 : i32
      %dma_wait3A_202 = arith.constant 0 : i32
      %dma_wait3A_203 = tpu.memref_slice %arg5[%dma_wait3A_201, %dma_wait3A_202] : memref<40x128xi32, #tpu.memory_space<vmem>> -> memref<1x128xi32, #tpu.memory_space<vmem>>
      %dma_wait3A_204 = tpu.memref_squeeze %dma_wait3A_203 : memref<1x128xi32, #tpu.memory_space<vmem>> -> memref<128xi32, #tpu.memory_space<vmem>>
      %dma_wait3A_205 = arith.constant 0 : i32
      %dma_wait3A_206 = arith.constant 0 : i32
      %dma_wait3A_207 = tpu.memref_slice %arg2[%dma_wait3A_205, %dma_wait3A_206] : memref<10000x128xf32, #tpu.memory_space<hbm>> -> memref<10000x128xf32, #tpu.memory_space<hbm>>
      tpu.wait_indirect_dma semaphore(%arg10 : memref<!tpu.dma_semaphore, #tpu.memory_space<semaphore_mem>>) src(%dma_wait3A_207 : memref<10000x128xf32, #tpu.memory_space<hbm>>) dst(%arg7 : memref<128x128xf32, #tpu.memory_space<vmem>>)
      %run_scoped3A_208 = arith.constant 38 : i32
      "tpu.region"() ({
        %run_scoped3A_217 = tpu.sem_alloc : memref<!tpu.dma_semaphore, #tpu.memory_space<semaphore_mem>>
        %dma_start3A_218 = arith.constant 0 : i32
        %dma_start3A_219 = tpu.memref_slice %arg6[%run_scoped3A_208, %dma_start3A_218] : memref<40x128xi32, #tpu.memory_space<vmem>> -> memref<1x128xi32, #tpu.memory_space<vmem>>
        %dma_start3A_220 = tpu.memref_squeeze %dma_start3A_219 : memref<1x128xi32, #tpu.memory_space<vmem>> -> memref<128xi32, #tpu.memory_space<vmem>>
        %dma_start3A_221 = arith.constant 0 : i32
        %dma_start3A_222 = arith.constant 0 : i32
        %dma_start3A_223 = tpu.memref_slice %arg9[%dma_start3A_221, %dma_start3A_222] : memref<10240x128xf32, #tpu.memory_space<vmem_shared>> -> memref<10240x128xf32, #tpu.memory_space<vmem_shared>>
        tpu.enqueue_indirect_dma source(%arg7 : memref<128x128xf32, #tpu.memory_space<vmem>>) target(%dma_start3A_223 : memref<10240x128xf32, #tpu.memory_space<vmem_shared>>) offsets(%dma_start3A_220 : memref<128xi32, #tpu.memory_space<vmem>>) semaphore(%run_scoped3A_217 : memref<!tpu.dma_semaphore, #tpu.memory_space<semaphore_mem>>) {add = true}
        %dma_wait3A_224 = arith.constant 0 : i32
        %dma_wait3A_225 = tpu.memref_slice %arg6[%run_scoped3A_208, %dma_wait3A_224] : memref<40x128xi32, #tpu.memory_space<vmem>> -> memref<1x128xi32, #tpu.memory_space<vmem>>
        %dma_wait3A_226 = tpu.memref_squeeze %dma_wait3A_225 : memref<1x128xi32, #tpu.memory_space<vmem>> -> memref<128xi32, #tpu.memory_space<vmem>>
        %dma_wait3A_227 = arith.constant 0 : i32
        %dma_wait3A_228 = arith.constant 0 : i32
        %dma_wait3A_229 = tpu.memref_slice %arg9[%dma_wait3A_227, %dma_wait3A_228] : memref<10240x128xf32, #tpu.memory_space<vmem_shared>> -> memref<10240x128xf32, #tpu.memory_space<vmem_shared>>
        tpu.wait_indirect_dma semaphore(%run_scoped3A_217 : memref<!tpu.dma_semaphore, #tpu.memory_space<semaphore_mem>>) src(%arg7 : memref<128x128xf32, #tpu.memory_space<vmem>>) dst(%dma_wait3A_229 : memref<10240x128xf32, #tpu.memory_space<vmem_shared>>)
        tpu.yield
      }) : () -> ()
      %dma_wait3A_209 = arith.constant 39 : i32
      %dma_wait3A_210 = arith.constant 0 : i32
      %dma_wait3A_211 = tpu.memref_slice %arg5[%dma_wait3A_209, %dma_wait3A_210] : memref<40x128xi32, #tpu.memory_space<vmem>> -> memref<1x128xi32, #tpu.memory_space<vmem>>
      %dma_wait3A_212 = tpu.memref_squeeze %dma_wait3A_211 : memref<1x128xi32, #tpu.memory_space<vmem>> -> memref<128xi32, #tpu.memory_space<vmem>>
      %dma_wait3A_213 = arith.constant 0 : i32
      %dma_wait3A_214 = arith.constant 0 : i32
      %dma_wait3A_215 = tpu.memref_slice %arg2[%dma_wait3A_213, %dma_wait3A_214] : memref<10000x128xf32, #tpu.memory_space<hbm>> -> memref<10000x128xf32, #tpu.memory_space<hbm>>
      tpu.wait_indirect_dma semaphore(%arg11 : memref<!tpu.dma_semaphore, #tpu.memory_space<semaphore_mem>>) src(%dma_wait3A_215 : memref<10000x128xf32, #tpu.memory_space<hbm>>) dst(%arg8 : memref<128x128xf32, #tpu.memory_space<vmem>>)
      %run_scoped3A_216 = arith.constant 39 : i32
      "tpu.region"() ({
        %run_scoped3A_217 = tpu.sem_alloc : memref<!tpu.dma_semaphore, #tpu.memory_space<semaphore_mem>>
        %dma_start3A_218 = arith.constant 0 : i32
        %dma_start3A_219 = tpu.memref_slice %arg6[%run_scoped3A_216, %dma_start3A_218] : memref<40x128xi32, #tpu.memory_space<vmem>> -> memref<1x128xi32, #tpu.memory_space<vmem>>
        %dma_start3A_220 = tpu.memref_squeeze %dma_start3A_219 : memref<1x128xi32, #tpu.memory_space<vmem>> -> memref<128xi32, #tpu.memory_space<vmem>>
        %dma_start3A_221 = arith.constant 0 : i32
        %dma_start3A_222 = arith.constant 0 : i32
        %dma_start3A_223 = tpu.memref_slice %arg9[%dma_start3A_221, %dma_start3A_222] : memref<10240x128xf32, #tpu.memory_space<vmem_shared>> -> memref<10240x128xf32, #tpu.memory_space<vmem_shared>>
        tpu.enqueue_indirect_dma source(%arg8 : memref<128x128xf32, #tpu.memory_space<vmem>>) target(%dma_start3A_223 : memref<10240x128xf32, #tpu.memory_space<vmem_shared>>) offsets(%dma_start3A_220 : memref<128xi32, #tpu.memory_space<vmem>>) semaphore(%run_scoped3A_217 : memref<!tpu.dma_semaphore, #tpu.memory_space<semaphore_mem>>) {add = true}
        %dma_wait3A_224 = arith.constant 0 : i32
        %dma_wait3A_225 = tpu.memref_slice %arg6[%run_scoped3A_216, %dma_wait3A_224] : memref<40x128xi32, #tpu.memory_space<vmem>> -> memref<1x128xi32, #tpu.memory_space<vmem>>
        %dma_wait3A_226 = tpu.memref_squeeze %dma_wait3A_225 : memref<1x128xi32, #tpu.memory_space<vmem>> -> memref<128xi32, #tpu.memory_space<vmem>>
        %dma_wait3A_227 = arith.constant 0 : i32
        %dma_wait3A_228 = arith.constant 0 : i32
        %dma_wait3A_229 = tpu.memref_slice %arg9[%dma_wait3A_227, %dma_wait3A_228] : memref<10240x128xf32, #tpu.memory_space<vmem_shared>> -> memref<10240x128xf32, #tpu.memory_space<vmem_shared>>
        tpu.wait_indirect_dma semaphore(%run_scoped3A_217 : memref<!tpu.dma_semaphore, #tpu.memory_space<semaphore_mem>>) src(%arg8 : memref<128x128xf32, #tpu.memory_space<vmem>>) dst(%dma_wait3A_229 : memref<10240x128xf32, #tpu.memory_space<vmem_shared>>)
        tpu.yield
      }) : () -> ()
    } else {
    }
    %eq3A = arith.constant 31 : i32
    %eq3A_31 = arith.cmpi eq, %add3A, %eq3A : i32
    %convert_element_type3A_32 = arith.extui %eq3A_31 : i1 to i32
    %cond3A_33 = arith.constant 0 : i32
    %cond3A_34 = arith.cmpi ne, %convert_element_type3A_32, %cond3A_33 : i32
    scf.if %cond3A_34 {
      %dma_start3A = arith.constant 0 : i32
      %dma_start3A_40 = arith.constant 0 : i32
      %dma_start3A_41 = arith.constant 0 : i32
      %dma_start3A_42 = tpu.memref_slice %arg5[%dma_start3A_40, %dma_start3A_41] : memref<40x128xi32, #tpu.memory_space<vmem>> -> memref<24x128xi32, #tpu.memory_space<vmem>>
      %dma_start3A_43 = arith.constant 0 : i32
      %dma_start3A_44 = tpu.memref_slice %arg3[%dma_start3A, %mul3A_2, %dma_start3A_43] : memref<2x2504x128xi32, #tpu.memory_space<hbm>> -> memref<1x24x128xi32, #tpu.memory_space<hbm>>
      %dma_start3A_45 = tpu.memref_squeeze %dma_start3A_44 : memref<1x24x128xi32, #tpu.memory_space<hbm>> -> memref<24x128xi32, #tpu.memory_space<hbm>>
      %dma_start3A_46 = arith.constant 0 : i32
      %dma_start3A_47 = arith.constant 0 : i32
      %dma_start3A_48 = tpu.memref_slice %arg5[%dma_start3A_46, %dma_start3A_47] : memref<40x128xi32, #tpu.memory_space<vmem>> -> memref<24x128xi32, #tpu.memory_space<vmem>>
      %dma_start3A_49 = arith.constant 0 : i32
      %dma_start3A_50 = tpu.memref_slice %arg3[%dma_start3A, %mul3A_2, %dma_start3A_49] : memref<2x2504x128xi32, #tpu.memory_space<hbm>> -> memref<1x24x128xi32, #tpu.memory_space<hbm>>
      %dma_start3A_51 = tpu.memref_squeeze %dma_start3A_50 : memref<1x24x128xi32, #tpu.memory_space<hbm>> -> memref<24x128xi32, #tpu.memory_space<hbm>>
      tpu.enqueue_dma source(%dma_start3A_51 : memref<24x128xi32, #tpu.memory_space<hbm>>) target(%dma_start3A_48 : memref<24x128xi32, #tpu.memory_space<vmem>>) target_semaphore(%arg10 : memref<!tpu.dma_semaphore, #tpu.memory_space<semaphore_mem>>)
      %dma_start3A_52 = arith.constant 1 : i32
      %dma_start3A_53 = arith.constant 0 : i32
      %dma_start3A_54 = arith.constant 0 : i32
      %dma_start3A_55 = tpu.memref_slice %arg6[%dma_start3A_53, %dma_start3A_54] : memref<40x128xi32, #tpu.memory_space<vmem>> -> memref<24x128xi32, #tpu.memory_space<vmem>>
      %dma_start3A_56 = arith.constant 0 : i32
      %dma_start3A_57 = tpu.memref_slice %arg3[%dma_start3A_52, %mul3A_2, %dma_start3A_56] : memref<2x2504x128xi32, #tpu.memory_space<hbm>> -> memref<1x24x128xi32, #tpu.memory_space<hbm>>
      %dma_start3A_58 = tpu.memref_squeeze %dma_start3A_57 : memref<1x24x128xi32, #tpu.memory_space<hbm>> -> memref<24x128xi32, #tpu.memory_space<hbm>>
      %dma_start3A_59 = arith.constant 0 : i32
      %dma_start3A_60 = arith.constant 0 : i32
      %dma_start3A_61 = tpu.memref_slice %arg6[%dma_start3A_59, %dma_start3A_60] : memref<40x128xi32, #tpu.memory_space<vmem>> -> memref<24x128xi32, #tpu.memory_space<vmem>>
      %dma_start3A_62 = arith.constant 0 : i32
      %dma_start3A_63 = tpu.memref_slice %arg3[%dma_start3A_52, %mul3A_2, %dma_start3A_62] : memref<2x2504x128xi32, #tpu.memory_space<hbm>> -> memref<1x24x128xi32, #tpu.memory_space<hbm>>
      %dma_start3A_64 = tpu.memref_squeeze %dma_start3A_63 : memref<1x24x128xi32, #tpu.memory_space<hbm>> -> memref<24x128xi32, #tpu.memory_space<hbm>>
      tpu.enqueue_dma source(%dma_start3A_64 : memref<24x128xi32, #tpu.memory_space<hbm>>) target(%dma_start3A_61 : memref<24x128xi32, #tpu.memory_space<vmem>>) target_semaphore(%arg11 : memref<!tpu.dma_semaphore, #tpu.memory_space<semaphore_mem>>)
      %dma_wait3A = arith.constant 0 : i32
      %dma_wait3A_65 = arith.constant 0 : i32
      %dma_wait3A_66 = arith.constant 0 : i32
      %dma_wait3A_67 = tpu.memref_slice %arg5[%dma_wait3A_65, %dma_wait3A_66] : memref<40x128xi32, #tpu.memory_space<vmem>> -> memref<24x128xi32, #tpu.memory_space<vmem>>
      %dma_wait3A_68 = arith.constant 0 : i32
      %dma_wait3A_69 = tpu.memref_slice %arg3[%dma_wait3A, %mul3A_2, %dma_wait3A_68] : memref<2x2504x128xi32, #tpu.memory_space<hbm>> -> memref<1x24x128xi32, #tpu.memory_space<hbm>>
      %dma_wait3A_70 = tpu.memref_squeeze %dma_wait3A_69 : memref<1x24x128xi32, #tpu.memory_space<hbm>> -> memref<24x128xi32, #tpu.memory_space<hbm>>
      %dma_wait3A_71 = arith.constant 0 : i32
      %dma_wait3A_72 = arith.constant 0 : i32
      %dma_wait3A_73 = tpu.memref_slice %arg5[%dma_wait3A_71, %dma_wait3A_72] : memref<40x128xi32, #tpu.memory_space<vmem>> -> memref<24x128xi32, #tpu.memory_space<vmem>>
      %dma_wait3A_74 = arith.constant 0 : i32
      %dma_wait3A_75 = tpu.memref_slice %arg3[%dma_wait3A, %mul3A_2, %dma_wait3A_74] : memref<2x2504x128xi32, #tpu.memory_space<hbm>> -> memref<1x24x128xi32, #tpu.memory_space<hbm>>
      %dma_wait3A_76 = tpu.memref_squeeze %dma_wait3A_75 : memref<1x24x128xi32, #tpu.memory_space<hbm>> -> memref<24x128xi32, #tpu.memory_space<hbm>>
      tpu.wait_dma2 semaphore(%arg10 : memref<!tpu.dma_semaphore, #tpu.memory_space<semaphore_mem>>) src(%dma_wait3A_76 : memref<24x128xi32, #tpu.memory_space<hbm>>) dst(%dma_wait3A_73 : memref<24x128xi32, #tpu.memory_space<vmem>>)
      %dma_wait3A_77 = arith.constant 1 : i32
      %dma_wait3A_78 = arith.constant 0 : i32
      %dma_wait3A_79 = arith.constant 0 : i32
      %dma_wait3A_80 = tpu.memref_slice %arg6[%dma_wait3A_78, %dma_wait3A_79] : memref<40x128xi32, #tpu.memory_space<vmem>> -> memref<24x128xi32, #tpu.memory_space<vmem>>
      %dma_wait3A_81 = arith.constant 0 : i32
      %dma_wait3A_82 = tpu.memref_slice %arg3[%dma_wait3A_77, %mul3A_2, %dma_wait3A_81] : memref<2x2504x128xi32, #tpu.memory_space<hbm>> -> memref<1x24x128xi32, #tpu.memory_space<hbm>>
      %dma_wait3A_83 = tpu.memref_squeeze %dma_wait3A_82 : memref<1x24x128xi32, #tpu.memory_space<hbm>> -> memref<24x128xi32, #tpu.memory_space<hbm>>
      %dma_wait3A_84 = arith.constant 0 : i32
      %dma_wait3A_85 = arith.constant 0 : i32
      %dma_wait3A_86 = tpu.memref_slice %arg6[%dma_wait3A_84, %dma_wait3A_85] : memref<40x128xi32, #tpu.memory_space<vmem>> -> memref<24x128xi32, #tpu.memory_space<vmem>>
      %dma_wait3A_87 = arith.constant 0 : i32
      %dma_wait3A_88 = tpu.memref_slice %arg3[%dma_wait3A_77, %mul3A_2, %dma_wait3A_87] : memref<2x2504x128xi32, #tpu.memory_space<hbm>> -> memref<1x24x128xi32, #tpu.memory_space<hbm>>
      %dma_wait3A_89 = tpu.memref_squeeze %dma_wait3A_88 : memref<1x24x128xi32, #tpu.memory_space<hbm>> -> memref<24x128xi32, #tpu.memory_space<hbm>>
      tpu.wait_dma2 semaphore(%arg11 : memref<!tpu.dma_semaphore, #tpu.memory_space<semaphore_mem>>) src(%dma_wait3A_89 : memref<24x128xi32, #tpu.memory_space<hbm>>) dst(%dma_wait3A_86 : memref<24x128xi32, #tpu.memory_space<vmem>>)
      %dma_start3A_90 = arith.constant 0 : i32
      %dma_start3A_91 = arith.constant 0 : i32
      %dma_start3A_92 = tpu.memref_slice %arg5[%dma_start3A_90, %dma_start3A_91] : memref<40x128xi32, #tpu.memory_space<vmem>> -> memref<1x128xi32, #tpu.memory_space<vmem>>
      %dma_start3A_93 = tpu.memref_squeeze %dma_start3A_92 : memref<1x128xi32, #tpu.memory_space<vmem>> -> memref<128xi32, #tpu.memory_space<vmem>>
      %dma_start3A_94 = arith.constant 0 : i32
      %dma_start3A_95 = arith.constant 0 : i32
      %dma_start3A_96 = tpu.memref_slice %arg2[%dma_start3A_94, %dma_start3A_95] : memref<10000x128xf32, #tpu.memory_space<hbm>> -> memref<10000x128xf32, #tpu.memory_space<hbm>>
      tpu.enqueue_indirect_dma source(%dma_start3A_96 : memref<10000x128xf32, #tpu.memory_space<hbm>>) target(%arg7 : memref<128x128xf32, #tpu.memory_space<vmem>>) offsets(%dma_start3A_93 : memref<128xi32, #tpu.memory_space<vmem>>) semaphore(%arg10 : memref<!tpu.dma_semaphore, #tpu.memory_space<semaphore_mem>>)
      %dma_start3A_97 = arith.constant 1 : i32
      %dma_start3A_98 = arith.constant 0 : i32
      %dma_start3A_99 = tpu.memref_slice %arg5[%dma_start3A_97, %dma_start3A_98] : memref<40x128xi32, #tpu.memory_space<vmem>> -> memref<1x128xi32, #tpu.memory_space<vmem>>
      %dma_start3A_100 = tpu.memref_squeeze %dma_start3A_99 : memref<1x128xi32, #tpu.memory_space<vmem>> -> memref<128xi32, #tpu.memory_space<vmem>>
      %dma_start3A_101 = arith.constant 0 : i32
      %dma_start3A_102 = arith.constant 0 : i32
      %dma_start3A_103 = tpu.memref_slice %arg2[%dma_start3A_101, %dma_start3A_102] : memref<10000x128xf32, #tpu.memory_space<hbm>> -> memref<10000x128xf32, #tpu.memory_space<hbm>>
      tpu.enqueue_indirect_dma source(%dma_start3A_103 : memref<10000x128xf32, #tpu.memory_space<hbm>>) target(%arg8 : memref<128x128xf32, #tpu.memory_space<vmem>>) offsets(%dma_start3A_100 : memref<128xi32, #tpu.memory_space<vmem>>) semaphore(%arg11 : memref<!tpu.dma_semaphore, #tpu.memory_space<semaphore_mem>>)
      %scan3A_104 = arith.constant 0 : i32
      %scan3A_105 = arith.constant 0 : i32
      %scan3A_106 = arith.constant 11 : i32
      %scan3A_107 = arith.addi %scan3A_105, %scan3A_106 : i32
      %scan3A_108 = arith.constant 1 : i32
      %scan3A_109 = scf.for %scan3A_126 = %scan3A_105 to %scan3A_107 step %scan3A_108 iter_args(%scan3A_127 = %scan3A_104) -> (i32)  : i32 {
        %mul3A_128 = arith.constant 2 : i32
        %mul3A_129 = arith.muli %mul3A_128, %scan3A_126 : i32
        %dma_wait3A_130 = arith.constant 0 : i32
        %dma_wait3A_131 = tpu.memref_slice %arg5[%mul3A_129, %dma_wait3A_130] : memref<40x128xi32, #tpu.memory_space<vmem>> -> memref<1x128xi32, #tpu.memory_space<vmem>>
        %dma_wait3A_132 = tpu.memref_squeeze %dma_wait3A_131 : memref<1x128xi32, #tpu.memory_space<vmem>> -> memref<128xi32, #tpu.memory_space<vmem>>
        %dma_wait3A_133 = arith.constant 0 : i32
        %dma_wait3A_134 = arith.constant 0 : i32
        %dma_wait3A_135 = tpu.memref_slice %arg2[%dma_wait3A_133, %dma_wait3A_134] : memref<10000x128xf32, #tpu.memory_space<hbm>> -> memref<10000x128xf32, #tpu.memory_space<hbm>>
        tpu.wait_indirect_dma semaphore(%arg10 : memref<!tpu.dma_semaphore, #tpu.memory_space<semaphore_mem>>) src(%dma_wait3A_135 : memref<10000x128xf32, #tpu.memory_space<hbm>>) dst(%arg7 : memref<128x128xf32, #tpu.memory_space<vmem>>)
        "tpu.region"() ({
          %run_scoped3A_163 = tpu.sem_alloc : memref<!tpu.dma_semaphore, #tpu.memory_space<semaphore_mem>>
          %dma_start3A_164 = arith.constant 0 : i32
          %dma_start3A_165 = tpu.memref_slice %arg6[%mul3A_129, %dma_start3A_164] : memref<40x128xi32, #tpu.memory_space<vmem>> -> memref<1x128xi32, #tpu.memory_space<vmem>>
          %dma_start3A_166 = tpu.memref_squeeze %dma_start3A_165 : memref<1x128xi32, #tpu.memory_space<vmem>> -> memref<128xi32, #tpu.memory_space<vmem>>
          %dma_start3A_167 = arith.constant 0 : i32
          %dma_start3A_168 = arith.constant 0 : i32
          %dma_start3A_169 = tpu.memref_slice %arg9[%dma_start3A_167, %dma_start3A_168] : memref<10240x128xf32, #tpu.memory_space<vmem_shared>> -> memref<10240x128xf32, #tpu.memory_space<vmem_shared>>
          tpu.enqueue_indirect_dma source(%arg7 : memref<128x128xf32, #tpu.memory_space<vmem>>) target(%dma_start3A_169 : memref<10240x128xf32, #tpu.memory_space<vmem_shared>>) offsets(%dma_start3A_166 : memref<128xi32, #tpu.memory_space<vmem>>) semaphore(%run_scoped3A_163 : memref<!tpu.dma_semaphore, #tpu.memory_space<semaphore_mem>>) {add = true}
          %dma_wait3A_170 = arith.constant 0 : i32
          %dma_wait3A_171 = tpu.memref_slice %arg6[%mul3A_129, %dma_wait3A_170] : memref<40x128xi32, #tpu.memory_space<vmem>> -> memref<1x128xi32, #tpu.memory_space<vmem>>
          %dma_wait3A_172 = tpu.memref_squeeze %dma_wait3A_171 : memref<1x128xi32, #tpu.memory_space<vmem>> -> memref<128xi32, #tpu.memory_space<vmem>>
          %dma_wait3A_173 = arith.constant 0 : i32
          %dma_wait3A_174 = arith.constant 0 : i32
          %dma_wait3A_175 = tpu.memref_slice %arg9[%dma_wait3A_173, %dma_wait3A_174] : memref<10240x128xf32, #tpu.memory_space<vmem_shared>> -> memref<10240x128xf32, #tpu.memory_space<vmem_shared>>
          tpu.wait_indirect_dma semaphore(%run_scoped3A_163 : memref<!tpu.dma_semaphore, #tpu.memory_space<semaphore_mem>>) src(%arg7 : memref<128x128xf32, #tpu.memory_space<vmem>>) dst(%dma_wait3A_175 : memref<10240x128xf32, #tpu.memory_space<vmem_shared>>)
          tpu.yield
        }) : () -> ()
        %add3A_136 = arith.constant 2 : i32
        %add3A_137 = arith.addi %mul3A_129, %add3A_136 : i32
        %dma_start3A_138 = arith.constant 0 : i32
        %dma_start3A_139 = tpu.memref_slice %arg5[%add3A_137, %dma_start3A_138] : memref<40x128xi32, #tpu.memory_space<vmem>> -> memref<1x128xi32, #tpu.memory_space<vmem>>
        %dma_start3A_140 = tpu.memref_squeeze %dma_start3A_139 : memref<1x128xi32, #tpu.memory_space<vmem>> -> memref<128xi32, #tpu.memory_space<vmem>>
        %dma_start3A_141 = arith.constant 0 : i32
        %dma_start3A_142 = arith.constant 0 : i32
        %dma_start3A_143 = tpu.memref_slice %arg2[%dma_start3A_141, %dma_start3A_142] : memref<10000x128xf32, #tpu.memory_space<hbm>> -> memref<10000x128xf32, #tpu.memory_space<hbm>>
        tpu.enqueue_indirect_dma source(%dma_start3A_143 : memref<10000x128xf32, #tpu.memory_space<hbm>>) target(%arg7 : memref<128x128xf32, #tpu.memory_space<vmem>>) offsets(%dma_start3A_140 : memref<128xi32, #tpu.memory_space<vmem>>) semaphore(%arg10 : memref<!tpu.dma_semaphore, #tpu.memory_space<semaphore_mem>>)
        %add3A_144 = arith.constant 1 : i32
        %add3A_145 = arith.addi %mul3A_129, %add3A_144 : i32
        %dma_wait3A_146 = arith.constant 0 : i32
        %dma_wait3A_147 = tpu.memref_slice %arg5[%add3A_145, %dma_wait3A_146] : memref<40x128xi32, #tpu.memory_space<vmem>> -> memref<1x128xi32, #tpu.memory_space<vmem>>
        %dma_wait3A_148 = tpu.memref_squeeze %dma_wait3A_147 : memref<1x128xi32, #tpu.memory_space<vmem>> -> memref<128xi32, #tpu.memory_space<vmem>>
        %dma_wait3A_149 = arith.constant 0 : i32
        %dma_wait3A_150 = arith.constant 0 : i32
        %dma_wait3A_151 = tpu.memref_slice %arg2[%dma_wait3A_149, %dma_wait3A_150] : memref<10000x128xf32, #tpu.memory_space<hbm>> -> memref<10000x128xf32, #tpu.memory_space<hbm>>
        tpu.wait_indirect_dma semaphore(%arg11 : memref<!tpu.dma_semaphore, #tpu.memory_space<semaphore_mem>>) src(%dma_wait3A_151 : memref<10000x128xf32, #tpu.memory_space<hbm>>) dst(%arg8 : memref<128x128xf32, #tpu.memory_space<vmem>>)
        %add3A_152 = arith.constant 1 : i32
        %add3A_153 = arith.addi %mul3A_129, %add3A_152 : i32
        "tpu.region"() ({
          %run_scoped3A_163 = tpu.sem_alloc : memref<!tpu.dma_semaphore, #tpu.memory_space<semaphore_mem>>
          %dma_start3A_164 = arith.constant 0 : i32
          %dma_start3A_165 = tpu.memref_slice %arg6[%add3A_153, %dma_start3A_164] : memref<40x128xi32, #tpu.memory_space<vmem>> -> memref<1x128xi32, #tpu.memory_space<vmem>>
          %dma_start3A_166 = tpu.memref_squeeze %dma_start3A_165 : memref<1x128xi32, #tpu.memory_space<vmem>> -> memref<128xi32, #tpu.memory_space<vmem>>
          %dma_start3A_167 = arith.constant 0 : i32
          %dma_start3A_168 = arith.constant 0 : i32
          %dma_start3A_169 = tpu.memref_slice %arg9[%dma_start3A_167, %dma_start3A_168] : memref<10240x128xf32, #tpu.memory_space<vmem_shared>> -> memref<10240x128xf32, #tpu.memory_space<vmem_shared>>
          tpu.enqueue_indirect_dma source(%arg8 : memref<128x128xf32, #tpu.memory_space<vmem>>) target(%dma_start3A_169 : memref<10240x128xf32, #tpu.memory_space<vmem_shared>>) offsets(%dma_start3A_166 : memref<128xi32, #tpu.memory_space<vmem>>) semaphore(%run_scoped3A_163 : memref<!tpu.dma_semaphore, #tpu.memory_space<semaphore_mem>>) {add = true}
          %dma_wait3A_170 = arith.constant 0 : i32
          %dma_wait3A_171 = tpu.memref_slice %arg6[%add3A_153, %dma_wait3A_170] : memref<40x128xi32, #tpu.memory_space<vmem>> -> memref<1x128xi32, #tpu.memory_space<vmem>>
          %dma_wait3A_172 = tpu.memref_squeeze %dma_wait3A_171 : memref<1x128xi32, #tpu.memory_space<vmem>> -> memref<128xi32, #tpu.memory_space<vmem>>
          %dma_wait3A_173 = arith.constant 0 : i32
          %dma_wait3A_174 = arith.constant 0 : i32
          %dma_wait3A_175 = tpu.memref_slice %arg9[%dma_wait3A_173, %dma_wait3A_174] : memref<10240x128xf32, #tpu.memory_space<vmem_shared>> -> memref<10240x128xf32, #tpu.memory_space<vmem_shared>>
          tpu.wait_indirect_dma semaphore(%run_scoped3A_163 : memref<!tpu.dma_semaphore, #tpu.memory_space<semaphore_mem>>) src(%arg8 : memref<128x128xf32, #tpu.memory_space<vmem>>) dst(%dma_wait3A_175 : memref<10240x128xf32, #tpu.memory_space<vmem_shared>>)
          tpu.yield
        }) : () -> ()
        %add3A_154 = arith.constant 3 : i32
        %add3A_155 = arith.addi %mul3A_129, %add3A_154 : i32
        %dma_start3A_156 = arith.constant 0 : i32
        %dma_start3A_157 = tpu.memref_slice %arg5[%add3A_155, %dma_start3A_156] : memref<40x128xi32, #tpu.memory_space<vmem>> -> memref<1x128xi32, #tpu.memory_space<vmem>>
        %dma_start3A_158 = tpu.memref_squeeze %dma_start3A_157 : memref<1x128xi32, #tpu.memory_space<vmem>> -> memref<128xi32, #tpu.memory_space<vmem>>
        %dma_start3A_159 = arith.constant 0 : i32
        %dma_start3A_160 = arith.constant 0 : i32
        %dma_start3A_161 = tpu.memref_slice %arg2[%dma_start3A_159, %dma_start3A_160] : memref<10000x128xf32, #tpu.memory_space<hbm>> -> memref<10000x128xf32, #tpu.memory_space<hbm>>
        tpu.enqueue_indirect_dma source(%dma_start3A_161 : memref<10000x128xf32, #tpu.memory_space<hbm>>) target(%arg8 : memref<128x128xf32, #tpu.memory_space<vmem>>) offsets(%dma_start3A_158 : memref<128xi32, #tpu.memory_space<vmem>>) semaphore(%arg11 : memref<!tpu.dma_semaphore, #tpu.memory_space<semaphore_mem>>)
        %scan3A_162 = arith.constant 0 : i32
        scf.yield %scan3A_162 : i32
      }
      %scan3A_110 = arith.constant 11 : i32
      %dma_wait3A_111 = arith.constant 22 : i32
      %dma_wait3A_112 = arith.constant 0 : i32
      %dma_wait3A_113 = tpu.memref_slice %arg5[%dma_wait3A_111, %dma_wait3A_112] : memref<40x128xi32, #tpu.memory_space<vmem>> -> memref<1x128xi32, #tpu.memory_space<vmem>>
      %dma_wait3A_114 = tpu.memref_squeeze %dma_wait3A_113 : memref<1x128xi32, #tpu.memory_space<vmem>> -> memref<128xi32, #tpu.memory_space<vmem>>
      %dma_wait3A_115 = arith.constant 0 : i32
      %dma_wait3A_116 = arith.constant 0 : i32
      %dma_wait3A_117 = tpu.memref_slice %arg2[%dma_wait3A_115, %dma_wait3A_116] : memref<10000x128xf32, #tpu.memory_space<hbm>> -> memref<10000x128xf32, #tpu.memory_space<hbm>>
      tpu.wait_indirect_dma semaphore(%arg10 : memref<!tpu.dma_semaphore, #tpu.memory_space<semaphore_mem>>) src(%dma_wait3A_117 : memref<10000x128xf32, #tpu.memory_space<hbm>>) dst(%arg7 : memref<128x128xf32, #tpu.memory_space<vmem>>)
      %run_scoped3A = arith.constant 22 : i32
      "tpu.region"() ({
        %run_scoped3A_126 = tpu.sem_alloc : memref<!tpu.dma_semaphore, #tpu.memory_space<semaphore_mem>>
        %dma_start3A_127 = arith.constant 0 : i32
        %dma_start3A_128 = tpu.memref_slice %arg6[%run_scoped3A, %dma_start3A_127] : memref<40x128xi32, #tpu.memory_space<vmem>> -> memref<1x128xi32, #tpu.memory_space<vmem>>
        %dma_start3A_129 = tpu.memref_squeeze %dma_start3A_128 : memref<1x128xi32, #tpu.memory_space<vmem>> -> memref<128xi32, #tpu.memory_space<vmem>>
        %dma_start3A_130 = arith.constant 0 : i32
        %dma_start3A_131 = arith.constant 0 : i32
        %dma_start3A_132 = tpu.memref_slice %arg9[%dma_start3A_130, %dma_start3A_131] : memref<10240x128xf32, #tpu.memory_space<vmem_shared>> -> memref<10240x128xf32, #tpu.memory_space<vmem_shared>>
        tpu.enqueue_indirect_dma source(%arg7 : memref<128x128xf32, #tpu.memory_space<vmem>>) target(%dma_start3A_132 : memref<10240x128xf32, #tpu.memory_space<vmem_shared>>) offsets(%dma_start3A_129 : memref<128xi32, #tpu.memory_space<vmem>>) semaphore(%run_scoped3A_126 : memref<!tpu.dma_semaphore, #tpu.memory_space<semaphore_mem>>) {add = true}
        %dma_wait3A_133 = arith.constant 0 : i32
        %dma_wait3A_134 = tpu.memref_slice %arg6[%run_scoped3A, %dma_wait3A_133] : memref<40x128xi32, #tpu.memory_space<vmem>> -> memref<1x128xi32, #tpu.memory_space<vmem>>
        %dma_wait3A_135 = tpu.memref_squeeze %dma_wait3A_134 : memref<1x128xi32, #tpu.memory_space<vmem>> -> memref<128xi32, #tpu.memory_space<vmem>>
        %dma_wait3A_136 = arith.constant 0 : i32
        %dma_wait3A_137 = arith.constant 0 : i32
        %dma_wait3A_138 = tpu.memref_slice %arg9[%dma_wait3A_136, %dma_wait3A_137] : memref<10240x128xf32, #tpu.memory_space<vmem_shared>> -> memref<10240x128xf32, #tpu.memory_space<vmem_shared>>
        tpu.wait_indirect_dma semaphore(%run_scoped3A_126 : memref<!tpu.dma_semaphore, #tpu.memory_space<semaphore_mem>>) src(%arg7 : memref<128x128xf32, #tpu.memory_space<vmem>>) dst(%dma_wait3A_138 : memref<10240x128xf32, #tpu.memory_space<vmem_shared>>)
        tpu.yield
      }) : () -> ()
      %dma_wait3A_118 = arith.constant 23 : i32
      %dma_wait3A_119 = arith.constant 0 : i32
      %dma_wait3A_120 = tpu.memref_slice %arg5[%dma_wait3A_118, %dma_wait3A_119] : memref<40x128xi32, #tpu.memory_space<vmem>> -> memref<1x128xi32, #tpu.memory_space<vmem>>
      %dma_wait3A_121 = tpu.memref_squeeze %dma_wait3A_120 : memref<1x128xi32, #tpu.memory_space<vmem>> -> memref<128xi32, #tpu.memory_space<vmem>>
      %dma_wait3A_122 = arith.constant 0 : i32
      %dma_wait3A_123 = arith.constant 0 : i32
      %dma_wait3A_124 = tpu.memref_slice %arg2[%dma_wait3A_122, %dma_wait3A_123] : memref<10000x128xf32, #tpu.memory_space<hbm>> -> memref<10000x128xf32, #tpu.memory_space<hbm>>
      tpu.wait_indirect_dma semaphore(%arg11 : memref<!tpu.dma_semaphore, #tpu.memory_space<semaphore_mem>>) src(%dma_wait3A_124 : memref<10000x128xf32, #tpu.memory_space<hbm>>) dst(%arg8 : memref<128x128xf32, #tpu.memory_space<vmem>>)
      %run_scoped3A_125 = arith.constant 23 : i32
      "tpu.region"() ({
        %run_scoped3A_126 = tpu.sem_alloc : memref<!tpu.dma_semaphore, #tpu.memory_space<semaphore_mem>>
        %dma_start3A_127 = arith.constant 0 : i32
        %dma_start3A_128 = tpu.memref_slice %arg6[%run_scoped3A_125, %dma_start3A_127] : memref<40x128xi32, #tpu.memory_space<vmem>> -> memref<1x128xi32, #tpu.memory_space<vmem>>
        %dma_start3A_129 = tpu.memref_squeeze %dma_start3A_128 : memref<1x128xi32, #tpu.memory_space<vmem>> -> memref<128xi32, #tpu.memory_space<vmem>>
        %dma_start3A_130 = arith.constant 0 : i32
        %dma_start3A_131 = arith.constant 0 : i32
        %dma_start3A_132 = tpu.memref_slice %arg9[%dma_start3A_130, %dma_start3A_131] : memref<10240x128xf32, #tpu.memory_space<vmem_shared>> -> memref<10240x128xf32, #tpu.memory_space<vmem_shared>>
        tpu.enqueue_indirect_dma source(%arg8 : memref<128x128xf32, #tpu.memory_space<vmem>>) target(%dma_start3A_132 : memref<10240x128xf32, #tpu.memory_space<vmem_shared>>) offsets(%dma_start3A_129 : memref<128xi32, #tpu.memory_space<vmem>>) semaphore(%run_scoped3A_126 : memref<!tpu.dma_semaphore, #tpu.memory_space<semaphore_mem>>) {add = true}
        %dma_wait3A_133 = arith.constant 0 : i32
        %dma_wait3A_134 = tpu.memref_slice %arg6[%run_scoped3A_125, %dma_wait3A_133] : memref<40x128xi32, #tpu.memory_space<vmem>> -> memref<1x128xi32, #tpu.memory_space<vmem>>
        %dma_wait3A_135 = tpu.memref_squeeze %dma_wait3A_134 : memref<1x128xi32, #tpu.memory_space<vmem>> -> memref<128xi32, #tpu.memory_space<vmem>>
        %dma_wait3A_136 = arith.constant 0 : i32
        %dma_wait3A_137 = arith.constant 0 : i32
        %dma_wait3A_138 = tpu.memref_slice %arg9[%dma_wait3A_136, %dma_wait3A_137] : memref<10240x128xf32, #tpu.memory_space<vmem_shared>> -> memref<10240x128xf32, #tpu.memory_space<vmem_shared>>
        tpu.wait_indirect_dma semaphore(%run_scoped3A_126 : memref<!tpu.dma_semaphore, #tpu.memory_space<semaphore_mem>>) src(%arg8 : memref<128x128xf32, #tpu.memory_space<vmem>>) dst(%dma_wait3A_138 : memref<10240x128xf32, #tpu.memory_space<vmem_shared>>)
        tpu.yield
      }) : () -> ()
    } else {
    }
    %barrier3A_35 = arith.constant 0 : index
    tpu.barrier barrier_id(%barrier3A_35)
    %mul3A_36 = arith.constant 640 : i32
    %mul3A_37 = arith.muli %arg1, %mul3A_36 : i32
    %mul3A_38 = arith.constant 640 : i32
    %mul3A_39 = arith.muli %arg1, %mul3A_38 : i32
    "tpu.region"() ({
      %run_scoped3A = tpu.sem_alloc : memref<!tpu.dma_semaphore, #tpu.memory_space<semaphore_mem>>
      %dma_start3A = arith.constant 0 : i32
      %dma_start3A_40 = tpu.memref_slice %arg4[%arg0, %mul3A_39, %dma_start3A] : memref<2x10240x128xf32, #tpu.memory_space<hbm>> -> memref<1x640x128xf32, #tpu.memory_space<hbm>>
      %dma_start3A_41 = tpu.memref_squeeze %dma_start3A_40 : memref<1x640x128xf32, #tpu.memory_space<hbm>> -> memref<640x128xf32, #tpu.memory_space<hbm>>
      %dma_start3A_42 = arith.constant 0 : i32
      %dma_start3A_43 = tpu.memref_slice %arg9[%mul3A_37, %dma_start3A_42] : memref<10240x128xf32, #tpu.memory_space<vmem_shared>> -> memref<640x128xf32, #tpu.memory_space<vmem_shared>>
      tpu.enqueue_dma source(%dma_start3A_43 : memref<640x128xf32, #tpu.memory_space<vmem_shared>>) target(%dma_start3A_41 : memref<640x128xf32, #tpu.memory_space<hbm>>) target_semaphore(%run_scoped3A : memref<!tpu.dma_semaphore, #tpu.memory_space<semaphore_mem>>)
      %dma_wait3A = arith.constant 0 : i32
      %dma_wait3A_44 = tpu.memref_slice %arg4[%arg0, %mul3A_39, %dma_wait3A] : memref<2x10240x128xf32, #tpu.memory_space<hbm>> -> memref<1x640x128xf32, #tpu.memory_space<hbm>>
      %dma_wait3A_45 = tpu.memref_squeeze %dma_wait3A_44 : memref<1x640x128xf32, #tpu.memory_space<hbm>> -> memref<640x128xf32, #tpu.memory_space<hbm>>
      %dma_wait3A_46 = arith.constant 0 : i32
      %dma_wait3A_47 = tpu.memref_slice %arg9[%mul3A_37, %dma_wait3A_46] : memref<10240x128xf32, #tpu.memory_space<vmem_shared>> -> memref<640x128xf32, #tpu.memory_space<vmem_shared>>
      tpu.wait_dma2 semaphore(%run_scoped3A : memref<!tpu.dma_semaphore, #tpu.memory_space<semaphore_mem>>) src(%dma_wait3A_47 : memref<640x128xf32, #tpu.memory_space<vmem_shared>>) dst(%dma_wait3A_45 : memref<640x128xf32, #tpu.memory_space<hbm>>)
      tpu.yield
    }) : () -> ()
    return
  }
}

module attributes {stable_mosaic.version = 14 : i64} {
  func.func @_tc1_body(%arg0: i32, %arg1: memref<1000x128xf32, #tpu.memory_space<vmem>>, %arg2: memref<128x128xf32, #tpu.memory_space<vmem>>, %arg3: memref<1000x32xf32, #tpu.memory_space<vmem>>, %arg4: memref<1000x128xf32, #tpu.memory_space<vmem>>, %arg5: memref<1000x128xf32, #tpu.memory_space<vmem>>) attributes {dimension_semantics = [#tpu.dimension_semantics<arbitrary>], iteration_bounds = array<i64: 10>, scalar_prefetch = 0 : i64, scratch_operands = 0 : i64, tpu.core_type = #tpu.core_type<tc>, window_params = [{transform_indices = @transform_0, window_bounds = array<i64: 1000, 128>}, {pipeline_mode = #tpu.pipeline_mode<synchronous>, transform_indices = @transform_1, window_bounds = array<i64: 128, 128>}, {transform_indices = @transform_2, window_bounds = array<i64: 1000, 32>}, {transform_indices = @transform_3, window_bounds = array<i64: 1000, 128>}, {transform_indices = @transform_4, window_bounds = array<i64: 1000, 128>}]} {
    %get3A = arith.constant 0 : index
    %get3A_0 = arith.constant 0 : index
    %get3A_1 = vector.load %arg3[%get3A, %get3A_0] : memref<1000x32xf32, #tpu.memory_space<vmem>>, vector<1000x32xf32>
    %reduce_sum3A = arith.constant dense<0.000000e+00> : vector<1000xf32>
    %reduce_sum3A_2 = vector.multi_reduction <add>, %get3A_1, %reduce_sum3A [1] : vector<1000x32xf32> to vector<1000xf32>
    %broadcast_in_dim3A = vector.shape_cast %reduce_sum3A_2 : vector<1000xf32> to vector<1000x1xf32>
    %add3A = arith.constant 1.000000e+00 : f32
    %add3A_3 = vector.broadcast %add3A : f32 to vector<1000x1xf32>
    %add3A_4 = arith.addf %add3A_3, %broadcast_in_dim3A : vector<1000x1xf32>
    %rsqrt3A = math.rsqrt %add3A_4 : vector<1000x1xf32>
    %get3A_5 = arith.constant 0 : index
    %get3A_6 = arith.constant 0 : index
    %get3A_7 = vector.load %arg1[%get3A_5, %get3A_6] : memref<1000x128xf32, #tpu.memory_space<vmem>>, vector<1000x128xf32>
    %get3A_8 = arith.constant 0 : index
    %get3A_9 = arith.constant 0 : index
    %get3A_10 = vector.load %arg2[%get3A_8, %get3A_9] : memref<128x128xf32, #tpu.memory_space<vmem>>, vector<128x128xf32>
    %dot_general3A = arith.constant dense<0.000000e+00> : vector<1000x128xf32>
    %dot_general3A_11 = tpu.matmul %get3A_7, %get3A_10, %dot_general3A {dimension_numbers = #tpu.dot_dimension_numbers<[1], [0], [0], [1], [0, 0, 1, 1], [], []>, transpose_lhs_hint = false} : vector<1000x128xf32>, vector<128x128xf32>, vector<1000x128xf32> -> vector<1000x128xf32>
    %swap3A = arith.constant 0 : index
    %swap3A_12 = arith.constant 0 : index
    %swap3A_13 = vector.load %arg4[%swap3A, %swap3A_12] : memref<1000x128xf32, #tpu.memory_space<vmem>>, vector<1000x128xf32>
    tpu.vector_store %arg4[%swap3A, %swap3A_12], %dot_general3A_11 {strides = array<i32>} : memref<1000x128xf32, #tpu.memory_space<vmem>>, vector<1000x128xf32>,
    %mul3A = vector.broadcast %rsqrt3A : vector<1000x1xf32> to vector<1000x128xf32>
    %mul3A_14 = arith.mulf %mul3A, %dot_general3A_11 : vector<1000x128xf32>
    %swap3A_15 = arith.constant 0 : index
    %swap3A_16 = arith.constant 0 : index
    %swap3A_17 = vector.load %arg5[%swap3A_15, %swap3A_16] : memref<1000x128xf32, #tpu.memory_space<vmem>>, vector<1000x128xf32>
    tpu.vector_store %arg5[%swap3A_15, %swap3A_16], %mul3A_14 {strides = array<i32>} : memref<1000x128xf32, #tpu.memory_space<vmem>>, vector<1000x128xf32>,
    return
  }
  func.func @transform_0(%arg0: i32) -> (i32, i32) {
    %c0_i32 = arith.constant 0 : i32
    %c0_i32_0 = arith.constant 0 : i32
    return %arg0, %c0_i32 : i32, i32
  }
  func.func @transform_1(%arg0: i32) -> (i32, i32) {
    %c0_i32 = arith.constant 0 : i32
    %c0_i32_0 = arith.constant 0 : i32
    %c0_i32_1 = arith.constant 0 : i32
    return %c0_i32, %c0_i32_0 : i32, i32
  }
  func.func @transform_2(%arg0: i32) -> (i32, i32) {
    %c0_i32 = arith.constant 0 : i32
    %c0_i32_0 = arith.constant 0 : i32
    return %arg0, %c0_i32 : i32, i32
  }
  func.func @transform_3(%arg0: i32) -> (i32, i32) {
    %c0_i32 = arith.constant 0 : i32
    %c0_i32_0 = arith.constant 0 : i32
    return %arg0, %c0_i32 : i32, i32
  }
  func.func @transform_4(%arg0: i32) -> (i32, i32) {
    %c0_i32 = arith.constant 0 : i32
    %c0_i32_0 = arith.constant 0 : i32
    return %arg0, %c0_i32 : i32, i32
  }
}

module attributes {stable_mosaic.version = 14 : i64} {
  func.func @_tc2_body(%arg0: i32, %arg1: memref<2x1000x128xf32, #tpu.memory_space<vmem>>, %arg2: memref<1000x128xf32, #tpu.memory_space<vmem>>, %arg3: memref<1000x32xf32, #tpu.memory_space<vmem>>, %arg4: memref<1x128xf32, #tpu.memory_space<vmem>>, %arg5: memref<128x128xf32, #tpu.memory_space<vmem>>, %arg6: memref<1000x128xf32, #tpu.memory_space<vmem>>, %arg7: memref<1000x128xf32, #tpu.memory_space<vmem>>) attributes {dimension_semantics = [#tpu.dimension_semantics<arbitrary>], iteration_bounds = array<i64: 10>, scalar_prefetch = 0 : i64, scratch_operands = 0 : i64, tpu.core_type = #tpu.core_type<tc>, window_params = [{transform_indices = @transform_0, window_bounds = array<i64: 2, 1000, 128>}, {transform_indices = @transform_1, window_bounds = array<i64: 1000, 128>}, {transform_indices = @transform_2, window_bounds = array<i64: 1000, 32>}, {pipeline_mode = #tpu.pipeline_mode<synchronous>, transform_indices = @transform_3, window_bounds = array<i64: 1, 128>}, {pipeline_mode = #tpu.pipeline_mode<synchronous>, transform_indices = @transform_4, window_bounds = array<i64: 128, 128>}, {transform_indices = @transform_5, window_bounds = array<i64: 1000, 128>}, {transform_indices = @transform_6, window_bounds = array<i64: 1000, 128>}]} {
    %get3A = arith.constant 0 : index
    %get3A_0 = arith.constant 0 : index
    %get3A_1 = arith.constant 0 : index
    %get3A_2 = vector.load %arg1[%get3A, %get3A_0, %get3A_1] : memref<2x1000x128xf32, #tpu.memory_space<vmem>>, vector<1x1000x128xf32>
    %get3A_3 = vector.shape_cast %get3A_2 : vector<1x1000x128xf32> to vector<1000x128xf32>
    %get3A_4 = arith.constant 1 : index
    %get3A_5 = arith.constant 0 : index
    %get3A_6 = arith.constant 0 : index
    %get3A_7 = vector.load %arg1[%get3A_4, %get3A_5, %get3A_6] : memref<2x1000x128xf32, #tpu.memory_space<vmem>>, vector<1x1000x128xf32>
    %get3A_8 = vector.shape_cast %get3A_7 : vector<1x1000x128xf32> to vector<1000x128xf32>
    %add3A = arith.addf %get3A_3, %get3A_8 : vector<1000x128xf32>
    %get3A_9 = arith.constant 0 : index
    %get3A_10 = arith.constant 0 : index
    %get3A_11 = vector.load %arg3[%get3A_9, %get3A_10] : memref<1000x32xf32, #tpu.memory_space<vmem>>, vector<1000x32xf32>
    %reduce_sum3A = arith.constant dense<0.000000e+00> : vector<1000xf32>
    %reduce_sum3A_12 = vector.multi_reduction <add>, %get3A_11, %reduce_sum3A [1] : vector<1000x32xf32> to vector<1000xf32>
    %broadcast_in_dim3A = vector.shape_cast %reduce_sum3A_12 : vector<1000xf32> to vector<1000x1xf32>
    %add3A_13 = arith.constant 1.000000e+00 : f32
    %add3A_14 = vector.broadcast %add3A_13 : f32 to vector<1000x1xf32>
    %add3A_15 = arith.addf %add3A_14, %broadcast_in_dim3A : vector<1000x1xf32>
    %rsqrt3A = math.rsqrt %add3A_15 : vector<1000x1xf32>
    %mul3A = vector.broadcast %rsqrt3A : vector<1000x1xf32> to vector<1000x128xf32>
    %mul3A_16 = arith.mulf %mul3A, %add3A : vector<1000x128xf32>
    %mul3A_17 = arith.mulf %rsqrt3A, %rsqrt3A : vector<1000x1xf32>
    %get3A_18 = arith.constant 0 : index
    %get3A_19 = arith.constant 0 : index
    %get3A_20 = vector.load %arg2[%get3A_18, %get3A_19] : memref<1000x128xf32, #tpu.memory_space<vmem>>, vector<1000x128xf32>
    %mul3A_21 = vector.broadcast %mul3A_17 : vector<1000x1xf32> to vector<1000x128xf32>
    %mul3A_22 = arith.mulf %mul3A_21, %get3A_20 : vector<1000x128xf32>
    %add3A_23 = arith.addf %mul3A_16, %mul3A_22 : vector<1000x128xf32>
    %get3A_24 = arith.constant 0 : index
    %get3A_25 = arith.constant 0 : index
    %get3A_26 = vector.load %arg4[%get3A_24, %get3A_25] : memref<1x128xf32, #tpu.memory_space<vmem>>, vector<1x128xf32>
    %add3A_27 = vector.broadcast %get3A_26 : vector<1x128xf32> to vector<1000x128xf32>
    %add3A_28 = arith.addf %add3A_23, %add3A_27 : vector<1000x128xf32>
    %max3A = arith.constant 0.000000e+00 : f32
    %max3A_29 = vector.broadcast %max3A : f32 to vector<1000x128xf32>
    %max3A_30 = arith.maximumf %add3A_28, %max3A_29 : vector<1000x128xf32>
    %get3A_31 = arith.constant 0 : index
    %get3A_32 = arith.constant 0 : index
    %get3A_33 = vector.load %arg5[%get3A_31, %get3A_32] : memref<128x128xf32, #tpu.memory_space<vmem>>, vector<128x128xf32>
    %dot_general3A = arith.constant dense<0.000000e+00> : vector<1000x128xf32>
    %dot_general3A_34 = tpu.matmul %max3A_30, %get3A_33, %dot_general3A {dimension_numbers = #tpu.dot_dimension_numbers<[1], [0], [0], [1], [0, 0, 1, 1], [], []>, transpose_lhs_hint = false} : vector<1000x128xf32>, vector<128x128xf32>, vector<1000x128xf32> -> vector<1000x128xf32>
    %swap3A = arith.constant 0 : index
    %swap3A_35 = arith.constant 0 : index
    %swap3A_36 = vector.load %arg6[%swap3A, %swap3A_35] : memref<1000x128xf32, #tpu.memory_space<vmem>>, vector<1000x128xf32>
    tpu.vector_store %arg6[%swap3A, %swap3A_35], %dot_general3A_34 {strides = array<i32>} : memref<1000x128xf32, #tpu.memory_space<vmem>>, vector<1000x128xf32>,
    %mul3A_37 = vector.broadcast %rsqrt3A : vector<1000x1xf32> to vector<1000x128xf32>
    %mul3A_38 = arith.mulf %mul3A_37, %dot_general3A_34 : vector<1000x128xf32>
    %swap3A_39 = arith.constant 0 : index
    %swap3A_40 = arith.constant 0 : index
    %swap3A_41 = vector.load %arg7[%swap3A_39, %swap3A_40] : memref<1000x128xf32, #tpu.memory_space<vmem>>, vector<1000x128xf32>
    tpu.vector_store %arg7[%swap3A_39, %swap3A_40], %mul3A_38 {strides = array<i32>} : memref<1000x128xf32, #tpu.memory_space<vmem>>, vector<1000x128xf32>,
    return
  }
  func.func @transform_0(%arg0: i32) -> (i32, i32, i32) {
    %c0_i32 = arith.constant 0 : i32
    %c0_i32_0 = arith.constant 0 : i32
    %c0_i32_1 = arith.constant 0 : i32
    return %c0_i32, %arg0, %c0_i32_0 : i32, i32, i32
  }
  func.func @transform_1(%arg0: i32) -> (i32, i32) {
    %c0_i32 = arith.constant 0 : i32
    %c0_i32_0 = arith.constant 0 : i32
    return %arg0, %c0_i32 : i32, i32
  }
  func.func @transform_2(%arg0: i32) -> (i32, i32) {
    %c0_i32 = arith.constant 0 : i32
    %c0_i32_0 = arith.constant 0 : i32
    return %arg0, %c0_i32 : i32, i32
  }
  func.func @transform_3(%arg0: i32) -> (i32, i32) {
    %c0_i32 = arith.constant 0 : i32
    %c0_i32_0 = arith.constant 0 : i32
    %c0_i32_1 = arith.constant 0 : i32
    return %c0_i32, %c0_i32_0 : i32, i32
  }
  func.func @transform_4(%arg0: i32) -> (i32, i32) {
    %c0_i32 = arith.constant 0 : i32
    %c0_i32_0 = arith.constant 0 : i32
    %c0_i32_1 = arith.constant 0 : i32
    return %c0_i32, %c0_i32_0 : i32, i32
  }
  func.func @transform_5(%arg0: i32) -> (i32, i32) {
    %c0_i32 = arith.constant 0 : i32
    %c0_i32_0 = arith.constant 0 : i32
    return %arg0, %c0_i32 : i32, i32
  }
  func.func @transform_6(%arg0: i32) -> (i32, i32) {
    %c0_i32 = arith.constant 0 : i32
    %c0_i32_0 = arith.constant 0 : i32
    return %arg0, %c0_i32 : i32, i32
  }
}

module attributes {stable_mosaic.version = 14 : i64} {
  func.func @_tc3_body(%arg0: i32, %arg1: memref<2x1000x128xf32, #tpu.memory_space<vmem>>, %arg2: memref<1000x128xf32, #tpu.memory_space<vmem>>, %arg3: memref<1000x32xf32, #tpu.memory_space<vmem>>, %arg4: memref<1x128xf32, #tpu.memory_space<vmem>>, %arg5: memref<1000x128xf32, #tpu.memory_space<vmem>>) attributes {dimension_semantics = [#tpu.dimension_semantics<arbitrary>], iteration_bounds = array<i64: 10>, scalar_prefetch = 0 : i64, scratch_operands = 0 : i64, tpu.core_type = #tpu.core_type<tc>, window_params = [{transform_indices = @transform_0, window_bounds = array<i64: 2, 1000, 128>}, {transform_indices = @transform_1, window_bounds = array<i64: 1000, 128>}, {transform_indices = @transform_2, window_bounds = array<i64: 1000, 32>}, {pipeline_mode = #tpu.pipeline_mode<synchronous>, transform_indices = @transform_3, window_bounds = array<i64: 1, 128>}, {transform_indices = @transform_4, window_bounds = array<i64: 1000, 128>}]} {
    %get3A = arith.constant 0 : index
    %get3A_0 = arith.constant 0 : index
    %get3A_1 = arith.constant 0 : index
    %get3A_2 = vector.load %arg1[%get3A, %get3A_0, %get3A_1] : memref<2x1000x128xf32, #tpu.memory_space<vmem>>, vector<1x1000x128xf32>
    %get3A_3 = vector.shape_cast %get3A_2 : vector<1x1000x128xf32> to vector<1000x128xf32>
    %get3A_4 = arith.constant 1 : index
    %get3A_5 = arith.constant 0 : index
    %get3A_6 = arith.constant 0 : index
    %get3A_7 = vector.load %arg1[%get3A_4, %get3A_5, %get3A_6] : memref<2x1000x128xf32, #tpu.memory_space<vmem>>, vector<1x1000x128xf32>
    %get3A_8 = vector.shape_cast %get3A_7 : vector<1x1000x128xf32> to vector<1000x128xf32>
    %add3A = arith.addf %get3A_3, %get3A_8 : vector<1000x128xf32>
    %get3A_9 = arith.constant 0 : index
    %get3A_10 = arith.constant 0 : index
    %get3A_11 = vector.load %arg3[%get3A_9, %get3A_10] : memref<1000x32xf32, #tpu.memory_space<vmem>>, vector<1000x32xf32>
    %reduce_sum3A = arith.constant dense<0.000000e+00> : vector<1000xf32>
    %reduce_sum3A_12 = vector.multi_reduction <add>, %get3A_11, %reduce_sum3A [1] : vector<1000x32xf32> to vector<1000xf32>
    %broadcast_in_dim3A = vector.shape_cast %reduce_sum3A_12 : vector<1000xf32> to vector<1000x1xf32>
    %add3A_13 = arith.constant 1.000000e+00 : f32
    %add3A_14 = vector.broadcast %add3A_13 : f32 to vector<1000x1xf32>
    %add3A_15 = arith.addf %add3A_14, %broadcast_in_dim3A : vector<1000x1xf32>
    %rsqrt3A = math.rsqrt %add3A_15 : vector<1000x1xf32>
    %mul3A = vector.broadcast %rsqrt3A : vector<1000x1xf32> to vector<1000x128xf32>
    %mul3A_16 = arith.mulf %mul3A, %add3A : vector<1000x128xf32>
    %mul3A_17 = arith.mulf %rsqrt3A, %rsqrt3A : vector<1000x1xf32>
    %get3A_18 = arith.constant 0 : index
    %get3A_19 = arith.constant 0 : index
    %get3A_20 = vector.load %arg2[%get3A_18, %get3A_19] : memref<1000x128xf32, #tpu.memory_space<vmem>>, vector<1000x128xf32>
    %mul3A_21 = vector.broadcast %mul3A_17 : vector<1000x1xf32> to vector<1000x128xf32>
    %mul3A_22 = arith.mulf %mul3A_21, %get3A_20 : vector<1000x128xf32>
    %add3A_23 = arith.addf %mul3A_16, %mul3A_22 : vector<1000x128xf32>
    %get3A_24 = arith.constant 0 : index
    %get3A_25 = arith.constant 0 : index
    %get3A_26 = vector.load %arg4[%get3A_24, %get3A_25] : memref<1x128xf32, #tpu.memory_space<vmem>>, vector<1x128xf32>
    %add3A_27 = vector.broadcast %get3A_26 : vector<1x128xf32> to vector<1000x128xf32>
    %add3A_28 = arith.addf %add3A_23, %add3A_27 : vector<1000x128xf32>
    %swap3A = arith.constant 0 : index
    %swap3A_29 = arith.constant 0 : index
    %swap3A_30 = vector.load %arg5[%swap3A, %swap3A_29] : memref<1000x128xf32, #tpu.memory_space<vmem>>, vector<1000x128xf32>
    tpu.vector_store %arg5[%swap3A, %swap3A_29], %add3A_28 {strides = array<i32>} : memref<1000x128xf32, #tpu.memory_space<vmem>>, vector<1000x128xf32>,
    return
  }
  func.func @transform_0(%arg0: i32) -> (i32, i32, i32) {
    %c0_i32 = arith.constant 0 : i32
    %c0_i32_0 = arith.constant 0 : i32
    %c0_i32_1 = arith.constant 0 : i32
    return %c0_i32, %arg0, %c0_i32_0 : i32, i32, i32
  }
  func.func @transform_1(%arg0: i32) -> (i32, i32) {
    %c0_i32 = arith.constant 0 : i32
    %c0_i32_0 = arith.constant 0 : i32
    return %arg0, %c0_i32 : i32, i32
  }
  func.func @transform_2(%arg0: i32) -> (i32, i32) {
    %c0_i32 = arith.constant 0 : i32
    %c0_i32_0 = arith.constant 0 : i32
    return %arg0, %c0_i32 : i32, i32
  }
  func.func @transform_3(%arg0: i32) -> (i32, i32) {
    %c0_i32 = arith.constant 0 : i32
    %c0_i32_0 = arith.constant 0 : i32
    %c0_i32_1 = arith.constant 0 : i32
    return %c0_i32, %c0_i32_0 : i32, i32
  }
  func.func @transform_4(%arg0: i32) -> (i32, i32) {
    %c0_i32 = arith.constant 0 : i32
    %c0_i32_0 = arith.constant 0 : i32
    return %arg0, %c0_i32 : i32, i32
  }
}

</mosaic_0001>

<sc_bundles>
// kernel: kernel.11.cloned.1.call-start
scs
__scs_entry_jumppad:
0x0: {  	(pc) =	sbr.rel $0x88, $3  }
0x1: {  	(tag) =	ssettag $0x0;
	lr =	simm.s32 $0x1  }
0x2: {  	[smem:$0x3F9B] =	sst lr;
	_ =	strace $0xD0000000  }
0x3: {  	_ = 	snop  }
0x4: {  	_ = 	snop  }
0x5: {  	_ = 	snop  }
0x6: {  	_ = 	snop  }
0x7: {  	_ = 	snop  }
__scs_overlays_trampoline_lowered:
0x8: {  	[smem:$0x3FAA] =	sst s0  }
0x9: {  	[smem:$0x3FAB] =	sst s1  }
0xa: {  	[smem:$0x3FAC] =	sst s2  }
0xb: {  	[smem:$0x3FAD] =	sst s3  }
0xc: {  	[smem:$0x3FAE] =	sst s4  }
0xd: {  	[smem:$0x3FAF] =	sst s5  }
0xe: {  	[smem:$0x3FB0] =	sst s6  }
0xf: {  	[smem:$0x3FB1] =	sst s7  }
0x10: {  	[smem:$0x3FB2] =	sst s8  }
0x11: {  	[smem:$0x3FB3] =	sst s9;
	s0 =	simm.s32 @!p0 $0x0  }
0x12: {  	s1 =	sld [smem:$0x3F99];
	s0 =	simm.s32 @p0 $0x1  }
0x13: {  	[smem:$0x3FB4] =	sst s0;
	s0 =	simm.s32 @!p1 $0x0  }
0x14: {  	s2 =	sld [smem:$0x3F98];
	s0 =	simm.s32 @p1 $0x1  }
0x15: {  	[smem:$0x3FB5] =	sst s0;
	s0 =	simm.s32 @!p2 $0x0  }
0x16: {  	s3 =	sld [smem:$0x3FDB];
	s0 =	simm.s32 @p2 $0x1  }
0x17: {  	s4 =	simm.s32 $0x1BF5;
	[smem:$0x3FB7] =	sst s0  }
0x18: {  	s0 =	sld [smem:$0x3F9A];
	_ =	swait.ge [sflag:s4], $0x0  }
0x19: {  	s7 =	sld [smem:$0x3F9B]  }
0x1a: {  	s8 =	sadd.s32 $0xFFFFE003, lr  }
0x1b: {  	s9 =	sadd.s32 $0xFFFFFEF7, lr;
	s5 =	simm.s32 $0xFFFFFFFF;
	p2 =	slt.u32 s8, $0xFFFFF086  }
0x1c: {  	p1 =	slt.u32 s9, $0xF7A;
	s5 =	simm.s32 @!p2 $0x0  }
0x1d: {  	s5 =	simm.s32 @p1 $0x1;
	p0 =	seq.s32 s7, s2  }
0x1e: {  	s7 =	smul.u32 @!p0 $0xF7A, s2;
	p2 =	seq.s32 @!p0 s5, $0x0  }
0x1f: {  	s9 =	smul.u32 $0xF7A, s1;
	s8 =	simm.s32 @!p0 $0x1BF5;
	p2 =	por !p2, p0  }
0x20: {  	[sflag:s8] =	ssyncset.s32 @!p0 $0xFFFFF086;
	s6 =	sadd.s32 @!p0 s3, s7;
	s7 =	simm.s32 @!p0 $0x108  }
0x21: {  	s3 =	sadd.s32 s3, s9;
	s6 =	sadd.s32 @!p0 $0x88, s6;
	s7 =	simm.s32 @p2 $0x1082  }
0x22: {  	[simem:s7], [sflag:s8] =	dma.local @!p0 [hbm:s6], $0xF7A  }
0x23: {  	s9 =	sor.u32 $0xD0000000, s2;
	s6 =	simm.s32 $0x108;
	_ =	swait.ge @!p0 [sflag:s8], $0x0  }
0x24: {  	s3 =	sadd.s32 $0x88, s3;
	s6 =	simm.s32 @!p1 $0x1082;
	[sflag:s4] =	ssyncset.s32 $0xFFFFF086  }
0x25: {  	[simem:s6], [sflag:s4] =	dma.local [hbm:s3], $0xF7A  }
0x26: {  	[smem:$0x3F9B] =	sst s1;
	(tag) =	ssettag s2;
	_ =	strace s9  }
0x27: {  	s1 =	sld [smem:$0x3FAB]  }
0x28: {  	s2 =	sld [smem:$0x3FAC]  }
0x29: {  	s4 =	sld [smem:$0x3FAE]  }
0x2a: {  	p0 =	seq.s32 s5, $0x0;
	s5 =	sld [smem:$0x3FAF]  }
0x2b: {  	s6 =	sld [smem:$0x3FB0]  }
0x2c: {  	s7 =	sld [smem:$0x3FB1]  }
0x2d: {  	s3 =	simm.s32 $0x108;
	s8 =	sld [smem:$0x3FB2]  }
0x2e: {  	s3 =	simm.s32 @!p0 $0x1082;
	s9 =	sld [smem:$0x3FB3]  }
0x2f: {  	lr =	sadd.s32 s0, s3;
	s0 =	sld [smem:$0x3FAA]  }
0x30: {  	s3 =	sld [smem:$0x3FAD]  }
0x31: {  	[smem:$0x3FB6] =	sst s10  }
0x32: {  	s10 =	sld [smem:$0x3FB4];
	_ =	sdelay $0x3  }
0x33: {  	p0 =	seq.s32 s10, $0x1;
	s10 =	sld [smem:$0x3FB6];
	_ =	sdelay $0x3  }
0x34: {  	[smem:$0x3FB6] =	sst s10  }
0x35: {  	s10 =	sld [smem:$0x3FB5];
	_ =	sdelay $0x3  }
0x36: {  	p1 =	seq.s32 s10, $0x1;
	s10 =	sld [smem:$0x3FB6];
	_ =	sdelay $0x3  }
0x37: {  	[smem:$0x3FB6] =	sst s10  }
0x38: {  	s10 =	sld [smem:$0x3FB7]  }
0x39: {  	_ = 	snop;
	(pc) =	sbr.ind lr, $3  }
0x3a: {  	_ = 	snop  }
0x3b: {  	_ = 	snop  }
0x3c: {  	p2 =	seq.s32 s10, $0x1;
	s10 =	sld [smem:$0x3FB6]  }
0x3d: {  	_ =	shalt  }
0x3e: {  	_ =	shalt  }
0x3f: {  	_ =	shalt  }
0x40: {  	_ =	shalt  }
0x41: {  	_ =	shalt  }
0x42: {  	_ =	shalt  }
0x43: {  	_ =	shalt  }
0x44: {  	_ =	shalt  }
0x45: {  	_ =	shalt  }
0x46: {  	_ =	shalt  }
0x47: {  	_ =	shalt  }
0x48: {  	_ =	shalt  }
0x49: {  	_ =	shalt  }
0x4a: {  	_ =	shalt  }
0x4b: {  	_ =	shalt  }
0x4c: {  	_ =	shalt  }
0x4d: {  	_ =	shalt  }
0x4e: {  	_ =	shalt  }
0x4f: {  	_ =	shalt  }
0x50: {  	_ =	shalt  }
0x51: {  	_ =	shalt  }
0x52: {  	_ =	shalt  }
0x53: {  	_ =	shalt  }
0x54: {  	_ =	shalt  }
0x55: {  	_ =	shalt  }
0x56: {  	_ =	shalt  }
0x57: {  	_ =	shalt  }
0x58: {  	_ =	shalt  }
0x59: {  	_ =	shalt  }
0x5a: {  	_ =	shalt  }
0x5b: {  	_ =	shalt  }
0x5c: {  	_ =	shalt  }
0x5d: {  	_ =	shalt  }
0x5e: {  	_ =	shalt  }
0x5f: {  	_ =	shalt  }
0x60: {  	_ =	shalt  }
0x61: {  	_ =	shalt  }
0x62: {  	_ =	shalt  }
0x63: {  	_ =	shalt  }
0x64: {  	_ =	shalt  }
0x65: {  	_ =	shalt  }
0x66: {  	_ =	shalt  }
0x67: {  	_ =	shalt  }
0x68: {  	_ =	shalt  }
0x69: {  	_ =	shalt  }
0x6a: {  	_ =	shalt  }
0x6b: {  	_ =	shalt  }
0x6c: {  	_ =	shalt  }
0x6d: {  	_ =	shalt  }
0x6e: {  	_ =	shalt  }
0x6f: {  	_ =	shalt  }
0x70: {  	_ =	shalt  }
0x71: {  	_ =	shalt  }
0x72: {  	_ =	shalt  }
0x73: {  	_ =	shalt  }
0x74: {  	_ =	shalt  }
0x75: {  	_ =	shalt  }
0x76: {  	_ =	shalt  }
0x77: {  	_ =	shalt  }
0x78: {  	_ =	shalt  }
0x79: {  	_ =	shalt  }
0x7a: {  	_ =	shalt  }
0x7b: {  	_ =	shalt  }
0x7c: {  	_ =	shalt  }
0x7d: {  	_ =	shalt  }
0x7e: {  	_ =	shalt  }
0x7f: {  	_ =	shalt  }
0x80: {  	_ =	shalt  }
0x81: {  	_ =	shalt  }
0x82: {  	_ =	shalt  }
0x83: {  	_ =	shalt  }
0x84: {  	_ =	shalt  }
0x85: {  	_ =	shalt  }
0x86: {  	_ =	shalt  }
0x87: {  	_ =	shalt  }
.Lfunc_end0:
.L_simem_size_0:
called_computation.1_lowered:
.L_overlay_start_0:
0x88: {  	s2 =	sld [smem:$0x3FD9]  }
0x89: {  	s3 =	sld [smem:$0x3FFE];
	_ =	sdelay $0x1  }
0x8a: {  	s1 =	srdreg.scid  }
0x8b: {  	s0 =	sand.u32 $0x1, s1  }
0x8c: {  	s17 =	sshll.u32 s0, $0xA;
	s2 =	sadd.s32 s3, s2  }
0x8d: {  	s2 =	sadd.s32 s2, s17  }
0x8e: {  	[smem:$0x3FC2] =	sst s2  }
0x8f: {  	_ = 	snop  }
0x90: {  	s2 =	sld [smem:$0x3FD0];
	(tm) =	ssettm $0x1  }
0x91: {  	s18 =	sld [smem:$0x3FFB];
	_ =	sdelay $0x3  }
0x92: {  	_ =	strace s18  }
0x93: {  	s3 =	sld [smem:$0x3FFC];
	_ =	sdelay $0x3  }
0x94: {  	_ =	strace s3  }
0x95: {  	s3 =	sld [smem:$0x3FFD];
	_ =	sdelay $0x3  }
0x96: {  	_ =	strace s3  }
0x97: {  	_ =	strace $0x8FFFFFFF  }
0x98: {  	s19 =	sld [smem:$0x3FDB];
	_ =	sdelay $0x1  }
0x99: {  	s4 =	simm.s32 $_scs_section_size  }
0x9a: {  	s5 =	simm.s32 $_size__tile_overlayer_lowered;
	s6 =	simm.s32 $_tile_overlayer_lowered  }
0x9b: {  	s22 =	simm.s32 $0x1BFF;
	s21 =	sshll.u32 s6, $0x1;
	s3 =	sadd.s32 s4, s19  }
0x9c: {  	s7 =	simm.s32 $0x0;
	s20 =	sshll.u32 s5, $0x1;
	s5 =	sadd.s32 s21, s3  }
0x9d: {  	[timem:s7], [sflag:s22] =	dma.local [hbm:s5], s20  }
0x9e: {  	_ =	swait.ge [sflag:s22], s20  }
0x9f: {  	s4 =	ssub.s32 $0x0, s20;
	[sflag:s22] =	ssyncset.done $0x0  }
0xa0: {  	[sflag:s22] =	ssyncadd.s32 s4;
	_ =	sdelay $0x1  }
0xa1: {  	s23 =	simm.s32 $0x1B8B  }
0xa2: {  	_ =	swait.ge [sflag:s23], $0x1  }
0xa3: {  	[sflag:s23] =	ssyncset.done $0x0  }
0xa4: {  	s25 =	simm.s32 $0x1B8E;
	s24 =	sld [smem:$0x3FFE];
	[sflag:s23] =	ssyncadd.s32 $0xFFFFFFFF  }
0xa5: {  	s26 =	simm.s32 $execute0_lowered;
	[smem:$0x3FD2] =	sst s25  }
0xa6: {  	s5 =	sshll.u32 s26, $0x1;
	_ =	strace $0x80000049;
	[dreg:$0x1] =	wrdreg $0xFFFFFFFF  }
0xa7: {  	s28 =	simm.s32 $_size_execute0_lowered;
	s3 =	sadd.s32 s3, s5;
	[dreg:$0x0] =	wrdreg $0x0  }
0xa8: {  	s5 =	sshll.u32 s28, $0x1;
	[dreg:$0x2] =	wrdreg s3  }
0xa9: {  	[dreg:$0x3] =	wrdreg s5  }
0xaa: {  	[dreg:$0x4] =	wrdreg $0xC0  }
0xab: {  	_ =	task [dreg:s7], $0x5FFFF  }
0xac: {  	[dreg:$0x1] =	wrdreg $0xFFFFFFFF  }
0xad: {  	[dreg:$0x0] =	wrdreg $0x60  }
0xae: {  	[dreg:$0x2] =	wrdreg s2  }
0xaf: {  	[dreg:$0x3] =	wrdreg s24  }
0xb0: {  	[dreg:$0x4] =	wrdreg $0xA8000  }
0xb1: {  	[dreg:$0x5] =	wrdreg $0x9  }
0xb2: {  	_ =	task.clear_ibuf [dreg:s7], $0x6FFFF;
	_ =	strace $0x90000049  }
0xb3: {  	s29 =	simm.s32 $0x9;
	_ =	strace $0x8000004B  }
0xb4: {  	_ =	swait.ge [sflag:s29], $0x1  }
0xb5: {  	[sflag:s29] =	ssyncadd.s32 $0xFFFFFFFF  }
0xb6: {  	_ =	strace $0x9000004B  }
0xb7: {  	_ =	sfence  }
0xb8: {  	s30 =	sld [smem:$0x0];
	_ =	sdelay $0x2  }
0xb9: {  	s31 =	sshll.u32 s1, $0xD;
	s1 =	sshrl.u32 s1, $0x2  }
0xba: {  	s3 =	sand.u32 $0x4000, s31;
	s1 =	sadd.s32 s1, s30  }
0xbb: {  	s0 =	sor.u32 s3, s0;
	s1 =	sshll.u32 s1, $0x11  }
0xbc: {  	s0 =	sor.u32 s1, s0  }
0xbd: {  	s0 =	sadd.s32 $0x8F2B, s0  }
0xbe: {  	[sflag:s0] =	ssyncadd.remote.s32 $0x1  }
0xbf: {  	_ =	sfence.sel $0xFFFF  }
0xc0: {  	[dreg:$0x0] =	wrdreg $0xFFFFFFFF;
	(pc) =	sbr.abs _section_cstart, $3  }
0xc1: {  	[dreg:$0x1] =	wrdreg $0xFFFFFFFF  }
0xc2: {  	_ =	task.clear_ibuf [dreg:s7], $0x2FFFF;
	_ =	strace $0x9FFFFFFF  }
0xc3: {  	(tm) =	ssettm $0x7FFFFFFF  }
tec
execute0_lowered:
.L_overlay_start_1:
0x0: {  	(tag) =	ssettag $0x1  }
0x1: {  	s2 =	rddreg [dreg:$0x0]  }
0x2: {  	s15 =	rddreg [dreg:$0x1]  }
0x3: {  	s0 =	srdreg.scid;
	s3 =	rddreg [dreg:$0x2]  }
0x4: {  	s4 =	simm.s32 $0x0;
	s19 =	simm.s32 $0x3;
	s20 =	simm.s32 $0x1400  }
0x5: {  	s21 =	simm.s32 $0x1;
	s22 =	simm.s32 $0x2;
	s23 =	simm.s32 $0x80  }
0x6: {  	s24 =	simm.s32 $0x6800;
	s25 =	simm.s32 $0x2700;
	s5 =	sand.u32 $0x1, s0  }
0x7: {  	s26 =	simm.s32 $0x2780;
	s0 =	stileid.u32;
	s7 =	smul.u32 $0x140000, s5  }
0x8: {  	[smem:$0x7FF] =	sst s4;
	s14 =	sadd.s32 $0xC100, s15;
	s8 =	smul.u32 $0x14000, s0  }
0x9: {  	s1 =	sshll.u32 s5, $0x4;
	s9 =	smul.u32 $0x50000, s0;
	s29 =	ssub.s32 $0x2, s5  }
0xa: {  	s18 =	sor.u32 s0, s1;
	s1 =	rddreg [dreg:$0x3];
	_ =	strace $0x8000004A  }
0xb: {  	s31 =	sshrl.u32 s29, $0x1;
	s6 =	smul.u32 $0x2800, s18;
	s28 =	sadd.s32 s8, s7  }
0xc: {  	s30 =	sshrl.u32 s9, $0x2;
	s17 =	ssub.s32 s29, s31;
	p0 =	seq.s32 s18, $0x1F  }
0xd: {  	s18 =	simm.s32 $0x2800;
	s5 =	sadd.s32 s30, s3;
	s17 =	smax.u32 s17, $0x1  }
.Ltmp0:
0xe: {  	s6 =	sshrl.u32 s6, $0x3;
	s7 =	sadd.s32 $0x8000, s5;
	(pc) =	sbr.rel .LBB2_1-.Ltmp0, $4  }
0xf: {  	s8 =	sadd.s32 $0xC000, s5;
	s13 =	sadd.s32 s6, s15;
	s6 =	sshrl.u32 s28, $0x3  }
0x10: {  	s9 =	sadd.s32 $0x10000, s5;
	s16 =	sadd.s32 s6, s15;
	s6 =	sadd.s32 $0x4000, s5  }
0x11: {  	s10 =	sadd.s32 $0x2600, s13;
	s11 =	sadd.s32 $0xC280, s13;
	s12 =	sadd.s32 $0x2880, s13  }
0x12: {  	v0 =	vimm.f32 $0.0e+00;
	s13 =	sadd.s32 $0xC500, s13;
	s15 =	sadd.s32 $0x15D80, s15;
	s16 =	sadd.s32 $0x16000, s16  }
.LBB2_8:
0x13: {  	[tilespmem:s24], [sflag:$0x2] =	stream.indirect.gather [hbm4b:s2+s23], $0x80, s29, s23, $0xb8;
	[tilespmem:$0x1E800] =	vst v63  }
0x14: {  	s28 =	simm.s32 $0x2780;
	s29 =	simm.s32 $0x2700  }
.LBB2_12:
0x15: {  	_ =	swait.ge [sflag:s21], $0x4000  }
0x16: {  	[sflag:s21] =	ssyncset.done $0x0  }
0x17: {  	[sflag:s21] =	ssyncadd.s32 $0xFFFFC000  }
0x18: {  	[spmem:s3] =	stream.indirect.scatter.add.f32 [tilespmem:s18], [sflag:$0x3], $0x80, s29, s23, $0xb8;
	[tilespmem:$0x1E800] =	vst v63  }
0x19: {  	_ =	swait.ge [sflag:s19], $0x4000  }
0x1a: {  	[sflag:s19] =	ssyncset.done $0x0  }
0x1b: {  	[sflag:s19] =	ssyncadd.s32 $0xFFFFC000  }
0x1c: {  	_ =	swait.ge [sflag:s22], $0x4000  }
0x1d: {  	[sflag:s22] =	ssyncset.done $0x0  }
0x1e: {  	[sflag:s22] =	ssyncadd.s32 $0xFFFFC000  }
0x1f: {  	[spmem:s3] =	stream.indirect.scatter.add.f32 [tilespmem:s24], [sflag:$0x3], $0x80, s28, s23, $0xb8;
	[tilespmem:$0x1E800] =	vst v63  }
0x20: {  	_ =	swait.ge [sflag:s19], $0x4000  }
0x21: {  	s30 =	sshll.u32 s0, $0x6;
	s4 =	sadd.s32 $0x1, s4;
	[sflag:s19] =	ssyncset.done $0x0  }
0x22: {  	s31 =	sshrl.u32 s5, $0x3;
	p1 =	sne.s32 s4, s17;
	[sflag:s19] =	ssyncadd.s32 $0xFFFFC000  }
.Ltmp1:
0x23: {  	s28 =	sor.u32 $0x1C03, s30;
	[bflag:$0x0] =	sbarrier.arrive $0xFFFF;
	(pc) =	sbr.rel @!p1 .LBB2_13-.Ltmp1, $4  }
0x24: {  	[hbm:s16], [sflag:s28] =	dma.local [spmem:s31], $0x2800  }
0x25: {  	_ =	swait.ge [sflag:s19], $0x2800  }
0x26: {  	[sflag:s19] =	ssyncset.done $0x0  }
0x27: {  	[sflag:s19] =	ssyncadd.s32 $0xFFFFD800  }
.LBB2_1:
0x28: {  	s28 =	simm.s32 $0x0;
	s29 =	simm.s32 $0x200  }
.LBB2_2:
0x29: {  	p1 =	sne.s32 s29, $0xFE00;
	[tilespmem:s28+$0x2870] =	vst v0  }
0x2a: {  	[tilespmem:s28+$0x2800] =	vst v0  }
0x2b: {  	[tilespmem:s28+$0x2810] =	vst v0  }
.Ltmp2:
0x2c: {  	[tilespmem:s28+$0x2820] =	vst v0;
	(pc) =	sbr.rel @p1 .LBB2_2-.Ltmp2, $4  }
0x2d: {  	[tilespmem:s28+$0x2830] =	vst v0  }
0x2e: {  	[tilespmem:s28+$0x2840] =	vst v0  }
0x2f: {  	[tilespmem:s28+$0x2850] =	vst v0  }
0x30: {  	[tilespmem:s28+$0x2860] =	vst v0;
	s28 =	sshra.s32 s29, $0x2;
	s29 =	sadd.s32 $0x200, s29  }
0x31: {  	[tilespmem:s28+$0x2870] =	vst v0  }
0x32: {  	[tilespmem:s28+$0x2800] =	vst v0  }
0x33: {  	[tilespmem:s28+$0x2810] =	vst v0  }
0x34: {  	[tilespmem:s28+$0x2820] =	vst v0  }
0x35: {  	[tilespmem:s28+$0x2830] =	vst v0  }
0x36: {  	[tilespmem:s28+$0x2840] =	vst v0  }
0x37: {  	[tilespmem:s28+$0x2850] =	vst v0  }
0x38: {  	[tilespmem:s28+$0x2860] =	vst v0  }
0x39: {  	[spmem:s5] =	stream.linear.scatter [tilespmem:s18], [sflag:$0x3], $0x4000, $0x38;
	[tilespmem:$0x1E800] =	vst v63  }
0x3a: {  	_ =	swait.ge [sflag:s19], $0x4000  }
0x3b: {  	[sflag:s19] =	ssyncset.done $0x0  }
0x3c: {  	[sflag:s19] =	ssyncadd.s32 $0xFFFFC000  }
0x3d: {  	[spmem:s6] =	stream.linear.scatter [tilespmem:s18], [sflag:$0x3], $0x4000, $0x38;
	[tilespmem:$0x1E800] =	vst v63  }
0x3e: {  	_ =	swait.ge [sflag:s19], $0x4000  }
0x3f: {  	[sflag:s19] =	ssyncset.done $0x0  }
0x40: {  	[sflag:s19] =	ssyncadd.s32 $0xFFFFC000  }
0x41: {  	[spmem:s7] =	stream.linear.scatter [tilespmem:s18], [sflag:$0x3], $0x4000, $0x38;
	[tilespmem:$0x1E800] =	vst v63  }
0x42: {  	_ =	swait.ge [sflag:s19], $0x4000  }
0x43: {  	[sflag:s19] =	ssyncset.done $0x0  }
0x44: {  	[sflag:s19] =	ssyncadd.s32 $0xFFFFC000  }
0x45: {  	[spmem:s8] =	stream.linear.scatter [tilespmem:s18], [sflag:$0x3], $0x4000, $0x38;
	[tilespmem:$0x1E800] =	vst v63  }
0x46: {  	_ =	swait.ge [sflag:s19], $0x4000  }
0x47: {  	[sflag:s19] =	ssyncset.done $0x0  }
0x48: {  	[sflag:s19] =	ssyncadd.s32 $0xFFFFC000  }
0x49: {  	[spmem:s9] =	stream.linear.scatter [tilespmem:s18], [sflag:$0x3], $0x4000, $0x38;
	[tilespmem:$0x1E800] =	vst v63  }
.Ltmp3:
0x4a: {  	_ =	swait.ge [sflag:s19], $0x4000;
	(pc) =	sbr.rel @!p0 .LBB2_4-.Ltmp3, $4  }
0x4b: {  	[sflag:s19] =	ssyncset.done $0x0  }
0x4c: {  	[sflag:s19] =	ssyncadd.s32 $0xFFFFC000  }
0x4d: {  	[bflag:$0x0] =	sbarrier.arrive $0xFFFF  }
0x4e: {  	s28 =	simm.s32 $0x0  }
0x4f: {  	[tilespmem:s28], [sflag:$0x1] =	stream.linear.gather [hbm4b:s14+s28], $0xC00, $0x38;
	[tilespmem:$0x1E800] =	vst v63  }
0x50: {  	_ = 	snop  }
0x51: {  	[tilespmem:s20], [sflag:$0x2] =	stream.linear.gather [hbm4b:s15+s28], $0xC00, $0x38;
	[tilespmem:$0x1E800] =	vst v63  }
0x52: {  	_ =	swait.ge [sflag:s21], $0xC00  }
0x53: {  	[sflag:s21] =	ssyncset.done $0x0  }
0x54: {  	[sflag:s21] =	ssyncadd.s32 $0xFFFFF400  }
0x55: {  	_ =	swait.ge [sflag:s22], $0xC00  }
0x56: {  	[sflag:s22] =	ssyncset.done $0x0  }
0x57: {  	[sflag:s22] =	ssyncadd.s32 $0xFFFFF400  }
0x58: {  	[tilespmem:s18], [sflag:$0x1] =	stream.indirect.gather [hbm4b:s2+s23], $0x80, s28, s23, $0xb8;
	[tilespmem:$0x1E800] =	vst v63  }
0x59: {  	_ = 	snop  }
0x5a: {  	[tilespmem:s24], [sflag:$0x2] =	stream.indirect.gather [hbm4b:s2+s23], $0x80, s23, s23, $0xb8;
	[tilespmem:$0x1E800] =	vst v63  }
0x5b: {  	_ =	swait.ge [sflag:s21], $0x4000  }
0x5c: {  	[sflag:s21] =	ssyncset.done $0x0  }
0x5d: {  	s28 =	simm.s32 $0x1400;
	[sflag:s21] =	ssyncadd.s32 $0xFFFFC000  }
0x5e: {  	[spmem:s3] =	stream.indirect.scatter.add.f32 [tilespmem:s18], [sflag:$0x3], $0x80, s28, s23, $0xb8;
	[tilespmem:$0x1E800] =	vst v63  }
0x5f: {  	_ =	swait.ge [sflag:s19], $0x4000  }
0x60: {  	[sflag:s19] =	ssyncset.done $0x0  }
0x61: {  	s28 =	simm.s32 $0x100;
	[sflag:s19] =	ssyncadd.s32 $0xFFFFC000  }
0x62: {  	[tilespmem:s18], [sflag:$0x1] =	stream.indirect.gather [hbm4b:s2+s23], $0x80, s28, s23, $0xb8;
	[tilespmem:$0x1E800] =	vst v63  }
0x63: {  	_ =	swait.ge [sflag:s22], $0x4000  }
0x64: {  	[sflag:s22] =	ssyncset.done $0x0  }
0x65: {  	s28 =	simm.s32 $0x1480;
	[sflag:s22] =	ssyncadd.s32 $0xFFFFC000  }
0x66: {  	[spmem:s3] =	stream.indirect.scatter.add.f32 [tilespmem:s24], [sflag:$0x3], $0x80, s28, s23, $0xb8;
	[tilespmem:$0x1E800] =	vst v63  }
0x67: {  	_ =	swait.ge [sflag:s19], $0x4000  }
0x68: {  	[sflag:s19] =	ssyncset.done $0x0  }
0x69: {  	s29 =	simm.s32 $0x180;
	s28 =	simm.s32 $0x400;
	[sflag:s19] =	ssyncadd.s32 $0xFFFFC000  }
.LBB2_10:
0x6a: {  	[tilespmem:s24], [sflag:$0x2] =	stream.indirect.gather [hbm4b:s2+s23], $0x80, s29, s23, $0xb8;
	[tilespmem:$0x1E800] =	vst v63  }
0x6b: {  	s29 =	smov.u32 s28  }
0x6c: {  	p1 =	sne.s32 s28, $0x2800;
	s28 =	sadd.s32 $0x400, s28;
	_ =	swait.ge [sflag:s21], $0x4000  }
0x6d: {  	s29 =	sshra.s32 s29, $0x2;
	[sflag:s21] =	ssyncset.done $0x0  }
0x6e: {  	s30 =	sadd.s32 $0x1400, s29;
	[sflag:s21] =	ssyncadd.s32 $0xFFFFC000  }
0x6f: {  	[spmem:s3] =	stream.indirect.scatter.add.f32 [tilespmem:s18], [sflag:$0x3], $0x80, s30, s23, $0xb8;
	[tilespmem:$0x1E800] =	vst v63  }
0x70: {  	_ =	swait.ge [sflag:s19], $0x4000  }
0x71: {  	[sflag:s19] =	ssyncset.done $0x0  }
0x72: {  	s30 =	sadd.s32 $0x100, s29;
	[sflag:s19] =	ssyncadd.s32 $0xFFFFC000  }
0x73: {  	[tilespmem:s18], [sflag:$0x1] =	stream.indirect.gather [hbm4b:s2+s23], $0x80, s30, s23, $0xb8;
	[tilespmem:$0x1E800] =	vst v63  }
0x74: {  	_ =	swait.ge [sflag:s22], $0x4000  }
0x75: {  	[sflag:s22] =	ssyncset.done $0x0  }
.Ltmp4:
0x76: {  	s30 =	sadd.s32 $0x1480, s29;
	[sflag:s22] =	ssyncadd.s32 $0xFFFFC000;
	(pc) =	sbr.rel @p1 .LBB2_10-.Ltmp4, $4  }
0x77: {  	[spmem:s3] =	stream.indirect.scatter.add.f32 [tilespmem:s24], [sflag:$0x3], $0x80, s30, s23, $0xb8;
	[tilespmem:$0x1E800] =	vst v63  }
0x78: {  	_ =	swait.ge [sflag:s19], $0x4000  }
0x79: {  	[sflag:s19] =	ssyncset.done $0x0  }
0x7a: {  	s29 =	sadd.s32 $0x180, s29;
	[sflag:s19] =	ssyncadd.s32 $0xFFFFC000  }
.Ltmp5:
0x7b: {  	(pc) =	sbr.rel .LBB2_12-.Ltmp5, $3  }
0x7c: {  	_ =	sdelay $0x1  }
0x7d: {  	[tilespmem:s24], [sflag:$0x2] =	stream.indirect.gather [hbm4b:s2+s23], $0x80, s29, s23, $0xb8;
	[tilespmem:$0x1E800] =	vst v63  }
0x7e: {  	s28 =	simm.s32 $0x1F80;
	s29 =	simm.s32 $0x1F00  }
.LBB2_4:
0x7f: {  	[tilespmem:s28], [sflag:$0x1] =	stream.linear.gather [hbm4b:s10+s28], $0x1400, $0x38;
	[tilespmem:$0x1E800] =	vst v63  }
0x80: {  	_ = 	snop  }
0x81: {  	[tilespmem:s20], [sflag:$0x2] =	stream.linear.gather [hbm4b:s11+s28], $0x1400, $0x38;
	[tilespmem:$0x1E800] =	vst v63  }
0x82: {  	_ =	swait.ge [sflag:s21], $0x1400  }
0x83: {  	[sflag:s21] =	ssyncset.done $0x0  }
0x84: {  	[sflag:s21] =	ssyncadd.s32 $0xFFFFEC00  }
0x85: {  	_ =	swait.ge [sflag:s22], $0x1400  }
0x86: {  	[sflag:s22] =	ssyncset.done $0x0  }
0x87: {  	[sflag:s22] =	ssyncadd.s32 $0xFFFFEC00  }
0x88: {  	[tilespmem:s18], [sflag:$0x1] =	stream.indirect.gather [hbm4b:s2+s23], $0x80, s28, s23, $0xb8;
	[tilespmem:$0x1E800] =	vst v63  }
0x89: {  	_ = 	snop  }
0x8a: {  	[tilespmem:s24], [sflag:$0x2] =	stream.indirect.gather [hbm4b:s2+s23], $0x80, s23, s23, $0xb8;
	[tilespmem:$0x1E800] =	vst v63  }
0x8b: {  	_ =	swait.ge [sflag:s21], $0x4000  }
0x8c: {  	[sflag:s21] =	ssyncset.done $0x0  }
0x8d: {  	s28 =	simm.s32 $0x1400;
	[sflag:s21] =	ssyncadd.s32 $0xFFFFC000  }
0x8e: {  	[spmem:s3] =	stream.indirect.scatter.add.f32 [tilespmem:s18], [sflag:$0x3], $0x80, s28, s23, $0xb8;
	[tilespmem:$0x1E800] =	vst v63  }
0x8f: {  	_ =	swait.ge [sflag:s19], $0x4000  }
0x90: {  	[sflag:s19] =	ssyncset.done $0x0  }
0x91: {  	s28 =	simm.s32 $0x100;
	[sflag:s19] =	ssyncadd.s32 $0xFFFFC000  }
0x92: {  	[tilespmem:s18], [sflag:$0x1] =	stream.indirect.gather [hbm4b:s2+s23], $0x80, s28, s23, $0xb8;
	[tilespmem:$0x1E800] =	vst v63  }
0x93: {  	_ =	swait.ge [sflag:s22], $0x4000  }
0x94: {  	[sflag:s22] =	ssyncset.done $0x0  }
0x95: {  	s28 =	simm.s32 $0x1480;
	[sflag:s22] =	ssyncadd.s32 $0xFFFFC000  }
0x96: {  	[spmem:s3] =	stream.indirect.scatter.add.f32 [tilespmem:s24], [sflag:$0x3], $0x80, s28, s23, $0xb8;
	[tilespmem:$0x1E800] =	vst v63  }
0x97: {  	_ =	swait.ge [sflag:s19], $0x4000  }
0x98: {  	[sflag:s19] =	ssyncset.done $0x0  }
0x99: {  	s29 =	simm.s32 $0x180;
	s28 =	simm.s32 $0x400;
	[sflag:s19] =	ssyncadd.s32 $0xFFFFC000  }
.LBB2_5:
0x9a: {  	[tilespmem:s24], [sflag:$0x2] =	stream.indirect.gather [hbm4b:s2+s23], $0x80, s29, s23, $0xb8;
	[tilespmem:$0x1E800] =	vst v63  }
0x9b: {  	s29 =	smov.u32 s28  }
0x9c: {  	p1 =	sne.s32 s28, $0x4800;
	s28 =	sadd.s32 $0x400, s28;
	_ =	swait.ge [sflag:s21], $0x4000  }
0x9d: {  	s29 =	sshra.s32 s29, $0x2;
	[sflag:s21] =	ssyncset.done $0x0  }
0x9e: {  	s30 =	sadd.s32 $0x1400, s29;
	[sflag:s21] =	ssyncadd.s32 $0xFFFFC000  }
0x9f: {  	[spmem:s3] =	stream.indirect.scatter.add.f32 [tilespmem:s18], [sflag:$0x3], $0x80, s30, s23, $0xb8;
	[tilespmem:$0x1E800] =	vst v63  }
0xa0: {  	_ =	swait.ge [sflag:s19], $0x4000  }
0xa1: {  	[sflag:s19] =	ssyncset.done $0x0  }
0xa2: {  	s30 =	sadd.s32 $0x100, s29;
	[sflag:s19] =	ssyncadd.s32 $0xFFFFC000  }
0xa3: {  	[tilespmem:s18], [sflag:$0x1] =	stream.indirect.gather [hbm4b:s2+s23], $0x80, s30, s23, $0xb8;
	[tilespmem:$0x1E800] =	vst v63  }
0xa4: {  	_ =	swait.ge [sflag:s22], $0x4000  }
0xa5: {  	[sflag:s22] =	ssyncset.done $0x0  }
.Ltmp6:
0xa6: {  	s30 =	sadd.s32 $0x1480, s29;
	[sflag:s22] =	ssyncadd.s32 $0xFFFFC000;
	(pc) =	sbr.rel @p1 .LBB2_5-.Ltmp6, $4  }
0xa7: {  	[spmem:s3] =	stream.indirect.scatter.add.f32 [tilespmem:s24], [sflag:$0x3], $0x80, s30, s23, $0xb8;
	[tilespmem:$0x1E800] =	vst v63  }
0xa8: {  	_ =	swait.ge [sflag:s19], $0x4000  }
0xa9: {  	[sflag:s19] =	ssyncset.done $0x0  }
0xaa: {  	s29 =	sadd.s32 $0x180, s29;
	[sflag:s19] =	ssyncadd.s32 $0xFFFFC000  }
0xab: {  	[tilespmem:s24], [sflag:$0x2] =	stream.indirect.gather [hbm4b:s2+s23], $0x80, s29, s23, $0xb8;
	[tilespmem:$0x1E800] =	vst v63  }
0xac: {  	_ =	swait.ge [sflag:s21], $0x4000  }
0xad: {  	[sflag:s21] =	ssyncset.done $0x0  }
0xae: {  	[sflag:s21] =	ssyncadd.s32 $0xFFFFC000  }
0xaf: {  	[spmem:s3] =	stream.indirect.scatter.add.f32 [tilespmem:s18], [sflag:$0x3], $0x80, s25, s23, $0xb8;
	[tilespmem:$0x1E800] =	vst v63  }
0xb0: {  	_ =	swait.ge [sflag:s19], $0x4000  }
0xb1: {  	[sflag:s19] =	ssyncset.done $0x0  }
0xb2: {  	[sflag:s19] =	ssyncadd.s32 $0xFFFFC000  }
0xb3: {  	_ =	swait.ge [sflag:s22], $0x4000  }
0xb4: {  	[sflag:s22] =	ssyncset.done $0x0  }
0xb5: {  	[sflag:s22] =	ssyncadd.s32 $0xFFFFC000  }
0xb6: {  	[spmem:s3] =	stream.indirect.scatter.add.f32 [tilespmem:s24], [sflag:$0x3], $0x80, s26, s23, $0xb8;
	[tilespmem:$0x1E800] =	vst v63  }
0xb7: {  	_ =	swait.ge [sflag:s19], $0x4000  }
0xb8: {  	[sflag:s19] =	ssyncset.done $0x0  }
0xb9: {  	s28 =	simm.s32 $0x0;
	[sflag:s19] =	ssyncadd.s32 $0xFFFFC000  }
0xba: {  	[tilespmem:s28], [sflag:$0x1] =	stream.linear.gather [hbm4b:s12+s28], $0x1400, $0x38;
	[tilespmem:$0x1E800] =	vst v63  }
0xbb: {  	_ = 	snop  }
0xbc: {  	[tilespmem:s20], [sflag:$0x2] =	stream.linear.gather [hbm4b:s13+s28], $0x1400, $0x38;
	[tilespmem:$0x1E800] =	vst v63  }
0xbd: {  	_ =	swait.ge [sflag:s21], $0x1400  }
0xbe: {  	[sflag:s21] =	ssyncset.done $0x0  }
0xbf: {  	[sflag:s21] =	ssyncadd.s32 $0xFFFFEC00  }
0xc0: {  	_ =	swait.ge [sflag:s22], $0x1400  }
0xc1: {  	[sflag:s22] =	ssyncset.done $0x0  }
0xc2: {  	[sflag:s22] =	ssyncadd.s32 $0xFFFFEC00  }
0xc3: {  	[tilespmem:s18], [sflag:$0x1] =	stream.indirect.gather [hbm4b:s2+s23], $0x80, s28, s23, $0xb8;
	[tilespmem:$0x1E800] =	vst v63  }
0xc4: {  	_ = 	snop  }
0xc5: {  	[tilespmem:s24], [sflag:$0x2] =	stream.indirect.gather [hbm4b:s2+s23], $0x80, s23, s23, $0xb8;
	[tilespmem:$0x1E800] =	vst v63  }
0xc6: {  	_ =	swait.ge [sflag:s21], $0x4000  }
0xc7: {  	[sflag:s21] =	ssyncset.done $0x0  }
0xc8: {  	s28 =	simm.s32 $0x1400;
	[sflag:s21] =	ssyncadd.s32 $0xFFFFC000  }
0xc9: {  	[spmem:s3] =	stream.indirect.scatter.add.f32 [tilespmem:s18], [sflag:$0x3], $0x80, s28, s23, $0xb8;
	[tilespmem:$0x1E800] =	vst v63  }
0xca: {  	_ =	swait.ge [sflag:s19], $0x4000  }
0xcb: {  	[sflag:s19] =	ssyncset.done $0x0  }
0xcc: {  	s28 =	simm.s32 $0x100;
	[sflag:s19] =	ssyncadd.s32 $0xFFFFC000  }
0xcd: {  	[tilespmem:s18], [sflag:$0x1] =	stream.indirect.gather [hbm4b:s2+s23], $0x80, s28, s23, $0xb8;
	[tilespmem:$0x1E800] =	vst v63  }
0xce: {  	_ =	swait.ge [sflag:s22], $0x4000  }
0xcf: {  	p1 =	por $0x0, $0x0;
	[sflag:s22] =	ssyncset.done $0x0  }
.Ltmp7:
0xd0: {  	s28 =	simm.s32 $0x1480;
	[sflag:s22] =	ssyncadd.s32 $0xFFFFC000;
	(pc) =	sbr.rel @p1 .LBB2_8-.Ltmp7, $4  }
0xd1: {  	[spmem:s3] =	stream.indirect.scatter.add.f32 [tilespmem:s24], [sflag:$0x3], $0x80, s28, s23, $0xb8;
	[tilespmem:$0x1E800] =	vst v63  }
0xd2: {  	_ =	swait.ge [sflag:s19], $0x4000  }
0xd3: {  	[sflag:s19] =	ssyncset.done $0x0  }
0xd4: {  	s29 =	simm.s32 $0x180;
	s28 =	simm.s32 $0x400;
	[sflag:s19] =	ssyncadd.s32 $0xFFFFC000  }
.LBB2_7:
0xd5: {  	[tilespmem:s24], [sflag:$0x2] =	stream.indirect.gather [hbm4b:s2+s23], $0x80, s29, s23, $0xb8;
	[tilespmem:$0x1E800] =	vst v63  }
0xd6: {  	s29 =	smov.u32 s28  }
0xd7: {  	p1 =	seq.s32 s28, $0x4800;
	s28 =	sadd.s32 $0x400, s28;
	_ =	swait.ge [sflag:s21], $0x4000  }
0xd8: {  	s29 =	sshra.s32 s29, $0x2;
	[sflag:s21] =	ssyncset.done $0x0  }
0xd9: {  	s30 =	sadd.s32 $0x1400, s29;
	[sflag:s21] =	ssyncadd.s32 $0xFFFFC000  }
0xda: {  	[spmem:s3] =	stream.indirect.scatter.add.f32 [tilespmem:s18], [sflag:$0x3], $0x80, s30, s23, $0xb8;
	[tilespmem:$0x1E800] =	vst v63  }
0xdb: {  	_ =	swait.ge [sflag:s19], $0x4000  }
0xdc: {  	[sflag:s19] =	ssyncset.done $0x0  }
0xdd: {  	s30 =	sadd.s32 $0x100, s29;
	[sflag:s19] =	ssyncadd.s32 $0xFFFFC000  }
0xde: {  	[tilespmem:s18], [sflag:$0x1] =	stream.indirect.gather [hbm4b:s2+s23], $0x80, s30, s23, $0xb8;
	[tilespmem:$0x1E800] =	vst v63  }
0xdf: {  	_ =	swait.ge [sflag:s22], $0x4000  }
0xe0: {  	[sflag:s22] =	ssyncset.done $0x0  }
.Ltmp8:
0xe1: {  	s30 =	sadd.s32 $0x1480, s29;
	[sflag:s22] =	ssyncadd.s32 $0xFFFFC000;
	(pc) =	sbr.rel @!p1 .LBB2_7-.Ltmp8, $4  }
0xe2: {  	[spmem:s3] =	stream.indirect.scatter.add.f32 [tilespmem:s24], [sflag:$0x3], $0x80, s30, s23, $0xb8;
	[tilespmem:$0x1E800] =	vst v63  }
0xe3: {  	_ =	swait.ge [sflag:s19], $0x4000  }
0xe4: {  	[sflag:s19] =	ssyncset.done $0x0  }
0xe5: {  	s29 =	sadd.s32 $0x180, s29;
	[sflag:s19] =	ssyncadd.s32 $0xFFFFC000  }
.Ltmp9:
0xe6: {  	_ = 	snop;
	(pc) =	sbr.rel .LBB2_8-.Ltmp9, $1  }
0xe7: {  	_ =	sdelay $0x3  }
.LBB2_13:
0xe8: {  	_ =	sfence.sel $0x180000  }
0xe9: {  	[bflag:$0x0] =	sbarrier.arrive $0xFFFF  }
0xea: {  	p0 =	sne.s32 s0, $0x0;
	_ =	strace $0x9000004A  }
0xeb: {  	s0 =	sadd.s32 @!p0 $0x100000, s1;
	[bflag:$0x2] =	sbarrier.arrive $0xFFFF  }
0xec: {  	[sflag:s0] =	ssyncadd.tile.s32 @!p0 $0x1;
	_ =	shalt  }
.Lfunc_end2:
_tile_overlayer_lowered:
.L_overlay_start_2:
0xed: {  	(tag) =	ssettag $0x2  }
0xee: {  	s0 =	rddreg [dreg:$0x0];
	s2 =	stileid.u32  }
0xef: {  	s1 =	rddreg [dreg:$0x1];
	p0 =	sne.s32 s2, $0x0  }
0xf0: {  	s3 =	rddreg [dreg:$0x2];
	[bflag:$0x3] =	sbarrier.arrive $0xFFFF;
	s2 =	simm.s32 @!p0 $0x1C03  }
0xf1: {  	[timem:s3], [sflag:s2] =	dma.local @!p0 [hbm:s0], s1  }
0xf2: {  	s0 =	simm.s32 @!p0 $0x3  }
0xf3: {  	_ =	swait.ge @!p0 [sflag:s0], s1  }
0xf4: {  	s1 =	ssub.s32 @!p0 $0x0, s1;
	[sflag:s0] =	ssyncset.done @!p0 $0x0  }
0xf5: {  	[sflag:s0] =	ssyncadd.s32 @!p0 s1  }
0xf6: {  	[bflag:$0x3] =	sbarrier.arrive $0xFFFF  }
0xf7: {  	_ =	shalt  }

// kernel: kernel.14.cloned.1.call-start
scs
__scs_entry_jumppad:
0x0: {  	(pc) =	sbr.rel $0x88, $3  }
0x1: {  	(tag) =	ssettag $0x0;
	lr =	simm.s32 $0x1  }
0x2: {  	[smem:$0x3F9B] =	sst lr;
	_ =	strace $0xD0000000  }
0x3: {  	_ = 	snop  }
0x4: {  	_ = 	snop  }
0x5: {  	_ = 	snop  }
0x6: {  	_ = 	snop  }
0x7: {  	_ = 	snop  }
__scs_overlays_trampoline_lowered:
0x8: {  	[smem:$0x3FAA] =	sst s0  }
0x9: {  	[smem:$0x3FAB] =	sst s1  }
0xa: {  	[smem:$0x3FAC] =	sst s2  }
0xb: {  	[smem:$0x3FAD] =	sst s3  }
0xc: {  	[smem:$0x3FAE] =	sst s4  }
0xd: {  	[smem:$0x3FAF] =	sst s5  }
0xe: {  	[smem:$0x3FB0] =	sst s6  }
0xf: {  	[smem:$0x3FB1] =	sst s7  }
0x10: {  	[smem:$0x3FB2] =	sst s8  }
0x11: {  	[smem:$0x3FB3] =	sst s9;
	s0 =	simm.s32 @!p0 $0x0  }
0x12: {  	s1 =	sld [smem:$0x3F99];
	s0 =	simm.s32 @p0 $0x1  }
0x13: {  	[smem:$0x3FB4] =	sst s0;
	s0 =	simm.s32 @!p1 $0x0  }
0x14: {  	s2 =	sld [smem:$0x3F98];
	s0 =	simm.s32 @p1 $0x1  }
0x15: {  	[smem:$0x3FB5] =	sst s0;
	s0 =	simm.s32 @!p2 $0x0  }
0x16: {  	s3 =	sld [smem:$0x3FDB];
	s0 =	simm.s32 @p2 $0x1  }
0x17: {  	s4 =	simm.s32 $0x1BF5;
	[smem:$0x3FB7] =	sst s0  }
0x18: {  	s0 =	sld [smem:$0x3F9A];
	_ =	swait.ge [sflag:s4], $0x0  }
0x19: {  	s7 =	sld [smem:$0x3F9B]  }
0x1a: {  	s8 =	sadd.s32 $0xFFFFE003, lr  }
0x1b: {  	s9 =	sadd.s32 $0xFFFFFEF7, lr;
	s5 =	simm.s32 $0xFFFFFFFF;
	p2 =	slt.u32 s8, $0xFFFFF086  }
0x1c: {  	p1 =	slt.u32 s9, $0xF7A;
	s5 =	simm.s32 @!p2 $0x0  }
0x1d: {  	s5 =	simm.s32 @p1 $0x1;
	p0 =	seq.s32 s7, s2  }
0x1e: {  	s7 =	smul.u32 @!p0 $0xF7A, s2;
	p2 =	seq.s32 @!p0 s5, $0x0  }
0x1f: {  	s9 =	smul.u32 $0xF7A, s1;
	s8 =	simm.s32 @!p0 $0x1BF5;
	p2 =	por !p2, p0  }
0x20: {  	[sflag:s8] =	ssyncset.s32 @!p0 $0xFFFFF086;
	s6 =	sadd.s32 @!p0 s3, s7;
	s7 =	simm.s32 @!p0 $0x108  }
0x21: {  	s3 =	sadd.s32 s3, s9;
	s6 =	sadd.s32 @!p0 $0x88, s6;
	s7 =	simm.s32 @p2 $0x1082  }
0x22: {  	[simem:s7], [sflag:s8] =	dma.local @!p0 [hbm:s6], $0xF7A  }
0x23: {  	s9 =	sor.u32 $0xD0000000, s2;
	s6 =	simm.s32 $0x108;
	_ =	swait.ge @!p0 [sflag:s8], $0x0  }
0x24: {  	s3 =	sadd.s32 $0x88, s3;
	s6 =	simm.s32 @!p1 $0x1082;
	[sflag:s4] =	ssyncset.s32 $0xFFFFF086  }
0x25: {  	[simem:s6], [sflag:s4] =	dma.local [hbm:s3], $0xF7A  }
0x26: {  	[smem:$0x3F9B] =	sst s1;
	(tag) =	ssettag s2;
	_ =	strace s9  }
0x27: {  	s1 =	sld [smem:$0x3FAB]  }
0x28: {  	s2 =	sld [smem:$0x3FAC]  }
0x29: {  	s4 =	sld [smem:$0x3FAE]  }
0x2a: {  	p0 =	seq.s32 s5, $0x0;
	s5 =	sld [smem:$0x3FAF]  }
0x2b: {  	s6 =	sld [smem:$0x3FB0]  }
0x2c: {  	s7 =	sld [smem:$0x3FB1]  }
0x2d: {  	s3 =	simm.s32 $0x108;
	s8 =	sld [smem:$0x3FB2]  }
0x2e: {  	s3 =	simm.s32 @!p0 $0x1082;
	s9 =	sld [smem:$0x3FB3]  }
0x2f: {  	lr =	sadd.s32 s0, s3;
	s0 =	sld [smem:$0x3FAA]  }
0x30: {  	s3 =	sld [smem:$0x3FAD]  }
0x31: {  	[smem:$0x3FB6] =	sst s10  }
0x32: {  	s10 =	sld [smem:$0x3FB4];
	_ =	sdelay $0x3  }
0x33: {  	p0 =	seq.s32 s10, $0x1;
	s10 =	sld [smem:$0x3FB6];
	_ =	sdelay $0x3  }
0x34: {  	[smem:$0x3FB6] =	sst s10  }
0x35: {  	s10 =	sld [smem:$0x3FB5];
	_ =	sdelay $0x3  }
0x36: {  	p1 =	seq.s32 s10, $0x1;
	s10 =	sld [smem:$0x3FB6];
	_ =	sdelay $0x3  }
0x37: {  	[smem:$0x3FB6] =	sst s10  }
0x38: {  	s10 =	sld [smem:$0x3FB7]  }
0x39: {  	_ = 	snop;
	(pc) =	sbr.ind lr, $3  }
0x3a: {  	_ = 	snop  }
0x3b: {  	_ = 	snop  }
0x3c: {  	p2 =	seq.s32 s10, $0x1;
	s10 =	sld [smem:$0x3FB6]  }
0x3d: {  	_ =	shalt  }
0x3e: {  	_ =	shalt  }
0x3f: {  	_ =	shalt  }
0x40: {  	_ =	shalt  }
0x41: {  	_ =	shalt  }
0x42: {  	_ =	shalt  }
0x43: {  	_ =	shalt  }
0x44: {  	_ =	shalt  }
0x45: {  	_ =	shalt  }
0x46: {  	_ =	shalt  }
0x47: {  	_ =	shalt  }
0x48: {  	_ =	shalt  }
0x49: {  	_ =	shalt  }
0x4a: {  	_ =	shalt  }
0x4b: {  	_ =	shalt  }
0x4c: {  	_ =	shalt  }
0x4d: {  	_ =	shalt  }
0x4e: {  	_ =	shalt  }
0x4f: {  	_ =	shalt  }
0x50: {  	_ =	shalt  }
0x51: {  	_ =	shalt  }
0x52: {  	_ =	shalt  }
0x53: {  	_ =	shalt  }
0x54: {  	_ =	shalt  }
0x55: {  	_ =	shalt  }
0x56: {  	_ =	shalt  }
0x57: {  	_ =	shalt  }
0x58: {  	_ =	shalt  }
0x59: {  	_ =	shalt  }
0x5a: {  	_ =	shalt  }
0x5b: {  	_ =	shalt  }
0x5c: {  	_ =	shalt  }
0x5d: {  	_ =	shalt  }
0x5e: {  	_ =	shalt  }
0x5f: {  	_ =	shalt  }
0x60: {  	_ =	shalt  }
0x61: {  	_ =	shalt  }
0x62: {  	_ =	shalt  }
0x63: {  	_ =	shalt  }
0x64: {  	_ =	shalt  }
0x65: {  	_ =	shalt  }
0x66: {  	_ =	shalt  }
0x67: {  	_ =	shalt  }
0x68: {  	_ =	shalt  }
0x69: {  	_ =	shalt  }
0x6a: {  	_ =	shalt  }
0x6b: {  	_ =	shalt  }
0x6c: {  	_ =	shalt  }
0x6d: {  	_ =	shalt  }
0x6e: {  	_ =	shalt  }
0x6f: {  	_ =	shalt  }
0x70: {  	_ =	shalt  }
0x71: {  	_ =	shalt  }
0x72: {  	_ =	shalt  }
0x73: {  	_ =	shalt  }
0x74: {  	_ =	shalt  }
0x75: {  	_ =	shalt  }
0x76: {  	_ =	shalt  }
0x77: {  	_ =	shalt  }
0x78: {  	_ =	shalt  }
0x79: {  	_ =	shalt  }
0x7a: {  	_ =	shalt  }
0x7b: {  	_ =	shalt  }
0x7c: {  	_ =	shalt  }
0x7d: {  	_ =	shalt  }
0x7e: {  	_ =	shalt  }
0x7f: {  	_ =	shalt  }
0x80: {  	_ =	shalt  }
0x81: {  	_ =	shalt  }
0x82: {  	_ =	shalt  }
0x83: {  	_ =	shalt  }
0x84: {  	_ =	shalt  }
0x85: {  	_ =	shalt  }
0x86: {  	_ =	shalt  }
0x87: {  	_ =	shalt  }
.Lfunc_end0:
.L_simem_size_0:
called_computation.2_lowered:
.L_overlay_start_0:
0x88: {  	s2 =	sld [smem:$0x3FD9]  }
0x89: {  	s3 =	sld [smem:$0x3FFE];
	_ =	sdelay $0x1  }
0x8a: {  	s1 =	srdreg.scid  }
0x8b: {  	s0 =	sand.u32 $0x1, s1  }
0x8c: {  	s17 =	sshll.u32 s0, $0xA;
	s2 =	sadd.s32 s3, s2  }
0x8d: {  	s2 =	sadd.s32 s2, s17  }
0x8e: {  	[smem:$0x3FC2] =	sst s2  }
0x8f: {  	_ = 	snop  }
0x90: {  	s2 =	sld [smem:$0x3FD0];
	(tm) =	ssettm $0x1  }
0x91: {  	s18 =	sld [smem:$0x3FFB];
	_ =	sdelay $0x3  }
0x92: {  	_ =	strace s18  }
0x93: {  	s3 =	sld [smem:$0x3FFC];
	_ =	sdelay $0x3  }
0x94: {  	_ =	strace s3  }
0x95: {  	s3 =	sld [smem:$0x3FFD];
	_ =	sdelay $0x3  }
0x96: {  	_ =	strace s3  }
0x97: {  	_ =	strace $0x8FFFFFFF  }
0x98: {  	s19 =	sld [smem:$0x3FDB];
	_ =	sdelay $0x1  }
0x99: {  	s4 =	simm.s32 $_scs_section_size  }
0x9a: {  	s5 =	simm.s32 $_size__tile_overlayer_lowered;
	s6 =	simm.s32 $_tile_overlayer_lowered  }
0x9b: {  	s22 =	simm.s32 $0x1BFF;
	s21 =	sshll.u32 s6, $0x1;
	s3 =	sadd.s32 s4, s19  }
0x9c: {  	s7 =	simm.s32 $0x0;
	s20 =	sshll.u32 s5, $0x1;
	s5 =	sadd.s32 s21, s3  }
0x9d: {  	[timem:s7], [sflag:s22] =	dma.local [hbm:s5], s20  }
0x9e: {  	_ =	swait.ge [sflag:s22], s20  }
0x9f: {  	s4 =	ssub.s32 $0x0, s20;
	[sflag:s22] =	ssyncset.done $0x0  }
0xa0: {  	[sflag:s22] =	ssyncadd.s32 s4;
	_ =	sdelay $0x1  }
0xa1: {  	s23 =	simm.s32 $0x1B8B  }
0xa2: {  	_ =	swait.ge [sflag:s23], $0x1  }
0xa3: {  	[sflag:s23] =	ssyncset.done $0x0  }
0xa4: {  	s25 =	simm.s32 $0x1B8E;
	s24 =	sld [smem:$0x3FFE];
	[sflag:s23] =	ssyncadd.s32 $0xFFFFFFFF  }
0xa5: {  	s26 =	simm.s32 $execute0_lowered;
	[smem:$0x3FD2] =	sst s25  }
0xa6: {  	s5 =	sshll.u32 s26, $0x1;
	_ =	strace $0x8000004C;
	[dreg:$0x1] =	wrdreg $0xFFFFFFFF  }
0xa7: {  	s28 =	simm.s32 $_size_execute0_lowered;
	s3 =	sadd.s32 s3, s5;
	[dreg:$0x0] =	wrdreg $0x0  }
0xa8: {  	s5 =	sshll.u32 s28, $0x1;
	[dreg:$0x2] =	wrdreg s3  }
0xa9: {  	[dreg:$0x3] =	wrdreg s5  }
0xaa: {  	[dreg:$0x4] =	wrdreg $0xC0  }
0xab: {  	_ =	task [dreg:s7], $0x5FFFF  }
0xac: {  	[dreg:$0x1] =	wrdreg $0xFFFFFFFF  }
0xad: {  	[dreg:$0x0] =	wrdreg $0x60  }
0xae: {  	[dreg:$0x2] =	wrdreg s2  }
0xaf: {  	[dreg:$0x3] =	wrdreg s24  }
0xb0: {  	[dreg:$0x4] =	wrdreg $0xA8000  }
0xb1: {  	[dreg:$0x5] =	wrdreg $0x9  }
0xb2: {  	_ =	task.clear_ibuf [dreg:s7], $0x6FFFF;
	_ =	strace $0x9000004C  }
0xb3: {  	s29 =	simm.s32 $0x9;
	_ =	strace $0x8000004E  }
0xb4: {  	_ =	swait.ge [sflag:s29], $0x1  }
0xb5: {  	[sflag:s29] =	ssyncadd.s32 $0xFFFFFFFF  }
0xb6: {  	_ =	strace $0x9000004E  }
0xb7: {  	_ =	sfence  }
0xb8: {  	s30 =	sld [smem:$0x0];
	_ =	sdelay $0x2  }
0xb9: {  	s31 =	sshll.u32 s1, $0xD;
	s1 =	sshrl.u32 s1, $0x2  }
0xba: {  	s3 =	sand.u32 $0x4000, s31;
	s1 =	sadd.s32 s1, s30  }
0xbb: {  	s0 =	sor.u32 s3, s0;
	s1 =	sshll.u32 s1, $0x11  }
0xbc: {  	s0 =	sor.u32 s1, s0  }
0xbd: {  	s0 =	sadd.s32 $0x8F2B, s0  }
0xbe: {  	[sflag:s0] =	ssyncadd.remote.s32 $0x1  }
0xbf: {  	_ =	sfence.sel $0xFFFF  }
0xc0: {  	[dreg:$0x0] =	wrdreg $0xFFFFFFFF;
	(pc) =	sbr.abs _section_cstart, $3  }
0xc1: {  	[dreg:$0x1] =	wrdreg $0xFFFFFFFF  }
0xc2: {  	_ =	task.clear_ibuf [dreg:s7], $0x2FFFF;
	_ =	strace $0x9FFFFFFF  }
0xc3: {  	(tm) =	ssettm $0x7FFFFFFF  }
tec
execute0_lowered:
.L_overlay_start_1:
0x0: {  	(tag) =	ssettag $0x1  }
0x1: {  	s2 =	rddreg [dreg:$0x0]  }
0x2: {  	s15 =	rddreg [dreg:$0x1]  }
0x3: {  	s0 =	srdreg.scid;
	s3 =	rddreg [dreg:$0x2]  }
0x4: {  	s4 =	simm.s32 $0x0;
	s19 =	simm.s32 $0x3;
	s20 =	simm.s32 $0x1400  }
0x5: {  	s21 =	simm.s32 $0x1;
	s22 =	simm.s32 $0x2;
	s23 =	simm.s32 $0x80  }
0x6: {  	s24 =	simm.s32 $0x6800;
	s25 =	simm.s32 $0x2700;
	s5 =	sand.u32 $0x1, s0  }
0x7: {  	s26 =	simm.s32 $0x2780;
	s0 =	stileid.u32;
	s7 =	smul.u32 $0x140000, s5  }
0x8: {  	[smem:$0x7FF] =	sst s4;
	s14 =	sadd.s32 $0xC100, s15;
	s8 =	smul.u32 $0x14000, s0  }
0x9: {  	s1 =	sshll.u32 s5, $0x4;
	s9 =	smul.u32 $0x50000, s0;
	s29 =	ssub.s32 $0x2, s5  }
0xa: {  	s18 =	sor.u32 s0, s1;
	s1 =	rddreg [dreg:$0x3];
	_ =	strace $0x8000004D  }
0xb: {  	s31 =	sshrl.u32 s29, $0x1;
	s6 =	smul.u32 $0x2800, s18;
	s28 =	sadd.s32 s8, s7  }
0xc: {  	s30 =	sshrl.u32 s9, $0x2;
	s17 =	ssub.s32 s29, s31;
	p0 =	seq.s32 s18, $0x1F  }
0xd: {  	s18 =	simm.s32 $0x2800;
	s5 =	sadd.s32 s30, s3;
	s17 =	smax.u32 s17, $0x1  }
.Ltmp0:
0xe: {  	s6 =	sshrl.u32 s6, $0x3;
	s7 =	sadd.s32 $0x8000, s5;
	(pc) =	sbr.rel .LBB2_1-.Ltmp0, $4  }
0xf: {  	s8 =	sadd.s32 $0xC000, s5;
	s13 =	sadd.s32 s6, s15;
	s6 =	sshrl.u32 s28, $0x3  }
0x10: {  	s9 =	sadd.s32 $0x10000, s5;
	s16 =	sadd.s32 s6, s15;
	s6 =	sadd.s32 $0x4000, s5  }
0x11: {  	s10 =	sadd.s32 $0x2600, s13;
	s11 =	sadd.s32 $0xC280, s13;
	s12 =	sadd.s32 $0x2880, s13  }
0x12: {  	v0 =	vimm.f32 $0.0e+00;
	s13 =	sadd.s32 $0xC500, s13;
	s15 =	sadd.s32 $0x15D80, s15;
	s16 =	sadd.s32 $0x16000, s16  }
.LBB2_8:
0x13: {  	[tilespmem:s24], [sflag:$0x2] =	stream.indirect.gather [hbm4b:s2+s23], $0x80, s29, s23, $0xb8;
	[tilespmem:$0x1E800] =	vst v63  }
0x14: {  	s28 =	simm.s32 $0x2780;
	s29 =	simm.s32 $0x2700  }
.LBB2_12:
0x15: {  	_ =	swait.ge [sflag:s21], $0x4000  }
0x16: {  	[sflag:s21] =	ssyncset.done $0x0  }
0x17: {  	[sflag:s21] =	ssyncadd.s32 $0xFFFFC000  }
0x18: {  	[spmem:s3] =	stream.indirect.scatter.add.f32 [tilespmem:s18], [sflag:$0x3], $0x80, s29, s23, $0xb8;
	[tilespmem:$0x1E800] =	vst v63  }
0x19: {  	_ =	swait.ge [sflag:s19], $0x4000  }
0x1a: {  	[sflag:s19] =	ssyncset.done $0x0  }
0x1b: {  	[sflag:s19] =	ssyncadd.s32 $0xFFFFC000  }
0x1c: {  	_ =	swait.ge [sflag:s22], $0x4000  }
0x1d: {  	[sflag:s22] =	ssyncset.done $0x0  }
0x1e: {  	[sflag:s22] =	ssyncadd.s32 $0xFFFFC000  }
0x1f: {  	[spmem:s3] =	stream.indirect.scatter.add.f32 [tilespmem:s24], [sflag:$0x3], $0x80, s28, s23, $0xb8;
	[tilespmem:$0x1E800] =	vst v63  }
0x20: {  	_ =	swait.ge [sflag:s19], $0x4000  }
0x21: {  	s30 =	sshll.u32 s0, $0x6;
	s4 =	sadd.s32 $0x1, s4;
	[sflag:s19] =	ssyncset.done $0x0  }
0x22: {  	s31 =	sshrl.u32 s5, $0x3;
	p1 =	sne.s32 s4, s17;
	[sflag:s19] =	ssyncadd.s32 $0xFFFFC000  }
.Ltmp1:
0x23: {  	s28 =	sor.u32 $0x1C03, s30;
	[bflag:$0x0] =	sbarrier.arrive $0xFFFF;
	(pc) =	sbr.rel @!p1 .LBB2_13-.Ltmp1, $4  }
0x24: {  	[hbm:s16], [sflag:s28] =	dma.local [spmem:s31], $0x2800  }
0x25: {  	_ =	swait.ge [sflag:s19], $0x2800  }
0x26: {  	[sflag:s19] =	ssyncset.done $0x0  }
0x27: {  	[sflag:s19] =	ssyncadd.s32 $0xFFFFD800  }
.LBB2_1:
0x28: {  	s28 =	simm.s32 $0x0;
	s29 =	simm.s32 $0x200  }
.LBB2_2:
0x29: {  	p1 =	sne.s32 s29, $0xFE00;
	[tilespmem:s28+$0x2870] =	vst v0  }
0x2a: {  	[tilespmem:s28+$0x2800] =	vst v0  }
0x2b: {  	[tilespmem:s28+$0x2810] =	vst v0  }
.Ltmp2:
0x2c: {  	[tilespmem:s28+$0x2820] =	vst v0;
	(pc) =	sbr.rel @p1 .LBB2_2-.Ltmp2, $4  }
0x2d: {  	[tilespmem:s28+$0x2830] =	vst v0  }
0x2e: {  	[tilespmem:s28+$0x2840] =	vst v0  }
0x2f: {  	[tilespmem:s28+$0x2850] =	vst v0  }
0x30: {  	[tilespmem:s28+$0x2860] =	vst v0;
	s28 =	sshra.s32 s29, $0x2;
	s29 =	sadd.s32 $0x200, s29  }
0x31: {  	[tilespmem:s28+$0x2870] =	vst v0  }
0x32: {  	[tilespmem:s28+$0x2800] =	vst v0  }
0x33: {  	[tilespmem:s28+$0x2810] =	vst v0  }
0x34: {  	[tilespmem:s28+$0x2820] =	vst v0  }
0x35: {  	[tilespmem:s28+$0x2830] =	vst v0  }
0x36: {  	[tilespmem:s28+$0x2840] =	vst v0  }
0x37: {  	[tilespmem:s28+$0x2850] =	vst v0  }
0x38: {  	[tilespmem:s28+$0x2860] =	vst v0  }
0x39: {  	[spmem:s5] =	stream.linear.scatter [tilespmem:s18], [sflag:$0x3], $0x4000, $0x38;
	[tilespmem:$0x1E800] =	vst v63  }
0x3a: {  	_ =	swait.ge [sflag:s19], $0x4000  }
0x3b: {  	[sflag:s19] =	ssyncset.done $0x0  }
0x3c: {  	[sflag:s19] =	ssyncadd.s32 $0xFFFFC000  }
0x3d: {  	[spmem:s6] =	stream.linear.scatter [tilespmem:s18], [sflag:$0x3], $0x4000, $0x38;
	[tilespmem:$0x1E800] =	vst v63  }
0x3e: {  	_ =	swait.ge [sflag:s19], $0x4000  }
0x3f: {  	[sflag:s19] =	ssyncset.done $0x0  }
0x40: {  	[sflag:s19] =	ssyncadd.s32 $0xFFFFC000  }
0x41: {  	[spmem:s7] =	stream.linear.scatter [tilespmem:s18], [sflag:$0x3], $0x4000, $0x38;
	[tilespmem:$0x1E800] =	vst v63  }
0x42: {  	_ =	swait.ge [sflag:s19], $0x4000  }
0x43: {  	[sflag:s19] =	ssyncset.done $0x0  }
0x44: {  	[sflag:s19] =	ssyncadd.s32 $0xFFFFC000  }
0x45: {  	[spmem:s8] =	stream.linear.scatter [tilespmem:s18], [sflag:$0x3], $0x4000, $0x38;
	[tilespmem:$0x1E800] =	vst v63  }
0x46: {  	_ =	swait.ge [sflag:s19], $0x4000  }
0x47: {  	[sflag:s19] =	ssyncset.done $0x0  }
0x48: {  	[sflag:s19] =	ssyncadd.s32 $0xFFFFC000  }
0x49: {  	[spmem:s9] =	stream.linear.scatter [tilespmem:s18], [sflag:$0x3], $0x4000, $0x38;
	[tilespmem:$0x1E800] =	vst v63  }
.Ltmp3:
0x4a: {  	_ =	swait.ge [sflag:s19], $0x4000;
	(pc) =	sbr.rel @!p0 .LBB2_4-.Ltmp3, $4  }
0x4b: {  	[sflag:s19] =	ssyncset.done $0x0  }
0x4c: {  	[sflag:s19] =	ssyncadd.s32 $0xFFFFC000  }
0x4d: {  	[bflag:$0x0] =	sbarrier.arrive $0xFFFF  }
0x4e: {  	s28 =	simm.s32 $0x0  }
0x4f: {  	[tilespmem:s28], [sflag:$0x1] =	stream.linear.gather [hbm4b:s14+s28], $0xC00, $0x38;
	[tilespmem:$0x1E800] =	vst v63  }
0x50: {  	_ = 	snop  }
0x51: {  	[tilespmem:s20], [sflag:$0x2] =	stream.linear.gather [hbm4b:s15+s28], $0xC00, $0x38;
	[tilespmem:$0x1E800] =	vst v63  }
0x52: {  	_ =	swait.ge [sflag:s21], $0xC00  }
0x53: {  	[sflag:s21] =	ssyncset.done $0x0  }
0x54: {  	[sflag:s21] =	ssyncadd.s32 $0xFFFFF400  }
0x55: {  	_ =	swait.ge [sflag:s22], $0xC00  }
0x56: {  	[sflag:s22] =	ssyncset.done $0x0  }
0x57: {  	[sflag:s22] =	ssyncadd.s32 $0xFFFFF400  }
0x58: {  	[tilespmem:s18], [sflag:$0x1] =	stream.indirect.gather [hbm4b:s2+s23], $0x80, s28, s23, $0xb8;
	[tilespmem:$0x1E800] =	vst v63  }
0x59: {  	_ = 	snop  }
0x5a: {  	[tilespmem:s24], [sflag:$0x2] =	stream.indirect.gather [hbm4b:s2+s23], $0x80, s23, s23, $0xb8;
	[tilespmem:$0x1E800] =	vst v63  }
0x5b: {  	_ =	swait.ge [sflag:s21], $0x4000  }
0x5c: {  	[sflag:s21] =	ssyncset.done $0x0  }
0x5d: {  	s28 =	simm.s32 $0x1400;
	[sflag:s21] =	ssyncadd.s32 $0xFFFFC000  }
0x5e: {  	[spmem:s3] =	stream.indirect.scatter.add.f32 [tilespmem:s18], [sflag:$0x3], $0x80, s28, s23, $0xb8;
	[tilespmem:$0x1E800] =	vst v63  }
0x5f: {  	_ =	swait.ge [sflag:s19], $0x4000  }
0x60: {  	[sflag:s19] =	ssyncset.done $0x0  }
0x61: {  	s28 =	simm.s32 $0x100;
	[sflag:s19] =	ssyncadd.s32 $0xFFFFC000  }
0x62: {  	[tilespmem:s18], [sflag:$0x1] =	stream.indirect.gather [hbm4b:s2+s23], $0x80, s28, s23, $0xb8;
	[tilespmem:$0x1E800] =	vst v63  }
0x63: {  	_ =	swait.ge [sflag:s22], $0x4000  }
0x64: {  	[sflag:s22] =	ssyncset.done $0x0  }
0x65: {  	s28 =	simm.s32 $0x1480;
	[sflag:s22] =	ssyncadd.s32 $0xFFFFC000  }
0x66: {  	[spmem:s3] =	stream.indirect.scatter.add.f32 [tilespmem:s24], [sflag:$0x3], $0x80, s28, s23, $0xb8;
	[tilespmem:$0x1E800] =	vst v63  }
0x67: {  	_ =	swait.ge [sflag:s19], $0x4000  }
0x68: {  	[sflag:s19] =	ssyncset.done $0x0  }
0x69: {  	s29 =	simm.s32 $0x180;
	s28 =	simm.s32 $0x400;
	[sflag:s19] =	ssyncadd.s32 $0xFFFFC000  }
.LBB2_10:
0x6a: {  	[tilespmem:s24], [sflag:$0x2] =	stream.indirect.gather [hbm4b:s2+s23], $0x80, s29, s23, $0xb8;
	[tilespmem:$0x1E800] =	vst v63  }
0x6b: {  	s29 =	smov.u32 s28  }
0x6c: {  	p1 =	sne.s32 s28, $0x2800;
	s28 =	sadd.s32 $0x400, s28;
	_ =	swait.ge [sflag:s21], $0x4000  }
0x6d: {  	s29 =	sshra.s32 s29, $0x2;
	[sflag:s21] =	ssyncset.done $0x0  }
0x6e: {  	s30 =	sadd.s32 $0x1400, s29;
	[sflag:s21] =	ssyncadd.s32 $0xFFFFC000  }
0x6f: {  	[spmem:s3] =	stream.indirect.scatter.add.f32 [tilespmem:s18], [sflag:$0x3], $0x80, s30, s23, $0xb8;
	[tilespmem:$0x1E800] =	vst v63  }
0x70: {  	_ =	swait.ge [sflag:s19], $0x4000  }
0x71: {  	[sflag:s19] =	ssyncset.done $0x0  }
0x72: {  	s30 =	sadd.s32 $0x100, s29;
	[sflag:s19] =	ssyncadd.s32 $0xFFFFC000  }
0x73: {  	[tilespmem:s18], [sflag:$0x1] =	stream.indirect.gather [hbm4b:s2+s23], $0x80, s30, s23, $0xb8;
	[tilespmem:$0x1E800] =	vst v63  }
0x74: {  	_ =	swait.ge [sflag:s22], $0x4000  }
0x75: {  	[sflag:s22] =	ssyncset.done $0x0  }
.Ltmp4:
0x76: {  	s30 =	sadd.s32 $0x1480, s29;
	[sflag:s22] =	ssyncadd.s32 $0xFFFFC000;
	(pc) =	sbr.rel @p1 .LBB2_10-.Ltmp4, $4  }
0x77: {  	[spmem:s3] =	stream.indirect.scatter.add.f32 [tilespmem:s24], [sflag:$0x3], $0x80, s30, s23, $0xb8;
	[tilespmem:$0x1E800] =	vst v63  }
0x78: {  	_ =	swait.ge [sflag:s19], $0x4000  }
0x79: {  	[sflag:s19] =	ssyncset.done $0x0  }
0x7a: {  	s29 =	sadd.s32 $0x180, s29;
	[sflag:s19] =	ssyncadd.s32 $0xFFFFC000  }
.Ltmp5:
0x7b: {  	(pc) =	sbr.rel .LBB2_12-.Ltmp5, $3  }
0x7c: {  	_ =	sdelay $0x1  }
0x7d: {  	[tilespmem:s24], [sflag:$0x2] =	stream.indirect.gather [hbm4b:s2+s23], $0x80, s29, s23, $0xb8;
	[tilespmem:$0x1E800] =	vst v63  }
0x7e: {  	s28 =	simm.s32 $0x1F80;
	s29 =	simm.s32 $0x1F00  }
.LBB2_4:
0x7f: {  	[tilespmem:s28], [sflag:$0x1] =	stream.linear.gather [hbm4b:s10+s28], $0x1400, $0x38;
	[tilespmem:$0x1E800] =	vst v63  }
0x80: {  	_ = 	snop  }
0x81: {  	[tilespmem:s20], [sflag:$0x2] =	stream.linear.gather [hbm4b:s11+s28], $0x1400, $0x38;
	[tilespmem:$0x1E800] =	vst v63  }
0x82: {  	_ =	swait.ge [sflag:s21], $0x1400  }
0x83: {  	[sflag:s21] =	ssyncset.done $0x0  }
0x84: {  	[sflag:s21] =	ssyncadd.s32 $0xFFFFEC00  }
0x85: {  	_ =	swait.ge [sflag:s22], $0x1400  }
0x86: {  	[sflag:s22] =	ssyncset.done $0x0  }
0x87: {  	[sflag:s22] =	ssyncadd.s32 $0xFFFFEC00  }
0x88: {  	[tilespmem:s18], [sflag:$0x1] =	stream.indirect.gather [hbm4b:s2+s23], $0x80, s28, s23, $0xb8;
	[tilespmem:$0x1E800] =	vst v63  }
0x89: {  	_ = 	snop  }
0x8a: {  	[tilespmem:s24], [sflag:$0x2] =	stream.indirect.gather [hbm4b:s2+s23], $0x80, s23, s23, $0xb8;
	[tilespmem:$0x1E800] =	vst v63  }
0x8b: {  	_ =	swait.ge [sflag:s21], $0x4000  }
0x8c: {  	[sflag:s21] =	ssyncset.done $0x0  }
0x8d: {  	s28 =	simm.s32 $0x1400;
	[sflag:s21] =	ssyncadd.s32 $0xFFFFC000  }
0x8e: {  	[spmem:s3] =	stream.indirect.scatter.add.f32 [tilespmem:s18], [sflag:$0x3], $0x80, s28, s23, $0xb8;
	[tilespmem:$0x1E800] =	vst v63  }
0x8f: {  	_ =	swait.ge [sflag:s19], $0x4000  }
0x90: {  	[sflag:s19] =	ssyncset.done $0x0  }
0x91: {  	s28 =	simm.s32 $0x100;
	[sflag:s19] =	ssyncadd.s32 $0xFFFFC000  }
0x92: {  	[tilespmem:s18], [sflag:$0x1] =	stream.indirect.gather [hbm4b:s2+s23], $0x80, s28, s23, $0xb8;
	[tilespmem:$0x1E800] =	vst v63  }
0x93: {  	_ =	swait.ge [sflag:s22], $0x4000  }
0x94: {  	[sflag:s22] =	ssyncset.done $0x0  }
0x95: {  	s28 =	simm.s32 $0x1480;
	[sflag:s22] =	ssyncadd.s32 $0xFFFFC000  }
0x96: {  	[spmem:s3] =	stream.indirect.scatter.add.f32 [tilespmem:s24], [sflag:$0x3], $0x80, s28, s23, $0xb8;
	[tilespmem:$0x1E800] =	vst v63  }
0x97: {  	_ =	swait.ge [sflag:s19], $0x4000  }
0x98: {  	[sflag:s19] =	ssyncset.done $0x0  }
0x99: {  	s29 =	simm.s32 $0x180;
	s28 =	simm.s32 $0x400;
	[sflag:s19] =	ssyncadd.s32 $0xFFFFC000  }
.LBB2_5:
0x9a: {  	[tilespmem:s24], [sflag:$0x2] =	stream.indirect.gather [hbm4b:s2+s23], $0x80, s29, s23, $0xb8;
	[tilespmem:$0x1E800] =	vst v63  }
0x9b: {  	s29 =	smov.u32 s28  }
0x9c: {  	p1 =	sne.s32 s28, $0x4800;
	s28 =	sadd.s32 $0x400, s28;
	_ =	swait.ge [sflag:s21], $0x4000  }
0x9d: {  	s29 =	sshra.s32 s29, $0x2;
	[sflag:s21] =	ssyncset.done $0x0  }
0x9e: {  	s30 =	sadd.s32 $0x1400, s29;
	[sflag:s21] =	ssyncadd.s32 $0xFFFFC000  }
0x9f: {  	[spmem:s3] =	stream.indirect.scatter.add.f32 [tilespmem:s18], [sflag:$0x3], $0x80, s30, s23, $0xb8;
	[tilespmem:$0x1E800] =	vst v63  }
0xa0: {  	_ =	swait.ge [sflag:s19], $0x4000  }
0xa1: {  	[sflag:s19] =	ssyncset.done $0x0  }
0xa2: {  	s30 =	sadd.s32 $0x100, s29;
	[sflag:s19] =	ssyncadd.s32 $0xFFFFC000  }
0xa3: {  	[tilespmem:s18], [sflag:$0x1] =	stream.indirect.gather [hbm4b:s2+s23], $0x80, s30, s23, $0xb8;
	[tilespmem:$0x1E800] =	vst v63  }
0xa4: {  	_ =	swait.ge [sflag:s22], $0x4000  }
0xa5: {  	[sflag:s22] =	ssyncset.done $0x0  }
.Ltmp6:
0xa6: {  	s30 =	sadd.s32 $0x1480, s29;
	[sflag:s22] =	ssyncadd.s32 $0xFFFFC000;
	(pc) =	sbr.rel @p1 .LBB2_5-.Ltmp6, $4  }
0xa7: {  	[spmem:s3] =	stream.indirect.scatter.add.f32 [tilespmem:s24], [sflag:$0x3], $0x80, s30, s23, $0xb8;
	[tilespmem:$0x1E800] =	vst v63  }
0xa8: {  	_ =	swait.ge [sflag:s19], $0x4000  }
0xa9: {  	[sflag:s19] =	ssyncset.done $0x0  }
0xaa: {  	s29 =	sadd.s32 $0x180, s29;
	[sflag:s19] =	ssyncadd.s32 $0xFFFFC000  }
0xab: {  	[tilespmem:s24], [sflag:$0x2] =	stream.indirect.gather [hbm4b:s2+s23], $0x80, s29, s23, $0xb8;
	[tilespmem:$0x1E800] =	vst v63  }
0xac: {  	_ =	swait.ge [sflag:s21], $0x4000  }
0xad: {  	[sflag:s21] =	ssyncset.done $0x0  }
0xae: {  	[sflag:s21] =	ssyncadd.s32 $0xFFFFC000  }
0xaf: {  	[spmem:s3] =	stream.indirect.scatter.add.f32 [tilespmem:s18], [sflag:$0x3], $0x80, s25, s23, $0xb8;
	[tilespmem:$0x1E800] =	vst v63  }
0xb0: {  	_ =	swait.ge [sflag:s19], $0x4000  }
0xb1: {  	[sflag:s19] =	ssyncset.done $0x0  }
0xb2: {  	[sflag:s19] =	ssyncadd.s32 $0xFFFFC000  }
0xb3: {  	_ =	swait.ge [sflag:s22], $0x4000  }
0xb4: {  	[sflag:s22] =	ssyncset.done $0x0  }
0xb5: {  	[sflag:s22] =	ssyncadd.s32 $0xFFFFC000  }
0xb6: {  	[spmem:s3] =	stream.indirect.scatter.add.f32 [tilespmem:s24], [sflag:$0x3], $0x80, s26, s23, $0xb8;
	[tilespmem:$0x1E800] =	vst v63  }
0xb7: {  	_ =	swait.ge [sflag:s19], $0x4000  }
0xb8: {  	[sflag:s19] =	ssyncset.done $0x0  }
0xb9: {  	s28 =	simm.s32 $0x0;
	[sflag:s19] =	ssyncadd.s32 $0xFFFFC000  }
0xba: {  	[tilespmem:s28], [sflag:$0x1] =	stream.linear.gather [hbm4b:s12+s28], $0x1400, $0x38;
	[tilespmem:$0x1E800] =	vst v63  }
0xbb: {  	_ = 	snop  }
0xbc: {  	[tilespmem:s20], [sflag:$0x2] =	stream.linear.gather [hbm4b:s13+s28], $0x1400, $0x38;
	[tilespmem:$0x1E800] =	vst v63  }
0xbd: {  	_ =	swait.ge [sflag:s21], $0x1400  }
0xbe: {  	[sflag:s21] =	ssyncset.done $0x0  }
0xbf: {  	[sflag:s21] =	ssyncadd.s32 $0xFFFFEC00  }
0xc0: {  	_ =	swait.ge [sflag:s22], $0x1400  }
0xc1: {  	[sflag:s22] =	ssyncset.done $0x0  }
0xc2: {  	[sflag:s22] =	ssyncadd.s32 $0xFFFFEC00  }
0xc3: {  	[tilespmem:s18], [sflag:$0x1] =	stream.indirect.gather [hbm4b:s2+s23], $0x80, s28, s23, $0xb8;
	[tilespmem:$0x1E800] =	vst v63  }
0xc4: {  	_ = 	snop  }
0xc5: {  	[tilespmem:s24], [sflag:$0x2] =	stream.indirect.gather [hbm4b:s2+s23], $0x80, s23, s23, $0xb8;
	[tilespmem:$0x1E800] =	vst v63  }
0xc6: {  	_ =	swait.ge [sflag:s21], $0x4000  }
0xc7: {  	[sflag:s21] =	ssyncset.done $0x0  }
0xc8: {  	s28 =	simm.s32 $0x1400;
	[sflag:s21] =	ssyncadd.s32 $0xFFFFC000  }
0xc9: {  	[spmem:s3] =	stream.indirect.scatter.add.f32 [tilespmem:s18], [sflag:$0x3], $0x80, s28, s23, $0xb8;
	[tilespmem:$0x1E800] =	vst v63  }
0xca: {  	_ =	swait.ge [sflag:s19], $0x4000  }
0xcb: {  	[sflag:s19] =	ssyncset.done $0x0  }
0xcc: {  	s28 =	simm.s32 $0x100;
	[sflag:s19] =	ssyncadd.s32 $0xFFFFC000  }
0xcd: {  	[tilespmem:s18], [sflag:$0x1] =	stream.indirect.gather [hbm4b:s2+s23], $0x80, s28, s23, $0xb8;
	[tilespmem:$0x1E800] =	vst v63  }
0xce: {  	_ =	swait.ge [sflag:s22], $0x4000  }
0xcf: {  	p1 =	por $0x0, $0x0;
	[sflag:s22] =	ssyncset.done $0x0  }
.Ltmp7:
0xd0: {  	s28 =	simm.s32 $0x1480;
	[sflag:s22] =	ssyncadd.s32 $0xFFFFC000;
	(pc) =	sbr.rel @p1 .LBB2_8-.Ltmp7, $4  }
0xd1: {  	[spmem:s3] =	stream.indirect.scatter.add.f32 [tilespmem:s24], [sflag:$0x3], $0x80, s28, s23, $0xb8;
	[tilespmem:$0x1E800] =	vst v63  }
0xd2: {  	_ =	swait.ge [sflag:s19], $0x4000  }
0xd3: {  	[sflag:s19] =	ssyncset.done $0x0  }
0xd4: {  	s29 =	simm.s32 $0x180;
	s28 =	simm.s32 $0x400;
	[sflag:s19] =	ssyncadd.s32 $0xFFFFC000  }
.LBB2_7:
0xd5: {  	[tilespmem:s24], [sflag:$0x2] =	stream.indirect.gather [hbm4b:s2+s23], $0x80, s29, s23, $0xb8;
	[tilespmem:$0x1E800] =	vst v63  }
0xd6: {  	s29 =	smov.u32 s28  }
0xd7: {  	p1 =	seq.s32 s28, $0x4800;
	s28 =	sadd.s32 $0x400, s28;
	_ =	swait.ge [sflag:s21], $0x4000  }
0xd8: {  	s29 =	sshra.s32 s29, $0x2;
	[sflag:s21] =	ssyncset.done $0x0  }
0xd9: {  	s30 =	sadd.s32 $0x1400, s29;
	[sflag:s21] =	ssyncadd.s32 $0xFFFFC000  }
0xda: {  	[spmem:s3] =	stream.indirect.scatter.add.f32 [tilespmem:s18], [sflag:$0x3], $0x80, s30, s23, $0xb8;
	[tilespmem:$0x1E800] =	vst v63  }
0xdb: {  	_ =	swait.ge [sflag:s19], $0x4000  }
0xdc: {  	[sflag:s19] =	ssyncset.done $0x0  }
0xdd: {  	s30 =	sadd.s32 $0x100, s29;
	[sflag:s19] =	ssyncadd.s32 $0xFFFFC000  }
0xde: {  	[tilespmem:s18], [sflag:$0x1] =	stream.indirect.gather [hbm4b:s2+s23], $0x80, s30, s23, $0xb8;
	[tilespmem:$0x1E800] =	vst v63  }
0xdf: {  	_ =	swait.ge [sflag:s22], $0x4000  }
0xe0: {  	[sflag:s22] =	ssyncset.done $0x0  }
.Ltmp8:
0xe1: {  	s30 =	sadd.s32 $0x1480, s29;
	[sflag:s22] =	ssyncadd.s32 $0xFFFFC000;
	(pc) =	sbr.rel @!p1 .LBB2_7-.Ltmp8, $4  }
0xe2: {  	[spmem:s3] =	stream.indirect.scatter.add.f32 [tilespmem:s24], [sflag:$0x3], $0x80, s30, s23, $0xb8;
	[tilespmem:$0x1E800] =	vst v63  }
0xe3: {  	_ =	swait.ge [sflag:s19], $0x4000  }
0xe4: {  	[sflag:s19] =	ssyncset.done $0x0  }
0xe5: {  	s29 =	sadd.s32 $0x180, s29;
	[sflag:s19] =	ssyncadd.s32 $0xFFFFC000  }
.Ltmp9:
0xe6: {  	_ = 	snop;
	(pc) =	sbr.rel .LBB2_8-.Ltmp9, $1  }
0xe7: {  	_ =	sdelay $0x3  }
.LBB2_13:
0xe8: {  	_ =	sfence.sel $0x180000  }
0xe9: {  	[bflag:$0x0] =	sbarrier.arrive $0xFFFF  }
0xea: {  	p0 =	sne.s32 s0, $0x0;
	_ =	strace $0x9000004D  }
0xeb: {  	s0 =	sadd.s32 @!p0 $0x100000, s1;
	[bflag:$0x2] =	sbarrier.arrive $0xFFFF  }
0xec: {  	[sflag:s0] =	ssyncadd.tile.s32 @!p0 $0x1;
	_ =	shalt  }
.Lfunc_end2:
_tile_overlayer_lowered:
.L_overlay_start_2:
0xed: {  	(tag) =	ssettag $0x2  }
0xee: {  	s0 =	rddreg [dreg:$0x0];
	s2 =	stileid.u32  }
0xef: {  	s1 =	rddreg [dreg:$0x1];
	p0 =	sne.s32 s2, $0x0  }
0xf0: {  	s3 =	rddreg [dreg:$0x2];
	[bflag:$0x3] =	sbarrier.arrive $0xFFFF;
	s2 =	simm.s32 @!p0 $0x1C03  }
0xf1: {  	[timem:s3], [sflag:s2] =	dma.local @!p0 [hbm:s0], s1  }
0xf2: {  	s0 =	simm.s32 @!p0 $0x3  }
0xf3: {  	_ =	swait.ge @!p0 [sflag:s0], s1  }
0xf4: {  	s1 =	ssub.s32 @!p0 $0x0, s1;
	[sflag:s0] =	ssyncset.done @!p0 $0x0  }
0xf5: {  	[sflag:s0] =	ssyncadd.s32 @!p0 s1  }
0xf6: {  	[bflag:$0x3] =	sbarrier.arrive $0xFFFF  }
0xf7: {  	_ =	shalt  }

// kernel: kernel.8.cloned.1.call-start
scs
__scs_entry_jumppad:
0x0: {  	(pc) =	sbr.rel $0x88, $3  }
0x1: {  	(tag) =	ssettag $0x0;
	lr =	simm.s32 $0x1  }
0x2: {  	[smem:$0x3F9B] =	sst lr;
	_ =	strace $0xD0000000  }
0x3: {  	_ = 	snop  }
0x4: {  	_ = 	snop  }
0x5: {  	_ = 	snop  }
0x6: {  	_ = 	snop  }
0x7: {  	_ = 	snop  }
__scs_overlays_trampoline_lowered:
0x8: {  	[smem:$0x3FAA] =	sst s0  }
0x9: {  	[smem:$0x3FAB] =	sst s1  }
0xa: {  	[smem:$0x3FAC] =	sst s2  }
0xb: {  	[smem:$0x3FAD] =	sst s3  }
0xc: {  	[smem:$0x3FAE] =	sst s4  }
0xd: {  	[smem:$0x3FAF] =	sst s5  }
0xe: {  	[smem:$0x3FB0] =	sst s6  }
0xf: {  	[smem:$0x3FB1] =	sst s7  }
0x10: {  	[smem:$0x3FB2] =	sst s8  }
0x11: {  	[smem:$0x3FB3] =	sst s9;
	s0 =	simm.s32 @!p0 $0x0  }
0x12: {  	s1 =	sld [smem:$0x3F99];
	s0 =	simm.s32 @p0 $0x1  }
0x13: {  	[smem:$0x3FB4] =	sst s0;
	s0 =	simm.s32 @!p1 $0x0  }
0x14: {  	s2 =	sld [smem:$0x3F98];
	s0 =	simm.s32 @p1 $0x1  }
0x15: {  	[smem:$0x3FB5] =	sst s0;
	s0 =	simm.s32 @!p2 $0x0  }
0x16: {  	s3 =	sld [smem:$0x3FDB];
	s0 =	simm.s32 @p2 $0x1  }
0x17: {  	s4 =	simm.s32 $0x1BF5;
	[smem:$0x3FB7] =	sst s0  }
0x18: {  	s0 =	sld [smem:$0x3F9A];
	_ =	swait.ge [sflag:s4], $0x0  }
0x19: {  	s7 =	sld [smem:$0x3F9B]  }
0x1a: {  	s8 =	sadd.s32 $0xFFFFE003, lr  }
0x1b: {  	s9 =	sadd.s32 $0xFFFFFEF7, lr;
	s5 =	simm.s32 $0xFFFFFFFF;
	p2 =	slt.u32 s8, $0xFFFFF086  }
0x1c: {  	p1 =	slt.u32 s9, $0xF7A;
	s5 =	simm.s32 @!p2 $0x0  }
0x1d: {  	s5 =	simm.s32 @p1 $0x1;
	p0 =	seq.s32 s7, s2  }
0x1e: {  	s7 =	smul.u32 @!p0 $0xF7A, s2;
	p2 =	seq.s32 @!p0 s5, $0x0  }
0x1f: {  	s9 =	smul.u32 $0xF7A, s1;
	s8 =	simm.s32 @!p0 $0x1BF5;
	p2 =	por !p2, p0  }
0x20: {  	[sflag:s8] =	ssyncset.s32 @!p0 $0xFFFFF086;
	s6 =	sadd.s32 @!p0 s3, s7;
	s7 =	simm.s32 @!p0 $0x108  }
0x21: {  	s3 =	sadd.s32 s3, s9;
	s6 =	sadd.s32 @!p0 $0x88, s6;
	s7 =	simm.s32 @p2 $0x1082  }
0x22: {  	[simem:s7], [sflag:s8] =	dma.local @!p0 [hbm:s6], $0xF7A  }
0x23: {  	s9 =	sor.u32 $0xD0000000, s2;
	s6 =	simm.s32 $0x108;
	_ =	swait.ge @!p0 [sflag:s8], $0x0  }
0x24: {  	s3 =	sadd.s32 $0x88, s3;
	s6 =	simm.s32 @!p1 $0x1082;
	[sflag:s4] =	ssyncset.s32 $0xFFFFF086  }
0x25: {  	[simem:s6], [sflag:s4] =	dma.local [hbm:s3], $0xF7A  }
0x26: {  	[smem:$0x3F9B] =	sst s1;
	(tag) =	ssettag s2;
	_ =	strace s9  }
0x27: {  	s1 =	sld [smem:$0x3FAB]  }
0x28: {  	s2 =	sld [smem:$0x3FAC]  }
0x29: {  	s4 =	sld [smem:$0x3FAE]  }
0x2a: {  	p0 =	seq.s32 s5, $0x0;
	s5 =	sld [smem:$0x3FAF]  }
0x2b: {  	s6 =	sld [smem:$0x3FB0]  }
0x2c: {  	s7 =	sld [smem:$0x3FB1]  }
0x2d: {  	s3 =	simm.s32 $0x108;
	s8 =	sld [smem:$0x3FB2]  }
0x2e: {  	s3 =	simm.s32 @!p0 $0x1082;
	s9 =	sld [smem:$0x3FB3]  }
0x2f: {  	lr =	sadd.s32 s0, s3;
	s0 =	sld [smem:$0x3FAA]  }
0x30: {  	s3 =	sld [smem:$0x3FAD]  }
0x31: {  	[smem:$0x3FB6] =	sst s10  }
0x32: {  	s10 =	sld [smem:$0x3FB4];
	_ =	sdelay $0x3  }
0x33: {  	p0 =	seq.s32 s10, $0x1;
	s10 =	sld [smem:$0x3FB6];
	_ =	sdelay $0x3  }
0x34: {  	[smem:$0x3FB6] =	sst s10  }
0x35: {  	s10 =	sld [smem:$0x3FB5];
	_ =	sdelay $0x3  }
0x36: {  	p1 =	seq.s32 s10, $0x1;
	s10 =	sld [smem:$0x3FB6];
	_ =	sdelay $0x3  }
0x37: {  	[smem:$0x3FB6] =	sst s10  }
0x38: {  	s10 =	sld [smem:$0x3FB7]  }
0x39: {  	_ = 	snop;
	(pc) =	sbr.ind lr, $3  }
0x3a: {  	_ = 	snop  }
0x3b: {  	_ = 	snop  }
0x3c: {  	p2 =	seq.s32 s10, $0x1;
	s10 =	sld [smem:$0x3FB6]  }
0x3d: {  	_ =	shalt  }
0x3e: {  	_ =	shalt  }
0x3f: {  	_ =	shalt  }
0x40: {  	_ =	shalt  }
0x41: {  	_ =	shalt  }
0x42: {  	_ =	shalt  }
0x43: {  	_ =	shalt  }
0x44: {  	_ =	shalt  }
0x45: {  	_ =	shalt  }
0x46: {  	_ =	shalt  }
0x47: {  	_ =	shalt  }
0x48: {  	_ =	shalt  }
0x49: {  	_ =	shalt  }
0x4a: {  	_ =	shalt  }
0x4b: {  	_ =	shalt  }
0x4c: {  	_ =	shalt  }
0x4d: {  	_ =	shalt  }
0x4e: {  	_ =	shalt  }
0x4f: {  	_ =	shalt  }
0x50: {  	_ =	shalt  }
0x51: {  	_ =	shalt  }
0x52: {  	_ =	shalt  }
0x53: {  	_ =	shalt  }
0x54: {  	_ =	shalt  }
0x55: {  	_ =	shalt  }
0x56: {  	_ =	shalt  }
0x57: {  	_ =	shalt  }
0x58: {  	_ =	shalt  }
0x59: {  	_ =	shalt  }
0x5a: {  	_ =	shalt  }
0x5b: {  	_ =	shalt  }
0x5c: {  	_ =	shalt  }
0x5d: {  	_ =	shalt  }
0x5e: {  	_ =	shalt  }
0x5f: {  	_ =	shalt  }
0x60: {  	_ =	shalt  }
0x61: {  	_ =	shalt  }
0x62: {  	_ =	shalt  }
0x63: {  	_ =	shalt  }
0x64: {  	_ =	shalt  }
0x65: {  	_ =	shalt  }
0x66: {  	_ =	shalt  }
0x67: {  	_ =	shalt  }
0x68: {  	_ =	shalt  }
0x69: {  	_ =	shalt  }
0x6a: {  	_ =	shalt  }
0x6b: {  	_ =	shalt  }
0x6c: {  	_ =	shalt  }
0x6d: {  	_ =	shalt  }
0x6e: {  	_ =	shalt  }
0x6f: {  	_ =	shalt  }
0x70: {  	_ =	shalt  }
0x71: {  	_ =	shalt  }
0x72: {  	_ =	shalt  }
0x73: {  	_ =	shalt  }
0x74: {  	_ =	shalt  }
0x75: {  	_ =	shalt  }
0x76: {  	_ =	shalt  }
0x77: {  	_ =	shalt  }
0x78: {  	_ =	shalt  }
0x79: {  	_ =	shalt  }
0x7a: {  	_ =	shalt  }
0x7b: {  	_ =	shalt  }
0x7c: {  	_ =	shalt  }
0x7d: {  	_ =	shalt  }
0x7e: {  	_ =	shalt  }
0x7f: {  	_ =	shalt  }
0x80: {  	_ =	shalt  }
0x81: {  	_ =	shalt  }
0x82: {  	_ =	shalt  }
0x83: {  	_ =	shalt  }
0x84: {  	_ =	shalt  }
0x85: {  	_ =	shalt  }
0x86: {  	_ =	shalt  }
0x87: {  	_ =	shalt  }
.Lfunc_end0:
.L_simem_size_0:
called_computation_lowered:
.L_overlay_start_0:
0x88: {  	s2 =	sld [smem:$0x3FD9]  }
0x89: {  	s3 =	sld [smem:$0x3FFE];
	_ =	sdelay $0x1  }
0x8a: {  	s1 =	srdreg.scid  }
0x8b: {  	s0 =	sand.u32 $0x1, s1  }
0x8c: {  	s17 =	sshll.u32 s0, $0xA;
	s2 =	sadd.s32 s3, s2  }
0x8d: {  	s2 =	sadd.s32 s2, s17  }
0x8e: {  	[smem:$0x3FC2] =	sst s2  }
0x8f: {  	_ = 	snop  }
0x90: {  	s2 =	sld [smem:$0x3FD0];
	(tm) =	ssettm $0x1  }
0x91: {  	s18 =	sld [smem:$0x3FFB];
	_ =	sdelay $0x3  }
0x92: {  	_ =	strace s18  }
0x93: {  	s3 =	sld [smem:$0x3FFC];
	_ =	sdelay $0x3  }
0x94: {  	_ =	strace s3  }
0x95: {  	s3 =	sld [smem:$0x3FFD];
	_ =	sdelay $0x3  }
0x96: {  	_ =	strace s3  }
0x97: {  	_ =	strace $0x8FFFFFFF  }
0x98: {  	s19 =	sld [smem:$0x3FDB];
	_ =	sdelay $0x1  }
0x99: {  	s4 =	simm.s32 $_scs_section_size  }
0x9a: {  	s5 =	simm.s32 $_size__tile_overlayer_lowered;
	s6 =	simm.s32 $_tile_overlayer_lowered  }
0x9b: {  	s22 =	simm.s32 $0x1BFF;
	s21 =	sshll.u32 s6, $0x1;
	s3 =	sadd.s32 s4, s19  }
0x9c: {  	s7 =	simm.s32 $0x0;
	s20 =	sshll.u32 s5, $0x1;
	s5 =	sadd.s32 s21, s3  }
0x9d: {  	[timem:s7], [sflag:s22] =	dma.local [hbm:s5], s20  }
0x9e: {  	_ =	swait.ge [sflag:s22], s20  }
0x9f: {  	s4 =	ssub.s32 $0x0, s20;
	[sflag:s22] =	ssyncset.done $0x0  }
0xa0: {  	[sflag:s22] =	ssyncadd.s32 s4;
	_ =	sdelay $0x1  }
0xa1: {  	s23 =	simm.s32 $0x1B8B  }
0xa2: {  	_ =	swait.ge [sflag:s23], $0x1  }
0xa3: {  	[sflag:s23] =	ssyncset.done $0x0  }
0xa4: {  	s25 =	simm.s32 $0x1B8E;
	s24 =	sld [smem:$0x3FFE];
	[sflag:s23] =	ssyncadd.s32 $0xFFFFFFFF  }
0xa5: {  	s26 =	simm.s32 $execute0_lowered;
	[smem:$0x3FD2] =	sst s25  }
0xa6: {  	s5 =	sshll.u32 s26, $0x1;
	_ =	strace $0x80000046;
	[dreg:$0x1] =	wrdreg $0xFFFFFFFF  }
0xa7: {  	s28 =	simm.s32 $_size_execute0_lowered;
	s3 =	sadd.s32 s3, s5;
	[dreg:$0x0] =	wrdreg $0x0  }
0xa8: {  	s5 =	sshll.u32 s28, $0x1;
	[dreg:$0x2] =	wrdreg s3  }
0xa9: {  	[dreg:$0x3] =	wrdreg s5  }
0xaa: {  	[dreg:$0x4] =	wrdreg $0xC0  }
0xab: {  	_ =	task [dreg:s7], $0x5FFFF  }
0xac: {  	[dreg:$0x1] =	wrdreg $0xFFFFFFFF  }
0xad: {  	[dreg:$0x0] =	wrdreg $0x60  }
0xae: {  	[dreg:$0x2] =	wrdreg s24  }
0xaf: {  	[dreg:$0x3] =	wrdreg s2  }
0xb0: {  	[dreg:$0x4] =	wrdreg $0x9  }
0xb1: {  	_ =	task.clear_ibuf [dreg:s7], $0x5FFFF;
	_ =	strace $0x90000046  }
0xb2: {  	s29 =	simm.s32 $0x9;
	_ =	strace $0x80000048  }
0xb3: {  	_ =	swait.ge [sflag:s29], $0x1  }
0xb4: {  	[sflag:s29] =	ssyncadd.s32 $0xFFFFFFFF  }
0xb5: {  	_ =	strace $0x90000048  }
0xb6: {  	_ =	sfence  }
0xb7: {  	s30 =	sld [smem:$0x0];
	_ =	sdelay $0x2  }
0xb8: {  	s31 =	sshll.u32 s1, $0xD;
	s1 =	sshrl.u32 s1, $0x2  }
0xb9: {  	s3 =	sand.u32 $0x4000, s31;
	s1 =	sadd.s32 s1, s30  }
0xba: {  	s0 =	sor.u32 s3, s0;
	s1 =	sshll.u32 s1, $0x11  }
0xbb: {  	s0 =	sor.u32 s1, s0  }
0xbc: {  	s0 =	sadd.s32 $0x8F2B, s0  }
0xbd: {  	[sflag:s0] =	ssyncadd.remote.s32 $0x1  }
0xbe: {  	_ =	sfence.sel $0xFFFF  }
0xbf: {  	[dreg:$0x0] =	wrdreg $0xFFFFFFFF;
	(pc) =	sbr.abs _section_cstart, $3  }
0xc0: {  	[dreg:$0x1] =	wrdreg $0xFFFFFFFF  }
0xc1: {  	_ =	task.clear_ibuf [dreg:s7], $0x2FFFF;
	_ =	strace $0x9FFFFFFF  }
0xc2: {  	(tm) =	ssettm $0x7FFFFFFF  }
0xc3: {  	_ =	shalt  }
tec
execute0_lowered:
.L_overlay_start_1:
0x0: {  	(tag) =	ssettag $0x1  }
0x1: {  	s0 =	srdreg.scid;
	s5 =	rddreg [dreg:$0x0]  }
0x2: {  	s6 =	rddreg [dreg:$0x1];
	s1 =	stileid.u32  }
0x3: {  	s2 =	simm.s32 $0x0;
	s3 =	sand.u32 $0x1, s0;
	s0 =	rddreg [dreg:$0x2]  }
0x4: {  	s11 =	simm.s32 $0x400;
	[smem:$0x7FF] =	sst s2;
	s4 =	sshll.u32 s3, $0x4  }
0x5: {  	s9 =	sshll.u32 s1, $0x7;
	_ =	strace $0x80000047;
	s8 =	sor.u32 s1, s4  }
0x6: {  	s3 =	ssub.s32 $0x2, s3;
	s4 =	smul.u32 $0x2800, s8;
	s7 =	sshrl.u32 s8, $0x3  }
0x7: {  	s9 =	sand.u32 $0x380, s9;
	s10 =	sshrl.u32 s3, $0x1;
	s7 =	smul.u32 $0x14000, s7  }
.Ltmp0:
0x8: {  	s31 =	ssub.s32 s3, s10;
	p0 =	seq.s32 s8, $0x1F;
	(pc) =	sbr.rel .LBB2_1-.Ltmp0, $4  }
0x9: {  	s8 =	simm.s32 $0x1;
	s10 =	simm.s32 $0x80;
	s4 =	sshrl.u32 s4, $0x3  }
0xa: {  	s4 =	sadd.s32 s4, s5;
	s7 =	sor.u32 s9, s7;
	s5 =	sadd.s32 $0x15D80, s5  }
0xb: {  	s9 =	simm.s32 $0x1400;
	s3 =	sadd.s32 $0xC280, s4;
	s7 =	sshrl.u32 s7, $0x3  }
0xc: {  	v0 =	vimm.f32 $0.0e+00;
	v1 =	vimm.f32 $1.000000000e+00;
	s4 =	sadd.s32 $0xC500, s4;
	s6 =	sadd.s32 s6, s7;
	s7 =	smax.u32 s31, $0x1  }
.LBB2_10:
0xd: {  	s2 =	sadd.s32 $0x1, s2  }
0xe: {  	p1 =	sne.s32 s2, s7  }
.Ltmp1:
0xf: {  	_ = 	snop;
	(pc) =	sbr.rel @!p1 .LBB2_11-.Ltmp1, $4  }
0x10: {  	[hbm4b:s6+s10] =	stream.strided.scatter [tilespmem:s9], [sflag:$0x1], $0x2800, s11, s10, $0x38;
	[tilespmem:$0x3C00] =	vst v63  }
0x11: {  	_ =	swait.ge [sflag:s8], $0x2800  }
0x12: {  	[sflag:s8] =	ssyncset.done $0x0  }
0x13: {  	[sflag:s8] =	ssyncadd.s32 $0xFFFFD800  }
.LBB2_1:
0x14: {  	s12 =	simm.s32 $0x40;
	s13 =	simm.s32 $0x0  }
.LBB2_2:
0x15: {  	p1 =	sne.s32 s12, $0x9FC0;
	[tilespmem:s13+$0x1400] =	vst v0;
	s13 =	smov.u32 s12;
	s12 =	sadd.s32 $0x40, s12  }
.Ltmp2:
0x16: {  	(pc) =	sbr.rel @p1 .LBB2_2-.Ltmp2, $2  }
0x17: {  	_ =	sdelay $0x2  }
0x18: {  	s13 =	sshra.s32 s13, $0x2  }
.Ltmp3:
0x19: {  	(pc) =	sbr.rel @!p0 .LBB2_4-.Ltmp3, $2  }
0x1a: {  	_ =	sdelay $0x2  }
0x1b: {  	[tilespmem:s13+$0x1400] =	vst v0;
	s12 =	simm.s32 $0x0  }
0x1c: {  	[tilespmem:s12], [sflag:$0x1] =	stream.linear.gather [hbm4b:s5+s12], $0xC00, $0x38;
	[tilespmem:$0x3C00] =	vst v63  }
0x1d: {  	_ =	swait.ge [sflag:s8], $0xC00  }
0x1e: {  	[sflag:s8] =	ssyncset.done $0x0  }
0x1f: {  	[sflag:s8] =	ssyncadd.s32 $0xFFFFF400  }
.LBB2_9:
0x20: {  	s13 =	sshra.s32 s12, $0x2  }
0x21: {  	v2 =	vld [tilespmem:s13+$0x0];
	_ =	sdelay $0x7  }
0x22: {  	[tilespmem:v2+s9+$0x0] =	vst.idx.add.f32.msk $0xffff, v1  }
0x23: {  	v2 =	vld [tilespmem:s13+$0x10];
	_ =	sdelay $0x7  }
0x24: {  	[tilespmem:v2+s9+$0x0] =	vst.idx.add.f32.msk $0xffff, v1  }
0x25: {  	v2 =	vld [tilespmem:s13+$0x20];
	_ =	sdelay $0x7  }
0x26: {  	[tilespmem:v2+s9+$0x0] =	vst.idx.add.f32.msk $0xffff, v1  }
0x27: {  	v2 =	vld [tilespmem:s13+$0x30];
	_ =	sdelay $0x7  }
0x28: {  	[tilespmem:v2+s9+$0x0] =	vst.idx.add.f32.msk $0xffff, v1  }
0x29: {  	v2 =	vld [tilespmem:s13+$0x40];
	_ =	sdelay $0x7  }
0x2a: {  	[tilespmem:v2+s9+$0x0] =	vst.idx.add.f32.msk $0xffff, v1  }
0x2b: {  	v2 =	vld [tilespmem:s13+$0x50];
	_ =	sdelay $0x7  }
0x2c: {  	[tilespmem:v2+s9+$0x0] =	vst.idx.add.f32.msk $0xffff, v1  }
0x2d: {  	v2 =	vld [tilespmem:s13+$0x60];
	_ =	sdelay $0x7  }
0x2e: {  	[tilespmem:v2+s9+$0x0] =	vst.idx.add.f32.msk $0xffff, v1  }
0x2f: {  	v2 =	vld [tilespmem:s13+$0x70];
	_ =	sdelay $0x2  }
0x30: {  	p1 =	sne.s32 s12, $0x2E00  }
.Ltmp4:
0x31: {  	_ = 	snop;
	(pc) =	sbr.rel @p1 .LBB2_9-.Ltmp4, $2  }
0x32: {  	_ =	sdelay $0x2  }
0x33: {  	s12 =	sadd.s32 $0x200, s12;
	[tilespmem:v2+s9+$0x0] =	vst.idx.add.f32.msk $0xffff, v1  }
.Ltmp5:
0x34: {  	_ = 	snop;
	(pc) =	sbr.rel .LBB2_10-.Ltmp5, $1  }
0x35: {  	_ =	sdelay $0x3  }
.LBB2_4:
0x36: {  	[tilespmem:s12], [sflag:$0x1] =	stream.linear.gather [hbm4b:s3+s12], $0x1400, $0x38;
	[tilespmem:$0x3C00] =	vst v63  }
0x37: {  	_ =	swait.ge [sflag:s8], $0x1400  }
0x38: {  	[sflag:s8] =	ssyncset.done $0x0  }
0x39: {  	[sflag:s8] =	ssyncadd.s32 $0xFFFFEC00  }
.LBB2_5:
0x3a: {  	s13 =	sshra.s32 s12, $0x2  }
0x3b: {  	v2 =	vld [tilespmem:s13+$0x0];
	_ =	sdelay $0x7  }
0x3c: {  	[tilespmem:v2+s9+$0x0] =	vst.idx.add.f32.msk $0xffff, v1  }
0x3d: {  	v2 =	vld [tilespmem:s13+$0x10];
	_ =	sdelay $0x7  }
0x3e: {  	[tilespmem:v2+s9+$0x0] =	vst.idx.add.f32.msk $0xffff, v1  }
0x3f: {  	v2 =	vld [tilespmem:s13+$0x20];
	_ =	sdelay $0x7  }
0x40: {  	[tilespmem:v2+s9+$0x0] =	vst.idx.add.f32.msk $0xffff, v1  }
0x41: {  	v2 =	vld [tilespmem:s13+$0x30];
	_ =	sdelay $0x7  }
0x42: {  	[tilespmem:v2+s9+$0x0] =	vst.idx.add.f32.msk $0xffff, v1  }
0x43: {  	v2 =	vld [tilespmem:s13+$0x40];
	_ =	sdelay $0x7  }
0x44: {  	[tilespmem:v2+s9+$0x0] =	vst.idx.add.f32.msk $0xffff, v1  }
0x45: {  	v2 =	vld [tilespmem:s13+$0x50];
	_ =	sdelay $0x7  }
0x46: {  	[tilespmem:v2+s9+$0x0] =	vst.idx.add.f32.msk $0xffff, v1  }
0x47: {  	v2 =	vld [tilespmem:s13+$0x60];
	_ =	sdelay $0x7  }
0x48: {  	[tilespmem:v2+s9+$0x0] =	vst.idx.add.f32.msk $0xffff, v1  }
0x49: {  	v2 =	vld [tilespmem:s13+$0x70];
	_ =	sdelay $0x2  }
0x4a: {  	p1 =	sne.s32 s12, $0x4E00  }
.Ltmp6:
0x4b: {  	_ = 	snop;
	(pc) =	sbr.rel @p1 .LBB2_5-.Ltmp6, $2  }
0x4c: {  	_ =	sdelay $0x2  }
0x4d: {  	s12 =	sadd.s32 $0x200, s12;
	[tilespmem:v2+s9+$0x0] =	vst.idx.add.f32.msk $0xffff, v1  }
0x4e: {  	s12 =	simm.s32 $0x0  }
0x4f: {  	[tilespmem:s12], [sflag:$0x1] =	stream.linear.gather [hbm4b:s4+s12], $0x1400, $0x38;
	[tilespmem:$0x3C00] =	vst v63  }
0x50: {  	_ =	swait.ge [sflag:s8], $0x1400  }
0x51: {  	[sflag:s8] =	ssyncset.done $0x0  }
0x52: {  	[sflag:s8] =	ssyncadd.s32 $0xFFFFEC00  }
.LBB2_7:
0x53: {  	s13 =	sshra.s32 s12, $0x2  }
0x54: {  	v2 =	vld [tilespmem:s13+$0x0];
	_ =	sdelay $0x7  }
0x55: {  	[tilespmem:v2+s9+$0x0] =	vst.idx.add.f32.msk $0xffff, v1  }
0x56: {  	v2 =	vld [tilespmem:s13+$0x10];
	_ =	sdelay $0x7  }
0x57: {  	[tilespmem:v2+s9+$0x0] =	vst.idx.add.f32.msk $0xffff, v1  }
0x58: {  	v2 =	vld [tilespmem:s13+$0x20];
	_ =	sdelay $0x7  }
0x59: {  	[tilespmem:v2+s9+$0x0] =	vst.idx.add.f32.msk $0xffff, v1  }
0x5a: {  	v2 =	vld [tilespmem:s13+$0x30];
	_ =	sdelay $0x7  }
0x5b: {  	[tilespmem:v2+s9+$0x0] =	vst.idx.add.f32.msk $0xffff, v1  }
0x5c: {  	v2 =	vld [tilespmem:s13+$0x40];
	_ =	sdelay $0x7  }
0x5d: {  	[tilespmem:v2+s9+$0x0] =	vst.idx.add.f32.msk $0xffff, v1  }
0x5e: {  	v2 =	vld [tilespmem:s13+$0x50];
	_ =	sdelay $0x7  }
0x5f: {  	[tilespmem:v2+s9+$0x0] =	vst.idx.add.f32.msk $0xffff, v1  }
0x60: {  	v2 =	vld [tilespmem:s13+$0x60];
	_ =	sdelay $0x7  }
0x61: {  	[tilespmem:v2+s9+$0x0] =	vst.idx.add.f32.msk $0xffff, v1  }
0x62: {  	v2 =	vld [tilespmem:s13+$0x70];
	_ =	sdelay $0x2  }
0x63: {  	p1 =	seq.s32 s12, $0x4E00  }
.Ltmp7:
0x64: {  	_ = 	snop;
	(pc) =	sbr.rel @!p1 .LBB2_7-.Ltmp7, $2  }
0x65: {  	_ =	sdelay $0x2  }
0x66: {  	s12 =	sadd.s32 $0x200, s12;
	[tilespmem:v2+s9+$0x0] =	vst.idx.add.f32.msk $0xffff, v1  }
.Ltmp8:
0x67: {  	_ = 	snop;
	(pc) =	sbr.rel .LBB2_10-.Ltmp8, $1  }
0x68: {  	_ =	sdelay $0x3  }
.LBB2_11:
0x69: {  	_ =	sfence.sel $0x180000  }
0x6a: {  	[bflag:$0x0] =	sbarrier.arrive $0xFFFF  }
0x6b: {  	p0 =	sne.s32 s1, $0x0;
	_ =	strace $0x90000047  }
0x6c: {  	s0 =	sadd.s32 @!p0 $0x100000, s0;
	[bflag:$0x2] =	sbarrier.arrive $0xFFFF  }
0x6d: {  	[sflag:s0] =	ssyncadd.tile.s32 @!p0 $0x1;
	_ =	shalt  }
.Lfunc_end2:
_tile_overlayer_lowered:
.L_overlay_start_2:
0x6e: {  	(tag) =	ssettag $0x2  }
0x6f: {  	s0 =	rddreg [dreg:$0x0];
	s2 =	stileid.u32  }
0x70: {  	s1 =	rddreg [dreg:$0x1];
	p0 =	sne.s32 s2, $0x0  }
0x71: {  	s3 =	rddreg [dreg:$0x2];
	[bflag:$0x3] =	sbarrier.arrive $0xFFFF;
	s2 =	simm.s32 @!p0 $0x1C01  }
0x72: {  	[timem:s3], [sflag:s2] =	dma.local @!p0 [hbm:s0], s1  }
0x73: {  	s0 =	simm.s32 @!p0 $0x1  }
0x74: {  	_ =	swait.ge @!p0 [sflag:s0], s1  }
0x75: {  	s1 =	ssub.s32 @!p0 $0x0, s1;
	[sflag:s0] =	ssyncset.done @!p0 $0x0  }
0x76: {  	[sflag:s0] =	ssyncadd.s32 @!p0 s1  }
0x77: {  	[bflag:$0x3] =	sbarrier.arrive $0xFFFF  }
0x78: {  	_ =	shalt  }

</sc_bundles>
